<compile_context>
chip_gen: v7x
topology: tpu7x:2x2x1
jax: 0.10.2.dev20260603
libtpu: 0.0.44.dev20260713+nightly
codegen_flags: <defaults>
</compile_context>

<pallas_src>
import functools

import jax
import jax.numpy as jnp
from jax import lax
from jax.experimental import pallas as pl
from jax.experimental.pallas import tpu as pltpu
from jax.experimental.pallas import tpu_sc as plsc

N = 10000
E = 320000
D = 128
L = 3
G = 64

NP = 10112
RB = 79
NT = 32
CPT = 79
CH = 128
EPT = CPT * CH
EP = NT * EPT
RPS = NP // 16

_mesh = plsc.VectorSubcoreMesh(core_axis_name="c", subcore_axis_name="s",
                               num_cores=2, num_subcores=16)


@functools.partial(
    pl.kernel,
    out_type=jax.ShapeDtypeStruct((NT, NP), jnp.float32),
    mesh=_mesh,
    scratch_types=[
        pltpu.VMEM((EPT,), jnp.int32),
        pltpu.VMEM((NP,), jnp.float32),
    ],
    compiler_params=pltpu.CompilerParams(needs_layout_passes=False),
)
def _deg_sc(dst_hbm, zeros_hbm, out_hbm, dst_v, hist):
    c = lax.axis_index("c")
    s = lax.axis_index("s")
    wid = s * 2 + c
    pltpu.sync_copy(zeros_hbm, hist)
    pltpu.sync_copy(dst_hbm.at[wid], dst_v)

    ones = jnp.full((16,), 1.0, jnp.float32)

    def step(i, carry):
        idx = dst_v[pl.ds(i * 16, 16)]
        plsc.addupdate_scatter(hist, [idx], ones)
        return carry

    lax.fori_loop(0, EPT // 16, step, 0)
    pltpu.sync_copy(hist, out_hbm.at[wid])


@functools.partial(
    pl.kernel,
    out_type=jax.ShapeDtypeStruct((2, NP, D), jnp.float32),
    mesh=_mesh,
    scratch_types=[
        pltpu.VMEM((40, CH), jnp.int32),
        pltpu.VMEM((40, CH), jnp.int32),
        pltpu.VMEM((CH, D), jnp.float32),
        pltpu.VMEM((CH, D), jnp.float32),
        pltpu.VMEM_SHARED((NP, D), jnp.float32),
        pltpu.SemaphoreType.DMA,
        pltpu.SemaphoreType.DMA,
    ],
)
def _agg_sc(ht_hbm, src_hbm, dst_hbm, zeros_hbm, out_hbm,
            src_v, dst_v, rows0, rows1, acc, sem0, sem1):
    c = lax.axis_index("c")
    s = lax.axis_index("s")
    wid = c * 16 + s
    pltpu.sync_copy(zeros_hbm, acc.at[pl.ds(s * RPS, RPS)])
    plsc.subcore_barrier()

    for base, S in ((0, 40), (40, 39)):
        pltpu.sync_copy(src_hbm.at[wid, pl.ds(base, S)],
                        src_v.at[pl.ds(0, S)])
        pltpu.sync_copy(dst_hbm.at[wid, pl.ds(base, S)],
                        dst_v.at[pl.ds(0, S)])
        pltpu.async_copy(ht_hbm.at[src_v.at[0]], rows0, sem0)
        pltpu.async_copy(ht_hbm.at[src_v.at[1]], rows1, sem1)

        def body(k, carry, S=S):
            a = 2 * k
            b = a + 1
            pltpu.make_async_copy(ht_hbm.at[src_v.at[a]], rows0, sem0).wait()
            pltpu.sync_copy(rows0, acc.at[dst_v.at[a]], add=True)

            @pl.when(a + 2 < S)
            def _next0():
                pltpu.async_copy(ht_hbm.at[src_v.at[a + 2]], rows0, sem0)

            pltpu.make_async_copy(ht_hbm.at[src_v.at[b]], rows1, sem1).wait()
            pltpu.sync_copy(rows1, acc.at[dst_v.at[b]], add=True)

            @pl.when(b + 2 < S)
            def _next1():
                pltpu.async_copy(ht_hbm.at[src_v.at[b + 2]], rows1, sem1)

            return carry

        lax.fori_loop(0, S // 2, body, 0)
        if S % 2:
            pltpu.make_async_copy(
                ht_hbm.at[src_v.at[S - 1]], rows0, sem0).wait()
            pltpu.sync_copy(rows0, acc.at[dst_v.at[S - 1]], add=True)
    plsc.subcore_barrier()
    pltpu.sync_copy(acc.at[pl.ds(s * RPS, RPS)],
                    out_hbm.at[c, pl.ds(s * RPS, RPS)])


def _dinv_body(deg_ref, o_ref):
    deg = jnp.sum(deg_ref[...], axis=0) + 1.0
    o_ref[...] = jnp.where(deg > 0, lax.rsqrt(deg), 0.0)


_dinv_tc = pl.pallas_call(
    _dinv_body,
    out_shape=jax.ShapeDtypeStruct((RB, 128), jnp.float32),
)


def _mm_body(x_ref, w_ref, dinv_ref, o_ref):
    h = lax.dot_general(x_ref[...], w_ref[...], (((1,), (1,)), ((), ())),
                        preferred_element_type=jnp.float32)
    o_ref[...] = h * dinv_ref[...]


_mm_tc = pl.pallas_call(
    _mm_body,
    out_shape=jax.ShapeDtypeStruct((NP, D), jnp.float32),
)


def _post_body(x_ref, ht_ref, sp_ref, dinv_ref, b_ref, g_ref, be_ref, o_ref):
    agg = (sp_ref[0] + sp_ref[1] + ht_ref[...]) * dinv_ref[...]
    y = x_ref[...] + agg + b_ref[...]
    mu = jnp.mean(y, axis=-1, keepdims=True)
    d = y - mu
    var = jnp.mean(d * d, axis=-1, keepdims=True)
    ln = d * lax.rsqrt(var + 1e-5) * g_ref[...] + be_ref[...]
    o_ref[...] = jnp.maximum(ln, 0.0)


_post_tc = pl.pallas_call(
    _post_body,
    out_shape=jax.ShapeDtypeStruct((NP, D), jnp.float32),
)


def _pool_body(b_ref, x_ref, o_ref, acc, cnt):
    i = pl.program_id(0)

    @pl.when(i == 0)
    def _init():
        acc[...] = jnp.zeros_like(acc)
        cnt[...] = jnp.zeros_like(cnt)

    bvec = b_ref[...].reshape(1, 128)
    gids = lax.broadcasted_iota(jnp.int32, (G, 128), 0)
    mask = (bvec == gids).astype(jnp.float32)
    acc[...] += lax.dot_general(mask, x_ref[...], (((1,), (0,)), ((), ())),
                                preferred_element_type=jnp.float32)
    cnt[...] += jnp.sum(mask, axis=1, keepdims=True)

    @pl.when(i == RB - 1)
    def _fin():
        o_ref[...] = acc[...] / jnp.maximum(cnt[...], 1.0)


_pool_tc = pl.pallas_call(
    _pool_body,
    grid=(RB,),
    in_specs=[
        pl.BlockSpec((1, 1, 128), lambda i: (i, 0, 0)),
        pl.BlockSpec((128, D), lambda i: (i, 0)),
    ],
    out_specs=pl.BlockSpec((G, D), lambda i: (0, 0)),
    out_shape=jax.ShapeDtypeStruct((G, D), jnp.float32),
    scratch_shapes=[
        pltpu.VMEM((G, D), jnp.float32),
        pltpu.VMEM((G, 1), jnp.float32),
    ],
)


def kernel(x, edge_index, batch, Ws, bs, gammas, betas):
    f32 = jnp.float32
    pad_e = EP - E
    srcp = jnp.concatenate(
        [edge_index[0], jnp.full((pad_e,), N, jnp.int32)]).reshape(NT, CPT, CH)
    dstp = jnp.concatenate(
        [edge_index[1], jnp.full((pad_e,), N, jnp.int32)]).reshape(NT, CPT, CH)
    xp = jnp.concatenate([x, jnp.zeros((NP - N, D), f32)], axis=0)

    zerosD = jnp.zeros((RPS, D), f32)
    zerosN = jnp.zeros((NP,), f32)

    degp = _deg_sc(dstp.reshape(NT, EPT), zerosN)
    dinv = _dinv_tc(degp.reshape(NT, RB, 128)).reshape(NP, 1)

    for l in range(L):
        ht = _mm_tc(xp, Ws[l], dinv)
        sp = _agg_sc(ht, srcp, dstp, zerosD)
        xp = _post_tc(xp, ht, sp, dinv,
                      bs[l].reshape(1, D), gammas[l].reshape(1, D),
                      betas[l].reshape(1, D))

    batch3 = jnp.concatenate(
        [batch, jnp.full((NP - N,), G, jnp.int32)]).reshape(RB, 1, 128)
    return _pool_tc(batch3, xp)

# --- scband reference (transcript-rebuilt; emitter-appended) ---
"""Pipeline reference for scband-structural-feature-encoder-76347338654282 (READ-ONLY COPY).

The authoritative reference and input builder live on the scoring server;
editing this copy changes nothing except your own understanding.
"""

import jax, jax.numpy as jnp
import numpy as np

N = 10000
E = 320000
D = 128
L = 3
G = 64


def setup_inputs(seed: int = 0) -> dict:
    key = jax.random.key(seed)
    ks = jax.random.split(key, 8)
    x = jax.random.normal(ks[0], (N, D), dtype=jnp.float32)
    edge_index = jax.random.randint(ks[1], (2, E), 0, N, dtype=jnp.int32)
    batch = jnp.sort(jax.random.randint(ks[2], (N,), 0, G, dtype=jnp.int32))
    # Per-layer GCNConv weights (PyG: lin.weight [out,in], bias [out]) stacked over layers
    Ws = jax.random.normal(ks[3], (L, D, D), dtype=jnp.float32) * (1.0 / np.sqrt(D))
    bs = jnp.zeros((L, D), dtype=jnp.float32)
    # Per-layer LayerNorm affine params
    gammas = jnp.ones((L, D), dtype=jnp.float32)
    betas = jnp.zeros((L, D), dtype=jnp.float32)
    return {"x": x, "edge_index": edge_index, "batch": batch, "Ws": Ws, "bs": bs, "gammas": gammas, "betas": betas}


def _gcn_conv(x, src, dst, W, b):
    # x' = x @ W^T ; symmetric-normalized aggregation with self-loops already in (src,dst)
    h = x @ W.T
    deg = jnp.zeros((N,), dtype=x.dtype).at[dst].add(1.0)
    dinv = jnp.where(deg > 0, deg ** -0.5, 0.0)
    norm = dinv[src] * dinv[dst]
    msg = h[src] * norm[:, None]
    out = jnp.zeros_like(h).at[dst].add(msg)
    return out + b


def _layer_norm(x, g, b, eps=1e-5):
    mu = x.mean(axis=-1, keepdims=True)
    var = x.var(axis=-1, keepdims=True)
    return (x - mu) / jnp.sqrt(var + eps) * g + b


def reference(x, edge_index, batch, Ws, bs, gammas, betas):
    loop = jnp.arange(N, dtype=edge_index.dtype)
    src = jnp.concatenate([edge_index[0], loop])
    dst = jnp.concatenate([edge_index[1], loop])
    for l in range(L):
        x = x + _gcn_conv(x, src, dst, Ws[l], bs[l])
        x = _layer_norm(x, gammas[l], betas[l])
        x = jax.nn.relu(x)
    sums = jax.ops.segment_sum(x, batch, num_segments=G)
    counts = jax.ops.segment_sum(jnp.ones((N,), dtype=x.dtype), batch, num_segments=G)
    return sums / jnp.maximum(counts, 1.0)[:, None]

if __name__ == "__main__":
    import jax
    _d = setup_inputs()
    print(jax.jit(kernel)(*tuple(_d.values())))

</pallas_src>

<mosaic_0001>
#map = affine_map<(d0, d1) -> (0, 0)>
#map1 = affine_map<(d0, d1) -> (0)>
module attributes {stable_mosaic.version = 14 : i64} {
  func.func @_deg_sc(%arg0: i32, %arg1: i32, %arg2: memref<32x10112xi32, #tpu.memory_space<hbm>>, %arg3: memref<10112xf32, #tpu.memory_space<hbm>>, %arg4: memref<32x10112xf32, #tpu.memory_space<hbm>>, %arg5: memref<10112xi32, #tpu.memory_space<vmem>>, %arg6: memref<10112xf32, #tpu.memory_space<vmem>>) attributes {dimension_semantics = [#tpu.dimension_semantics<core_parallel>, #tpu.dimension_semantics<subcore_parallel>], iteration_bounds = array<i64: 2, 16>, scalar_prefetch = 0 : i64, scratch_operands = 2 : i64, tpu.core_type = #tpu.core_type<sc_vector_subcore>, window_params = [{transform_indices = #map}, {transform_indices = #map1}, {transform_indices = #map}]} {
    %mul3A = arith.constant 2 : i32
    %mul3A_0 = arith.muli %arg1, %mul3A : i32
    %add3A = arith.addi %mul3A_0, %arg0 : i32
    "tpu.region"() ({
      %run_scoped3A = tpu.sem_alloc : memref<!tpu.dma_semaphore, #tpu.memory_space<semaphore_mem>>
      tpu.enqueue_dma source(%arg3 : memref<10112xf32, #tpu.memory_space<hbm>>) target(%arg6 : memref<10112xf32, #tpu.memory_space<vmem>>) target_semaphore(%run_scoped3A : memref<!tpu.dma_semaphore, #tpu.memory_space<semaphore_mem>>)
      tpu.wait_dma2 semaphore(%run_scoped3A : memref<!tpu.dma_semaphore, #tpu.memory_space<semaphore_mem>>) src(%arg3 : memref<10112xf32, #tpu.memory_space<hbm>>) dst(%arg6 : memref<10112xf32, #tpu.memory_space<vmem>>)
      tpu.yield
    }) : () -> ()
    "tpu.region"() ({
      %run_scoped3A = tpu.sem_alloc : memref<!tpu.dma_semaphore, #tpu.memory_space<semaphore_mem>>
      %dma_start3A = arith.constant 0 : i32
      %dma_start3A_7 = tpu.memref_slice %arg2[%add3A, %dma_start3A] : memref<32x10112xi32, #tpu.memory_space<hbm>> -> memref<1x10112xi32, #tpu.memory_space<hbm>>
      %dma_start3A_8 = tpu.memref_squeeze %dma_start3A_7 : memref<1x10112xi32, #tpu.memory_space<hbm>> -> memref<10112xi32, #tpu.memory_space<hbm>>
      %dma_start3A_9 = arith.constant 0 : i32
      %dma_start3A_10 = tpu.memref_slice %arg2[%add3A, %dma_start3A_9] : memref<32x10112xi32, #tpu.memory_space<hbm>> -> memref<1x10112xi32, #tpu.memory_space<hbm>>
      %dma_start3A_11 = tpu.memref_squeeze %dma_start3A_10 : memref<1x10112xi32, #tpu.memory_space<hbm>> -> memref<10112xi32, #tpu.memory_space<hbm>>
      tpu.enqueue_dma source(%dma_start3A_11 : memref<10112xi32, #tpu.memory_space<hbm>>) target(%arg5 : memref<10112xi32, #tpu.memory_space<vmem>>) target_semaphore(%run_scoped3A : memref<!tpu.dma_semaphore, #tpu.memory_space<semaphore_mem>>)
      %dma_wait3A = arith.constant 0 : i32
      %dma_wait3A_12 = tpu.memref_slice %arg2[%add3A, %dma_wait3A] : memref<32x10112xi32, #tpu.memory_space<hbm>> -> memref<1x10112xi32, #tpu.memory_space<hbm>>
      %dma_wait3A_13 = tpu.memref_squeeze %dma_wait3A_12 : memref<1x10112xi32, #tpu.memory_space<hbm>> -> memref<10112xi32, #tpu.memory_space<hbm>>
      %dma_wait3A_14 = arith.constant 0 : i32
      %dma_wait3A_15 = tpu.memref_slice %arg2[%add3A, %dma_wait3A_14] : memref<32x10112xi32, #tpu.memory_space<hbm>> -> memref<1x10112xi32, #tpu.memory_space<hbm>>
      %dma_wait3A_16 = tpu.memref_squeeze %dma_wait3A_15 : memref<1x10112xi32, #tpu.memory_space<hbm>> -> memref<10112xi32, #tpu.memory_space<hbm>>
      tpu.wait_dma2 semaphore(%run_scoped3A : memref<!tpu.dma_semaphore, #tpu.memory_space<semaphore_mem>>) src(%dma_wait3A_16 : memref<10112xi32, #tpu.memory_space<hbm>>) dst(%arg5 : memref<10112xi32, #tpu.memory_space<vmem>>)
      tpu.yield
    }) : () -> ()
    %broadcast_in_dim3A = arith.constant 1.000000e+00 : f32
    %broadcast_in_dim3A_1 = vector.broadcast %broadcast_in_dim3A : f32 to vector<16xf32>
    %scan3A = arith.constant 0 : i32
    %scan3A_2 = arith.constant 0 : i32
    %scan3A_3 = arith.constant 632 : i32
    %scan3A_4 = arith.addi %scan3A_2, %scan3A_3 : i32
    %scan3A_5 = arith.constant 1 : i32
    scf.for %scan3A_7 = %scan3A_2 to %scan3A_4 step %scan3A_5  : i32 {
      %mul3A_8 = arith.constant 16 : i32
      %mul3A_9 = arith.muli %scan3A_7, %mul3A_8 : i32
      %get3A = arith.index_cast %mul3A_9 : i32 to index
      %get3A_10 = tpu.vector_load %arg5[%get3A] {strides = array<i32>} : memref<10112xi32, #tpu.memory_space<vmem>>, vector<16xi32>,
      tpu.vector_store_idx %arg6[%get3A_10], %broadcast_in_dim3A_1 {add = true} : memref<10112xf32, #tpu.memory_space<vmem>>[vector<16xi32>], vector<16xf32>,
    }
    %scan3A_6 = arith.constant 632 : i32
    "tpu.region"() ({
      %run_scoped3A = tpu.sem_alloc : memref<!tpu.dma_semaphore, #tpu.memory_space<semaphore_mem>>
      %dma_start3A = arith.constant 0 : i32
      %dma_start3A_7 = tpu.memref_slice %arg4[%add3A, %dma_start3A] : memref<32x10112xf32, #tpu.memory_space<hbm>> -> memref<1x10112xf32, #tpu.memory_space<hbm>>
      %dma_start3A_8 = tpu.memref_squeeze %dma_start3A_7 : memref<1x10112xf32, #tpu.memory_space<hbm>> -> memref<10112xf32, #tpu.memory_space<hbm>>
      %dma_start3A_9 = arith.constant 0 : i32
      %dma_start3A_10 = tpu.memref_slice %arg4[%add3A, %dma_start3A_9] : memref<32x10112xf32, #tpu.memory_space<hbm>> -> memref<1x10112xf32, #tpu.memory_space<hbm>>
      %dma_start3A_11 = tpu.memref_squeeze %dma_start3A_10 : memref<1x10112xf32, #tpu.memory_space<hbm>> -> memref<10112xf32, #tpu.memory_space<hbm>>
      tpu.enqueue_dma source(%arg6 : memref<10112xf32, #tpu.memory_space<vmem>>) target(%dma_start3A_11 : memref<10112xf32, #tpu.memory_space<hbm>>) target_semaphore(%run_scoped3A : memref<!tpu.dma_semaphore, #tpu.memory_space<semaphore_mem>>)
      %dma_wait3A = arith.constant 0 : i32
      %dma_wait3A_12 = tpu.memref_slice %arg4[%add3A, %dma_wait3A] : memref<32x10112xf32, #tpu.memory_space<hbm>> -> memref<1x10112xf32, #tpu.memory_space<hbm>>
      %dma_wait3A_13 = tpu.memref_squeeze %dma_wait3A_12 : memref<1x10112xf32, #tpu.memory_space<hbm>> -> memref<10112xf32, #tpu.memory_space<hbm>>
      %dma_wait3A_14 = arith.constant 0 : i32
      %dma_wait3A_15 = tpu.memref_slice %arg4[%add3A, %dma_wait3A_14] : memref<32x10112xf32, #tpu.memory_space<hbm>> -> memref<1x10112xf32, #tpu.memory_space<hbm>>
      %dma_wait3A_16 = tpu.memref_squeeze %dma_wait3A_15 : memref<1x10112xf32, #tpu.memory_space<hbm>> -> memref<10112xf32, #tpu.memory_space<hbm>>
      tpu.wait_dma2 semaphore(%run_scoped3A : memref<!tpu.dma_semaphore, #tpu.memory_space<semaphore_mem>>) src(%arg6 : memref<10112xf32, #tpu.memory_space<vmem>>) dst(%dma_wait3A_16 : memref<10112xf32, #tpu.memory_space<hbm>>)
      tpu.yield
    }) : () -> ()
    return
  }
}

#map = affine_map<(d0, d1) -> (0, 0)>
#map1 = affine_map<(d0, d1) -> (0, 0, 0)>
module attributes {stable_mosaic.version = 14 : i64} {
  func.func @_agg_sc(%arg0: i32, %arg1: i32, %arg2: memref<10112x128xf32, #tpu.memory_space<hbm>>, %arg3: memref<32x79x128xi32, #tpu.memory_space<hbm>>, %arg4: memref<32x79x128xi32, #tpu.memory_space<hbm>>, %arg5: memref<632x128xf32, #tpu.memory_space<hbm>>, %arg6: memref<2x10112x128xf32, #tpu.memory_space<hbm>>, %arg7: memref<40x128xi32, #tpu.memory_space<vmem>>, %arg8: memref<40x128xi32, #tpu.memory_space<vmem>>, %arg9: memref<128x128xf32, #tpu.memory_space<vmem>>, %arg10: memref<128x128xf32, #tpu.memory_space<vmem>>, %arg11: memref<10112x128xf32, #tpu.memory_space<vmem_shared>>, %arg12: memref<!tpu.dma_semaphore, #tpu.memory_space<semaphore_mem>>, %arg13: memref<!tpu.dma_semaphore, #tpu.memory_space<semaphore_mem>>) attributes {dimension_semantics = [#tpu.dimension_semantics<core_parallel>, #tpu.dimension_semantics<subcore_parallel>], iteration_bounds = array<i64: 2, 16>, scalar_prefetch = 0 : i64, scratch_operands = 7 : i64, tpu.core_type = #tpu.core_type<sc_vector_subcore>, window_params = [{transform_indices = #map}, {transform_indices = #map1}, {transform_indices = #map1}, {transform_indices = #map}, {transform_indices = #map1}]} {
    %mul3A = arith.constant 16 : i32
    %mul3A_0 = arith.muli %arg0, %mul3A : i32
    %add3A = arith.addi %mul3A_0, %arg1 : i32
    %mul3A_1 = arith.constant 632 : i32
    %mul3A_2 = arith.muli %arg1, %mul3A_1 : i32
    "tpu.region"() ({
      %run_scoped3A_52 = tpu.sem_alloc : memref<!tpu.dma_semaphore, #tpu.memory_space<semaphore_mem>>
      %dma_start3A_53 = arith.constant 0 : i32
      %dma_start3A_54 = tpu.memref_slice %arg11[%mul3A_2, %dma_start3A_53] : memref<10112x128xf32, #tpu.memory_space<vmem_shared>> -> memref<632x128xf32, #tpu.memory_space<vmem_shared>>
      tpu.enqueue_dma source(%arg5 : memref<632x128xf32, #tpu.memory_space<hbm>>) target(%dma_start3A_54 : memref<632x128xf32, #tpu.memory_space<vmem_shared>>) target_semaphore(%run_scoped3A_52 : memref<!tpu.dma_semaphore, #tpu.memory_space<semaphore_mem>>)
      %dma_wait3A_55 = arith.constant 0 : i32
      %dma_wait3A_56 = tpu.memref_slice %arg11[%mul3A_2, %dma_wait3A_55] : memref<10112x128xf32, #tpu.memory_space<vmem_shared>> -> memref<632x128xf32, #tpu.memory_space<vmem_shared>>
      tpu.wait_dma2 semaphore(%run_scoped3A_52 : memref<!tpu.dma_semaphore, #tpu.memory_space<semaphore_mem>>) src(%arg5 : memref<632x128xf32, #tpu.memory_space<hbm>>) dst(%dma_wait3A_56 : memref<632x128xf32, #tpu.memory_space<vmem_shared>>)
      tpu.yield
    }) : () -> ()
    %barrier3A = arith.constant 0 : index
    tpu.barrier barrier_id(%barrier3A)
    "tpu.region"() ({
      %run_scoped3A_52 = tpu.sem_alloc : memref<!tpu.dma_semaphore, #tpu.memory_space<semaphore_mem>>
      %dma_start3A_53 = arith.constant 0 : i32
      %dma_start3A_54 = arith.constant 0 : i32
      %dma_start3A_55 = tpu.memref_slice %arg7[%dma_start3A_53, %dma_start3A_54] : memref<40x128xi32, #tpu.memory_space<vmem>> -> memref<40x128xi32, #tpu.memory_space<vmem>>
      %dma_start3A_56 = arith.constant 0 : i32
      %dma_start3A_57 = arith.constant 0 : i32
      %dma_start3A_58 = tpu.memref_slice %arg3[%add3A, %dma_start3A_56, %dma_start3A_57] : memref<32x79x128xi32, #tpu.memory_space<hbm>> -> memref<1x40x128xi32, #tpu.memory_space<hbm>>
      %dma_start3A_59 = tpu.memref_squeeze %dma_start3A_58 : memref<1x40x128xi32, #tpu.memory_space<hbm>> -> memref<40x128xi32, #tpu.memory_space<hbm>>
      %dma_start3A_60 = arith.constant 0 : i32
      %dma_start3A_61 = arith.constant 0 : i32
      %dma_start3A_62 = tpu.memref_slice %arg7[%dma_start3A_60, %dma_start3A_61] : memref<40x128xi32, #tpu.memory_space<vmem>> -> memref<40x128xi32, #tpu.memory_space<vmem>>
      %dma_start3A_63 = arith.constant 0 : i32
      %dma_start3A_64 = arith.constant 0 : i32
      %dma_start3A_65 = tpu.memref_slice %arg3[%add3A, %dma_start3A_63, %dma_start3A_64] : memref<32x79x128xi32, #tpu.memory_space<hbm>> -> memref<1x40x128xi32, #tpu.memory_space<hbm>>
      %dma_start3A_66 = tpu.memref_squeeze %dma_start3A_65 : memref<1x40x128xi32, #tpu.memory_space<hbm>> -> memref<40x128xi32, #tpu.memory_space<hbm>>
      tpu.enqueue_dma source(%dma_start3A_66 : memref<40x128xi32, #tpu.memory_space<hbm>>) target(%dma_start3A_62 : memref<40x128xi32, #tpu.memory_space<vmem>>) target_semaphore(%run_scoped3A_52 : memref<!tpu.dma_semaphore, #tpu.memory_space<semaphore_mem>>)
      %dma_wait3A_67 = arith.constant 0 : i32
      %dma_wait3A_68 = arith.constant 0 : i32
      %dma_wait3A_69 = tpu.memref_slice %arg7[%dma_wait3A_67, %dma_wait3A_68] : memref<40x128xi32, #tpu.memory_space<vmem>> -> memref<40x128xi32, #tpu.memory_space<vmem>>
      %dma_wait3A_70 = arith.constant 0 : i32
      %dma_wait3A_71 = arith.constant 0 : i32
      %dma_wait3A_72 = tpu.memref_slice %arg3[%add3A, %dma_wait3A_70, %dma_wait3A_71] : memref<32x79x128xi32, #tpu.memory_space<hbm>> -> memref<1x40x128xi32, #tpu.memory_space<hbm>>
      %dma_wait3A_73 = tpu.memref_squeeze %dma_wait3A_72 : memref<1x40x128xi32, #tpu.memory_space<hbm>> -> memref<40x128xi32, #tpu.memory_space<hbm>>
      %dma_wait3A_74 = arith.constant 0 : i32
      %dma_wait3A_75 = arith.constant 0 : i32
      %dma_wait3A_76 = tpu.memref_slice %arg7[%dma_wait3A_74, %dma_wait3A_75] : memref<40x128xi32, #tpu.memory_space<vmem>> -> memref<40x128xi32, #tpu.memory_space<vmem>>
      %dma_wait3A_77 = arith.constant 0 : i32
      %dma_wait3A_78 = arith.constant 0 : i32
      %dma_wait3A_79 = tpu.memref_slice %arg3[%add3A, %dma_wait3A_77, %dma_wait3A_78] : memref<32x79x128xi32, #tpu.memory_space<hbm>> -> memref<1x40x128xi32, #tpu.memory_space<hbm>>
      %dma_wait3A_80 = tpu.memref_squeeze %dma_wait3A_79 : memref<1x40x128xi32, #tpu.memory_space<hbm>> -> memref<40x128xi32, #tpu.memory_space<hbm>>
      tpu.wait_dma2 semaphore(%run_scoped3A_52 : memref<!tpu.dma_semaphore, #tpu.memory_space<semaphore_mem>>) src(%dma_wait3A_80 : memref<40x128xi32, #tpu.memory_space<hbm>>) dst(%dma_wait3A_76 : memref<40x128xi32, #tpu.memory_space<vmem>>)
      tpu.yield
    }) : () -> ()
    "tpu.region"() ({
      %run_scoped3A_52 = tpu.sem_alloc : memref<!tpu.dma_semaphore, #tpu.memory_space<semaphore_mem>>
      %dma_start3A_53 = arith.constant 0 : i32
      %dma_start3A_54 = arith.constant 0 : i32
      %dma_start3A_55 = tpu.memref_slice %arg8[%dma_start3A_53, %dma_start3A_54] : memref<40x128xi32, #tpu.memory_space<vmem>> -> memref<40x128xi32, #tpu.memory_space<vmem>>
      %dma_start3A_56 = arith.constant 0 : i32
      %dma_start3A_57 = arith.constant 0 : i32
      %dma_start3A_58 = tpu.memref_slice %arg4[%add3A, %dma_start3A_56, %dma_start3A_57] : memref<32x79x128xi32, #tpu.memory_space<hbm>> -> memref<1x40x128xi32, #tpu.memory_space<hbm>>
      %dma_start3A_59 = tpu.memref_squeeze %dma_start3A_58 : memref<1x40x128xi32, #tpu.memory_space<hbm>> -> memref<40x128xi32, #tpu.memory_space<hbm>>
      %dma_start3A_60 = arith.constant 0 : i32
      %dma_start3A_61 = arith.constant 0 : i32
      %dma_start3A_62 = tpu.memref_slice %arg8[%dma_start3A_60, %dma_start3A_61] : memref<40x128xi32, #tpu.memory_space<vmem>> -> memref<40x128xi32, #tpu.memory_space<vmem>>
      %dma_start3A_63 = arith.constant 0 : i32
      %dma_start3A_64 = arith.constant 0 : i32
      %dma_start3A_65 = tpu.memref_slice %arg4[%add3A, %dma_start3A_63, %dma_start3A_64] : memref<32x79x128xi32, #tpu.memory_space<hbm>> -> memref<1x40x128xi32, #tpu.memory_space<hbm>>
      %dma_start3A_66 = tpu.memref_squeeze %dma_start3A_65 : memref<1x40x128xi32, #tpu.memory_space<hbm>> -> memref<40x128xi32, #tpu.memory_space<hbm>>
      tpu.enqueue_dma source(%dma_start3A_66 : memref<40x128xi32, #tpu.memory_space<hbm>>) target(%dma_start3A_62 : memref<40x128xi32, #tpu.memory_space<vmem>>) target_semaphore(%run_scoped3A_52 : memref<!tpu.dma_semaphore, #tpu.memory_space<semaphore_mem>>)
      %dma_wait3A_67 = arith.constant 0 : i32
      %dma_wait3A_68 = arith.constant 0 : i32
      %dma_wait3A_69 = tpu.memref_slice %arg8[%dma_wait3A_67, %dma_wait3A_68] : memref<40x128xi32, #tpu.memory_space<vmem>> -> memref<40x128xi32, #tpu.memory_space<vmem>>
      %dma_wait3A_70 = arith.constant 0 : i32
      %dma_wait3A_71 = arith.constant 0 : i32
      %dma_wait3A_72 = tpu.memref_slice %arg4[%add3A, %dma_wait3A_70, %dma_wait3A_71] : memref<32x79x128xi32, #tpu.memory_space<hbm>> -> memref<1x40x128xi32, #tpu.memory_space<hbm>>
      %dma_wait3A_73 = tpu.memref_squeeze %dma_wait3A_72 : memref<1x40x128xi32, #tpu.memory_space<hbm>> -> memref<40x128xi32, #tpu.memory_space<hbm>>
      %dma_wait3A_74 = arith.constant 0 : i32
      %dma_wait3A_75 = arith.constant 0 : i32
      %dma_wait3A_76 = tpu.memref_slice %arg8[%dma_wait3A_74, %dma_wait3A_75] : memref<40x128xi32, #tpu.memory_space<vmem>> -> memref<40x128xi32, #tpu.memory_space<vmem>>
      %dma_wait3A_77 = arith.constant 0 : i32
      %dma_wait3A_78 = arith.constant 0 : i32
      %dma_wait3A_79 = tpu.memref_slice %arg4[%add3A, %dma_wait3A_77, %dma_wait3A_78] : memref<32x79x128xi32, #tpu.memory_space<hbm>> -> memref<1x40x128xi32, #tpu.memory_space<hbm>>
      %dma_wait3A_80 = tpu.memref_squeeze %dma_wait3A_79 : memref<1x40x128xi32, #tpu.memory_space<hbm>> -> memref<40x128xi32, #tpu.memory_space<hbm>>
      tpu.wait_dma2 semaphore(%run_scoped3A_52 : memref<!tpu.dma_semaphore, #tpu.memory_space<semaphore_mem>>) src(%dma_wait3A_80 : memref<40x128xi32, #tpu.memory_space<hbm>>) dst(%dma_wait3A_76 : memref<40x128xi32, #tpu.memory_space<vmem>>)
      tpu.yield
    }) : () -> ()
    %dma_start3A = arith.constant 0 : i32
    %dma_start3A_3 = arith.constant 0 : i32
    %dma_start3A_4 = tpu.memref_slice %arg7[%dma_start3A, %dma_start3A_3] : memref<40x128xi32, #tpu.memory_space<vmem>> -> memref<1x128xi32, #tpu.memory_space<vmem>>
    %dma_start3A_5 = tpu.memref_squeeze %dma_start3A_4 : memref<1x128xi32, #tpu.memory_space<vmem>> -> memref<128xi32, #tpu.memory_space<vmem>>
    %dma_start3A_6 = arith.constant 0 : i32
    %dma_start3A_7 = arith.constant 0 : i32
    %dma_start3A_8 = tpu.memref_slice %arg2[%dma_start3A_6, %dma_start3A_7] : memref<10112x128xf32, #tpu.memory_space<hbm>> -> memref<10112x128xf32, #tpu.memory_space<hbm>>
    tpu.enqueue_indirect_dma source(%dma_start3A_8 : memref<10112x128xf32, #tpu.memory_space<hbm>>) target(%arg9 : memref<128x128xf32, #tpu.memory_space<vmem>>) offsets(%dma_start3A_5 : memref<128xi32, #tpu.memory_space<vmem>>) semaphore(%arg12 : memref<!tpu.dma_semaphore, #tpu.memory_space<semaphore_mem>>)
    %dma_start3A_9 = arith.constant 1 : i32
    %dma_start3A_10 = arith.constant 0 : i32
    %dma_start3A_11 = tpu.memref_slice %arg7[%dma_start3A_9, %dma_start3A_10] : memref<40x128xi32, #tpu.memory_space<vmem>> -> memref<1x128xi32, #tpu.memory_space<vmem>>
    %dma_start3A_12 = tpu.memref_squeeze %dma_start3A_11 : memref<1x128xi32, #tpu.memory_space<vmem>> -> memref<128xi32, #tpu.memory_space<vmem>>
    %dma_start3A_13 = arith.constant 0 : i32
    %dma_start3A_14 = arith.constant 0 : i32
    %dma_start3A_15 = tpu.memref_slice %arg2[%dma_start3A_13, %dma_start3A_14] : memref<10112x128xf32, #tpu.memory_space<hbm>> -> memref<10112x128xf32, #tpu.memory_space<hbm>>
    tpu.enqueue_indirect_dma source(%dma_start3A_15 : memref<10112x128xf32, #tpu.memory_space<hbm>>) target(%arg10 : memref<128x128xf32, #tpu.memory_space<vmem>>) offsets(%dma_start3A_12 : memref<128xi32, #tpu.memory_space<vmem>>) semaphore(%arg13 : memref<!tpu.dma_semaphore, #tpu.memory_space<semaphore_mem>>)
    %scan3A = arith.constant 0 : i32
    %scan3A_16 = arith.constant 0 : i32
    %scan3A_17 = arith.constant 20 : i32
    %scan3A_18 = arith.addi %scan3A_16, %scan3A_17 : i32
    %scan3A_19 = arith.constant 1 : i32
    scf.for %scan3A_52 = %scan3A_16 to %scan3A_18 step %scan3A_19  : i32 {
      %mul3A_53 = arith.constant 2 : i32
      %mul3A_54 = arith.muli %mul3A_53, %scan3A_52 : i32
      %add3A_55 = arith.constant 1 : i32
      %add3A_56 = arith.addi %mul3A_54, %add3A_55 : i32
      %dma_wait3A_57 = arith.constant 0 : i32
      %dma_wait3A_58 = tpu.memref_slice %arg7[%mul3A_54, %dma_wait3A_57] : memref<40x128xi32, #tpu.memory_space<vmem>> -> memref<1x128xi32, #tpu.memory_space<vmem>>
      %dma_wait3A_59 = tpu.memref_squeeze %dma_wait3A_58 : memref<1x128xi32, #tpu.memory_space<vmem>> -> memref<128xi32, #tpu.memory_space<vmem>>
      %dma_wait3A_60 = arith.constant 0 : i32
      %dma_wait3A_61 = arith.constant 0 : i32
      %dma_wait3A_62 = tpu.memref_slice %arg2[%dma_wait3A_60, %dma_wait3A_61] : memref<10112x128xf32, #tpu.memory_space<hbm>> -> memref<10112x128xf32, #tpu.memory_space<hbm>>
      tpu.wait_indirect_dma semaphore(%arg12 : memref<!tpu.dma_semaphore, #tpu.memory_space<semaphore_mem>>) src(%dma_wait3A_62 : memref<10112x128xf32, #tpu.memory_space<hbm>>) dst(%arg9 : memref<128x128xf32, #tpu.memory_space<vmem>>)
      "tpu.region"() ({
        %run_scoped3A_80 = tpu.sem_alloc : memref<!tpu.dma_semaphore, #tpu.memory_space<semaphore_mem>>
        %dma_start3A_81 = arith.constant 0 : i32
        %dma_start3A_82 = tpu.memref_slice %arg8[%mul3A_54, %dma_start3A_81] : memref<40x128xi32, #tpu.memory_space<vmem>> -> memref<1x128xi32, #tpu.memory_space<vmem>>
        %dma_start3A_83 = tpu.memref_squeeze %dma_start3A_82 : memref<1x128xi32, #tpu.memory_space<vmem>> -> memref<128xi32, #tpu.memory_space<vmem>>
        %dma_start3A_84 = arith.constant 0 : i32
        %dma_start3A_85 = arith.constant 0 : i32
        %dma_start3A_86 = tpu.memref_slice %arg11[%dma_start3A_84, %dma_start3A_85] : memref<10112x128xf32, #tpu.memory_space<vmem_shared>> -> memref<10112x128xf32, #tpu.memory_space<vmem_shared>>
        tpu.enqueue_indirect_dma source(%arg9 : memref<128x128xf32, #tpu.memory_space<vmem>>) target(%dma_start3A_86 : memref<10112x128xf32, #tpu.memory_space<vmem_shared>>) offsets(%dma_start3A_83 : memref<128xi32, #tpu.memory_space<vmem>>) semaphore(%run_scoped3A_80 : memref<!tpu.dma_semaphore, #tpu.memory_space<semaphore_mem>>) {add = true}
        %dma_wait3A_87 = arith.constant 0 : i32
        %dma_wait3A_88 = tpu.memref_slice %arg8[%mul3A_54, %dma_wait3A_87] : memref<40x128xi32, #tpu.memory_space<vmem>> -> memref<1x128xi32, #tpu.memory_space<vmem>>
        %dma_wait3A_89 = tpu.memref_squeeze %dma_wait3A_88 : memref<1x128xi32, #tpu.memory_space<vmem>> -> memref<128xi32, #tpu.memory_space<vmem>>
        %dma_wait3A_90 = arith.constant 0 : i32
        %dma_wait3A_91 = arith.constant 0 : i32
        %dma_wait3A_92 = tpu.memref_slice %arg11[%dma_wait3A_90, %dma_wait3A_91] : memref<10112x128xf32, #tpu.memory_space<vmem_shared>> -> memref<10112x128xf32, #tpu.memory_space<vmem_shared>>
        tpu.wait_indirect_dma semaphore(%run_scoped3A_80 : memref<!tpu.dma_semaphore, #tpu.memory_space<semaphore_mem>>) src(%arg9 : memref<128x128xf32, #tpu.memory_space<vmem>>) dst(%dma_wait3A_92 : memref<10112x128xf32, #tpu.memory_space<vmem_shared>>)
        tpu.yield
      }) : () -> ()
      %add3A_63 = arith.constant 2 : i32
      %add3A_64 = arith.addi %mul3A_54, %add3A_63 : i32
      %lt3A = arith.constant 40 : i32
      %lt3A_65 = arith.cmpi slt, %add3A_64, %lt3A : i32
      %convert_element_type3A = arith.extui %lt3A_65 : i1 to i32
      %cond3A = arith.constant 0 : i32
      %cond3A_66 = arith.cmpi ne, %convert_element_type3A, %cond3A : i32
      scf.if %cond3A_66 {
        %add3A_80 = arith.constant 2 : i32
        %add3A_81 = arith.addi %mul3A_54, %add3A_80 : i32
        %dma_start3A_82 = arith.constant 0 : i32
        %dma_start3A_83 = tpu.memref_slice %arg7[%add3A_81, %dma_start3A_82] : memref<40x128xi32, #tpu.memory_space<vmem>> -> memref<1x128xi32, #tpu.memory_space<vmem>>
        %dma_start3A_84 = tpu.memref_squeeze %dma_start3A_83 : memref<1x128xi32, #tpu.memory_space<vmem>> -> memref<128xi32, #tpu.memory_space<vmem>>
        %dma_start3A_85 = arith.constant 0 : i32
        %dma_start3A_86 = arith.constant 0 : i32
        %dma_start3A_87 = tpu.memref_slice %arg2[%dma_start3A_85, %dma_start3A_86] : memref<10112x128xf32, #tpu.memory_space<hbm>> -> memref<10112x128xf32, #tpu.memory_space<hbm>>
        tpu.enqueue_indirect_dma source(%dma_start3A_87 : memref<10112x128xf32, #tpu.memory_space<hbm>>) target(%arg9 : memref<128x128xf32, #tpu.memory_space<vmem>>) offsets(%dma_start3A_84 : memref<128xi32, #tpu.memory_space<vmem>>) semaphore(%arg12 : memref<!tpu.dma_semaphore, #tpu.memory_space<semaphore_mem>>)
      } else {
      }
      %dma_wait3A_67 = arith.constant 0 : i32
      %dma_wait3A_68 = tpu.memref_slice %arg7[%add3A_56, %dma_wait3A_67] : memref<40x128xi32, #tpu.memory_space<vmem>> -> memref<1x128xi32, #tpu.memory_space<vmem>>
      %dma_wait3A_69 = tpu.memref_squeeze %dma_wait3A_68 : memref<1x128xi32, #tpu.memory_space<vmem>> -> memref<128xi32, #tpu.memory_space<vmem>>
      %dma_wait3A_70 = arith.constant 0 : i32
      %dma_wait3A_71 = arith.constant 0 : i32
      %dma_wait3A_72 = tpu.memref_slice %arg2[%dma_wait3A_70, %dma_wait3A_71] : memref<10112x128xf32, #tpu.memory_space<hbm>> -> memref<10112x128xf32, #tpu.memory_space<hbm>>
      tpu.wait_indirect_dma semaphore(%arg13 : memref<!tpu.dma_semaphore, #tpu.memory_space<semaphore_mem>>) src(%dma_wait3A_72 : memref<10112x128xf32, #tpu.memory_space<hbm>>) dst(%arg10 : memref<128x128xf32, #tpu.memory_space<vmem>>)
      "tpu.region"() ({
        %run_scoped3A_80 = tpu.sem_alloc : memref<!tpu.dma_semaphore, #tpu.memory_space<semaphore_mem>>
        %dma_start3A_81 = arith.constant 0 : i32
        %dma_start3A_82 = tpu.memref_slice %arg8[%add3A_56, %dma_start3A_81] : memref<40x128xi32, #tpu.memory_space<vmem>> -> memref<1x128xi32, #tpu.memory_space<vmem>>
        %dma_start3A_83 = tpu.memref_squeeze %dma_start3A_82 : memref<1x128xi32, #tpu.memory_space<vmem>> -> memref<128xi32, #tpu.memory_space<vmem>>
        %dma_start3A_84 = arith.constant 0 : i32
        %dma_start3A_85 = arith.constant 0 : i32
        %dma_start3A_86 = tpu.memref_slice %arg11[%dma_start3A_84, %dma_start3A_85] : memref<10112x128xf32, #tpu.memory_space<vmem_shared>> -> memref<10112x128xf32, #tpu.memory_space<vmem_shared>>
        tpu.enqueue_indirect_dma source(%arg10 : memref<128x128xf32, #tpu.memory_space<vmem>>) target(%dma_start3A_86 : memref<10112x128xf32, #tpu.memory_space<vmem_shared>>) offsets(%dma_start3A_83 : memref<128xi32, #tpu.memory_space<vmem>>) semaphore(%run_scoped3A_80 : memref<!tpu.dma_semaphore, #tpu.memory_space<semaphore_mem>>) {add = true}
        %dma_wait3A_87 = arith.constant 0 : i32
        %dma_wait3A_88 = tpu.memref_slice %arg8[%add3A_56, %dma_wait3A_87] : memref<40x128xi32, #tpu.memory_space<vmem>> -> memref<1x128xi32, #tpu.memory_space<vmem>>
        %dma_wait3A_89 = tpu.memref_squeeze %dma_wait3A_88 : memref<1x128xi32, #tpu.memory_space<vmem>> -> memref<128xi32, #tpu.memory_space<vmem>>
        %dma_wait3A_90 = arith.constant 0 : i32
        %dma_wait3A_91 = arith.constant 0 : i32
        %dma_wait3A_92 = tpu.memref_slice %arg11[%dma_wait3A_90, %dma_wait3A_91] : memref<10112x128xf32, #tpu.memory_space<vmem_shared>> -> memref<10112x128xf32, #tpu.memory_space<vmem_shared>>
        tpu.wait_indirect_dma semaphore(%run_scoped3A_80 : memref<!tpu.dma_semaphore, #tpu.memory_space<semaphore_mem>>) src(%arg10 : memref<128x128xf32, #tpu.memory_space<vmem>>) dst(%dma_wait3A_92 : memref<10112x128xf32, #tpu.memory_space<vmem_shared>>)
        tpu.yield
      }) : () -> ()
      %add3A_73 = arith.constant 2 : i32
      %add3A_74 = arith.addi %add3A_56, %add3A_73 : i32
      %lt3A_75 = arith.constant 40 : i32
      %lt3A_76 = arith.cmpi slt, %add3A_74, %lt3A_75 : i32
      %convert_element_type3A_77 = arith.extui %lt3A_76 : i1 to i32
      %cond3A_78 = arith.constant 0 : i32
      %cond3A_79 = arith.cmpi ne, %convert_element_type3A_77, %cond3A_78 : i32
      scf.if %cond3A_79 {
        %add3A_80 = arith.constant 2 : i32
        %add3A_81 = arith.addi %add3A_56, %add3A_80 : i32
        %dma_start3A_82 = arith.constant 0 : i32
        %dma_start3A_83 = tpu.memref_slice %arg7[%add3A_81, %dma_start3A_82] : memref<40x128xi32, #tpu.memory_space<vmem>> -> memref<1x128xi32, #tpu.memory_space<vmem>>
        %dma_start3A_84 = tpu.memref_squeeze %dma_start3A_83 : memref<1x128xi32, #tpu.memory_space<vmem>> -> memref<128xi32, #tpu.memory_space<vmem>>
        %dma_start3A_85 = arith.constant 0 : i32
        %dma_start3A_86 = arith.constant 0 : i32
        %dma_start3A_87 = tpu.memref_slice %arg2[%dma_start3A_85, %dma_start3A_86] : memref<10112x128xf32, #tpu.memory_space<hbm>> -> memref<10112x128xf32, #tpu.memory_space<hbm>>
        tpu.enqueue_indirect_dma source(%dma_start3A_87 : memref<10112x128xf32, #tpu.memory_space<hbm>>) target(%arg10 : memref<128x128xf32, #tpu.memory_space<vmem>>) offsets(%dma_start3A_84 : memref<128xi32, #tpu.memory_space<vmem>>) semaphore(%arg13 : memref<!tpu.dma_semaphore, #tpu.memory_space<semaphore_mem>>)
      } else {
      }
    }
    %scan3A_20 = arith.constant 20 : i32
    "tpu.region"() ({
      %run_scoped3A_52 = tpu.sem_alloc : memref<!tpu.dma_semaphore, #tpu.memory_space<semaphore_mem>>
      %dma_start3A_53 = arith.constant 0 : i32
      %dma_start3A_54 = arith.constant 0 : i32
      %dma_start3A_55 = tpu.memref_slice %arg7[%dma_start3A_53, %dma_start3A_54] : memref<40x128xi32, #tpu.memory_space<vmem>> -> memref<39x128xi32, #tpu.memory_space<vmem>>
      %dma_start3A_56 = arith.constant 40 : i32
      %dma_start3A_57 = arith.constant 0 : i32
      %dma_start3A_58 = tpu.memref_slice %arg3[%add3A, %dma_start3A_56, %dma_start3A_57] : memref<32x79x128xi32, #tpu.memory_space<hbm>> -> memref<1x39x128xi32, #tpu.memory_space<hbm>>
      %dma_start3A_59 = tpu.memref_squeeze %dma_start3A_58 : memref<1x39x128xi32, #tpu.memory_space<hbm>> -> memref<39x128xi32, #tpu.memory_space<hbm>>
      %dma_start3A_60 = arith.constant 0 : i32
      %dma_start3A_61 = arith.constant 0 : i32
      %dma_start3A_62 = tpu.memref_slice %arg7[%dma_start3A_60, %dma_start3A_61] : memref<40x128xi32, #tpu.memory_space<vmem>> -> memref<39x128xi32, #tpu.memory_space<vmem>>
      %dma_start3A_63 = arith.constant 40 : i32
      %dma_start3A_64 = arith.constant 0 : i32
      %dma_start3A_65 = tpu.memref_slice %arg3[%add3A, %dma_start3A_63, %dma_start3A_64] : memref<32x79x128xi32, #tpu.memory_space<hbm>> -> memref<1x39x128xi32, #tpu.memory_space<hbm>>
      %dma_start3A_66 = tpu.memref_squeeze %dma_start3A_65 : memref<1x39x128xi32, #tpu.memory_space<hbm>> -> memref<39x128xi32, #tpu.memory_space<hbm>>
      tpu.enqueue_dma source(%dma_start3A_66 : memref<39x128xi32, #tpu.memory_space<hbm>>) target(%dma_start3A_62 : memref<39x128xi32, #tpu.memory_space<vmem>>) target_semaphore(%run_scoped3A_52 : memref<!tpu.dma_semaphore, #tpu.memory_space<semaphore_mem>>)
      %dma_wait3A_67 = arith.constant 0 : i32
      %dma_wait3A_68 = arith.constant 0 : i32
      %dma_wait3A_69 = tpu.memref_slice %arg7[%dma_wait3A_67, %dma_wait3A_68] : memref<40x128xi32, #tpu.memory_space<vmem>> -> memref<39x128xi32, #tpu.memory_space<vmem>>
      %dma_wait3A_70 = arith.constant 40 : i32
      %dma_wait3A_71 = arith.constant 0 : i32
      %dma_wait3A_72 = tpu.memref_slice %arg3[%add3A, %dma_wait3A_70, %dma_wait3A_71] : memref<32x79x128xi32, #tpu.memory_space<hbm>> -> memref<1x39x128xi32, #tpu.memory_space<hbm>>
      %dma_wait3A_73 = tpu.memref_squeeze %dma_wait3A_72 : memref<1x39x128xi32, #tpu.memory_space<hbm>> -> memref<39x128xi32, #tpu.memory_space<hbm>>
      %dma_wait3A_74 = arith.constant 0 : i32
      %dma_wait3A_75 = arith.constant 0 : i32
      %dma_wait3A_76 = tpu.memref_slice %arg7[%dma_wait3A_74, %dma_wait3A_75] : memref<40x128xi32, #tpu.memory_space<vmem>> -> memref<39x128xi32, #tpu.memory_space<vmem>>
      %dma_wait3A_77 = arith.constant 40 : i32
      %dma_wait3A_78 = arith.constant 0 : i32
      %dma_wait3A_79 = tpu.memref_slice %arg3[%add3A, %dma_wait3A_77, %dma_wait3A_78] : memref<32x79x128xi32, #tpu.memory_space<hbm>> -> memref<1x39x128xi32, #tpu.memory_space<hbm>>
      %dma_wait3A_80 = tpu.memref_squeeze %dma_wait3A_79 : memref<1x39x128xi32, #tpu.memory_space<hbm>> -> memref<39x128xi32, #tpu.memory_space<hbm>>
      tpu.wait_dma2 semaphore(%run_scoped3A_52 : memref<!tpu.dma_semaphore, #tpu.memory_space<semaphore_mem>>) src(%dma_wait3A_80 : memref<39x128xi32, #tpu.memory_space<hbm>>) dst(%dma_wait3A_76 : memref<39x128xi32, #tpu.memory_space<vmem>>)
      tpu.yield
    }) : () -> ()
    "tpu.region"() ({
      %run_scoped3A_52 = tpu.sem_alloc : memref<!tpu.dma_semaphore, #tpu.memory_space<semaphore_mem>>
      %dma_start3A_53 = arith.constant 0 : i32
      %dma_start3A_54 = arith.constant 0 : i32
      %dma_start3A_55 = tpu.memref_slice %arg8[%dma_start3A_53, %dma_start3A_54] : memref<40x128xi32, #tpu.memory_space<vmem>> -> memref<39x128xi32, #tpu.memory_space<vmem>>
      %dma_start3A_56 = arith.constant 40 : i32
      %dma_start3A_57 = arith.constant 0 : i32
      %dma_start3A_58 = tpu.memref_slice %arg4[%add3A, %dma_start3A_56, %dma_start3A_57] : memref<32x79x128xi32, #tpu.memory_space<hbm>> -> memref<1x39x128xi32, #tpu.memory_space<hbm>>
      %dma_start3A_59 = tpu.memref_squeeze %dma_start3A_58 : memref<1x39x128xi32, #tpu.memory_space<hbm>> -> memref<39x128xi32, #tpu.memory_space<hbm>>
      %dma_start3A_60 = arith.constant 0 : i32
      %dma_start3A_61 = arith.constant 0 : i32
      %dma_start3A_62 = tpu.memref_slice %arg8[%dma_start3A_60, %dma_start3A_61] : memref<40x128xi32, #tpu.memory_space<vmem>> -> memref<39x128xi32, #tpu.memory_space<vmem>>
      %dma_start3A_63 = arith.constant 40 : i32
      %dma_start3A_64 = arith.constant 0 : i32
      %dma_start3A_65 = tpu.memref_slice %arg4[%add3A, %dma_start3A_63, %dma_start3A_64] : memref<32x79x128xi32, #tpu.memory_space<hbm>> -> memref<1x39x128xi32, #tpu.memory_space<hbm>>
      %dma_start3A_66 = tpu.memref_squeeze %dma_start3A_65 : memref<1x39x128xi32, #tpu.memory_space<hbm>> -> memref<39x128xi32, #tpu.memory_space<hbm>>
      tpu.enqueue_dma source(%dma_start3A_66 : memref<39x128xi32, #tpu.memory_space<hbm>>) target(%dma_start3A_62 : memref<39x128xi32, #tpu.memory_space<vmem>>) target_semaphore(%run_scoped3A_52 : memref<!tpu.dma_semaphore, #tpu.memory_space<semaphore_mem>>)
      %dma_wait3A_67 = arith.constant 0 : i32
      %dma_wait3A_68 = arith.constant 0 : i32
      %dma_wait3A_69 = tpu.memref_slice %arg8[%dma_wait3A_67, %dma_wait3A_68] : memref<40x128xi32, #tpu.memory_space<vmem>> -> memref<39x128xi32, #tpu.memory_space<vmem>>
      %dma_wait3A_70 = arith.constant 40 : i32
      %dma_wait3A_71 = arith.constant 0 : i32
      %dma_wait3A_72 = tpu.memref_slice %arg4[%add3A, %dma_wait3A_70, %dma_wait3A_71] : memref<32x79x128xi32, #tpu.memory_space<hbm>> -> memref<1x39x128xi32, #tpu.memory_space<hbm>>
      %dma_wait3A_73 = tpu.memref_squeeze %dma_wait3A_72 : memref<1x39x128xi32, #tpu.memory_space<hbm>> -> memref<39x128xi32, #tpu.memory_space<hbm>>
      %dma_wait3A_74 = arith.constant 0 : i32
      %dma_wait3A_75 = arith.constant 0 : i32
      %dma_wait3A_76 = tpu.memref_slice %arg8[%dma_wait3A_74, %dma_wait3A_75] : memref<40x128xi32, #tpu.memory_space<vmem>> -> memref<39x128xi32, #tpu.memory_space<vmem>>
      %dma_wait3A_77 = arith.constant 40 : i32
      %dma_wait3A_78 = arith.constant 0 : i32
      %dma_wait3A_79 = tpu.memref_slice %arg4[%add3A, %dma_wait3A_77, %dma_wait3A_78] : memref<32x79x128xi32, #tpu.memory_space<hbm>> -> memref<1x39x128xi32, #tpu.memory_space<hbm>>
      %dma_wait3A_80 = tpu.memref_squeeze %dma_wait3A_79 : memref<1x39x128xi32, #tpu.memory_space<hbm>> -> memref<39x128xi32, #tpu.memory_space<hbm>>
      tpu.wait_dma2 semaphore(%run_scoped3A_52 : memref<!tpu.dma_semaphore, #tpu.memory_space<semaphore_mem>>) src(%dma_wait3A_80 : memref<39x128xi32, #tpu.memory_space<hbm>>) dst(%dma_wait3A_76 : memref<39x128xi32, #tpu.memory_space<vmem>>)
      tpu.yield
    }) : () -> ()
    %dma_start3A_21 = arith.constant 0 : i32
    %dma_start3A_22 = arith.constant 0 : i32
    %dma_start3A_23 = tpu.memref_slice %arg7[%dma_start3A_21, %dma_start3A_22] : memref<40x128xi32, #tpu.memory_space<vmem>> -> memref<1x128xi32, #tpu.memory_space<vmem>>
    %dma_start3A_24 = tpu.memref_squeeze %dma_start3A_23 : memref<1x128xi32, #tpu.memory_space<vmem>> -> memref<128xi32, #tpu.memory_space<vmem>>
    %dma_start3A_25 = arith.constant 0 : i32
    %dma_start3A_26 = arith.constant 0 : i32
    %dma_start3A_27 = tpu.memref_slice %arg2[%dma_start3A_25, %dma_start3A_26] : memref<10112x128xf32, #tpu.memory_space<hbm>> -> memref<10112x128xf32, #tpu.memory_space<hbm>>
    tpu.enqueue_indirect_dma source(%dma_start3A_27 : memref<10112x128xf32, #tpu.memory_space<hbm>>) target(%arg9 : memref<128x128xf32, #tpu.memory_space<vmem>>) offsets(%dma_start3A_24 : memref<128xi32, #tpu.memory_space<vmem>>) semaphore(%arg12 : memref<!tpu.dma_semaphore, #tpu.memory_space<semaphore_mem>>)
    %dma_start3A_28 = arith.constant 1 : i32
    %dma_start3A_29 = arith.constant 0 : i32
    %dma_start3A_30 = tpu.memref_slice %arg7[%dma_start3A_28, %dma_start3A_29] : memref<40x128xi32, #tpu.memory_space<vmem>> -> memref<1x128xi32, #tpu.memory_space<vmem>>
    %dma_start3A_31 = tpu.memref_squeeze %dma_start3A_30 : memref<1x128xi32, #tpu.memory_space<vmem>> -> memref<128xi32, #tpu.memory_space<vmem>>
    %dma_start3A_32 = arith.constant 0 : i32
    %dma_start3A_33 = arith.constant 0 : i32
    %dma_start3A_34 = tpu.memref_slice %arg2[%dma_start3A_32, %dma_start3A_33] : memref<10112x128xf32, #tpu.memory_space<hbm>> -> memref<10112x128xf32, #tpu.memory_space<hbm>>
    tpu.enqueue_indirect_dma source(%dma_start3A_34 : memref<10112x128xf32, #tpu.memory_space<hbm>>) target(%arg10 : memref<128x128xf32, #tpu.memory_space<vmem>>) offsets(%dma_start3A_31 : memref<128xi32, #tpu.memory_space<vmem>>) semaphore(%arg13 : memref<!tpu.dma_semaphore, #tpu.memory_space<semaphore_mem>>)
    %scan3A_35 = arith.constant 0 : i32
    %scan3A_36 = arith.constant 0 : i32
    %scan3A_37 = arith.constant 19 : i32
    %scan3A_38 = arith.addi %scan3A_36, %scan3A_37 : i32
    %scan3A_39 = arith.constant 1 : i32
    scf.for %scan3A_52 = %scan3A_36 to %scan3A_38 step %scan3A_39  : i32 {
      %mul3A_53 = arith.constant 2 : i32
      %mul3A_54 = arith.muli %mul3A_53, %scan3A_52 : i32
      %add3A_55 = arith.constant 1 : i32
      %add3A_56 = arith.addi %mul3A_54, %add3A_55 : i32
      %dma_wait3A_57 = arith.constant 0 : i32
      %dma_wait3A_58 = tpu.memref_slice %arg7[%mul3A_54, %dma_wait3A_57] : memref<40x128xi32, #tpu.memory_space<vmem>> -> memref<1x128xi32, #tpu.memory_space<vmem>>
      %dma_wait3A_59 = tpu.memref_squeeze %dma_wait3A_58 : memref<1x128xi32, #tpu.memory_space<vmem>> -> memref<128xi32, #tpu.memory_space<vmem>>
      %dma_wait3A_60 = arith.constant 0 : i32
      %dma_wait3A_61 = arith.constant 0 : i32
      %dma_wait3A_62 = tpu.memref_slice %arg2[%dma_wait3A_60, %dma_wait3A_61] : memref<10112x128xf32, #tpu.memory_space<hbm>> -> memref<10112x128xf32, #tpu.memory_space<hbm>>
      tpu.wait_indirect_dma semaphore(%arg12 : memref<!tpu.dma_semaphore, #tpu.memory_space<semaphore_mem>>) src(%dma_wait3A_62 : memref<10112x128xf32, #tpu.memory_space<hbm>>) dst(%arg9 : memref<128x128xf32, #tpu.memory_space<vmem>>)
      "tpu.region"() ({
        %run_scoped3A_80 = tpu.sem_alloc : memref<!tpu.dma_semaphore, #tpu.memory_space<semaphore_mem>>
        %dma_start3A_81 = arith.constant 0 : i32
        %dma_start3A_82 = tpu.memref_slice %arg8[%mul3A_54, %dma_start3A_81] : memref<40x128xi32, #tpu.memory_space<vmem>> -> memref<1x128xi32, #tpu.memory_space<vmem>>
        %dma_start3A_83 = tpu.memref_squeeze %dma_start3A_82 : memref<1x128xi32, #tpu.memory_space<vmem>> -> memref<128xi32, #tpu.memory_space<vmem>>
        %dma_start3A_84 = arith.constant 0 : i32
        %dma_start3A_85 = arith.constant 0 : i32
        %dma_start3A_86 = tpu.memref_slice %arg11[%dma_start3A_84, %dma_start3A_85] : memref<10112x128xf32, #tpu.memory_space<vmem_shared>> -> memref<10112x128xf32, #tpu.memory_space<vmem_shared>>
        tpu.enqueue_indirect_dma source(%arg9 : memref<128x128xf32, #tpu.memory_space<vmem>>) target(%dma_start3A_86 : memref<10112x128xf32, #tpu.memory_space<vmem_shared>>) offsets(%dma_start3A_83 : memref<128xi32, #tpu.memory_space<vmem>>) semaphore(%run_scoped3A_80 : memref<!tpu.dma_semaphore, #tpu.memory_space<semaphore_mem>>) {add = true}
        %dma_wait3A_87 = arith.constant 0 : i32
        %dma_wait3A_88 = tpu.memref_slice %arg8[%mul3A_54, %dma_wait3A_87] : memref<40x128xi32, #tpu.memory_space<vmem>> -> memref<1x128xi32, #tpu.memory_space<vmem>>
        %dma_wait3A_89 = tpu.memref_squeeze %dma_wait3A_88 : memref<1x128xi32, #tpu.memory_space<vmem>> -> memref<128xi32, #tpu.memory_space<vmem>>
        %dma_wait3A_90 = arith.constant 0 : i32
        %dma_wait3A_91 = arith.constant 0 : i32
        %dma_wait3A_92 = tpu.memref_slice %arg11[%dma_wait3A_90, %dma_wait3A_91] : memref<10112x128xf32, #tpu.memory_space<vmem_shared>> -> memref<10112x128xf32, #tpu.memory_space<vmem_shared>>
        tpu.wait_indirect_dma semaphore(%run_scoped3A_80 : memref<!tpu.dma_semaphore, #tpu.memory_space<semaphore_mem>>) src(%arg9 : memref<128x128xf32, #tpu.memory_space<vmem>>) dst(%dma_wait3A_92 : memref<10112x128xf32, #tpu.memory_space<vmem_shared>>)
        tpu.yield
      }) : () -> ()
      %add3A_63 = arith.constant 2 : i32
      %add3A_64 = arith.addi %mul3A_54, %add3A_63 : i32
      %lt3A = arith.constant 39 : i32
      %lt3A_65 = arith.cmpi slt, %add3A_64, %lt3A : i32
      %convert_element_type3A = arith.extui %lt3A_65 : i1 to i32
      %cond3A = arith.constant 0 : i32
      %cond3A_66 = arith.cmpi ne, %convert_element_type3A, %cond3A : i32
      scf.if %cond3A_66 {
        %add3A_80 = arith.constant 2 : i32
        %add3A_81 = arith.addi %mul3A_54, %add3A_80 : i32
        %dma_start3A_82 = arith.constant 0 : i32
        %dma_start3A_83 = tpu.memref_slice %arg7[%add3A_81, %dma_start3A_82] : memref<40x128xi32, #tpu.memory_space<vmem>> -> memref<1x128xi32, #tpu.memory_space<vmem>>
        %dma_start3A_84 = tpu.memref_squeeze %dma_start3A_83 : memref<1x128xi32, #tpu.memory_space<vmem>> -> memref<128xi32, #tpu.memory_space<vmem>>
        %dma_start3A_85 = arith.constant 0 : i32
        %dma_start3A_86 = arith.constant 0 : i32
        %dma_start3A_87 = tpu.memref_slice %arg2[%dma_start3A_85, %dma_start3A_86] : memref<10112x128xf32, #tpu.memory_space<hbm>> -> memref<10112x128xf32, #tpu.memory_space<hbm>>
        tpu.enqueue_indirect_dma source(%dma_start3A_87 : memref<10112x128xf32, #tpu.memory_space<hbm>>) target(%arg9 : memref<128x128xf32, #tpu.memory_space<vmem>>) offsets(%dma_start3A_84 : memref<128xi32, #tpu.memory_space<vmem>>) semaphore(%arg12 : memref<!tpu.dma_semaphore, #tpu.memory_space<semaphore_mem>>)
      } else {
      }
      %dma_wait3A_67 = arith.constant 0 : i32
      %dma_wait3A_68 = tpu.memref_slice %arg7[%add3A_56, %dma_wait3A_67] : memref<40x128xi32, #tpu.memory_space<vmem>> -> memref<1x128xi32, #tpu.memory_space<vmem>>
      %dma_wait3A_69 = tpu.memref_squeeze %dma_wait3A_68 : memref<1x128xi32, #tpu.memory_space<vmem>> -> memref<128xi32, #tpu.memory_space<vmem>>
      %dma_wait3A_70 = arith.constant 0 : i32
      %dma_wait3A_71 = arith.constant 0 : i32
      %dma_wait3A_72 = tpu.memref_slice %arg2[%dma_wait3A_70, %dma_wait3A_71] : memref<10112x128xf32, #tpu.memory_space<hbm>> -> memref<10112x128xf32, #tpu.memory_space<hbm>>
      tpu.wait_indirect_dma semaphore(%arg13 : memref<!tpu.dma_semaphore, #tpu.memory_space<semaphore_mem>>) src(%dma_wait3A_72 : memref<10112x128xf32, #tpu.memory_space<hbm>>) dst(%arg10 : memref<128x128xf32, #tpu.memory_space<vmem>>)
      "tpu.region"() ({
        %run_scoped3A_80 = tpu.sem_alloc : memref<!tpu.dma_semaphore, #tpu.memory_space<semaphore_mem>>
        %dma_start3A_81 = arith.constant 0 : i32
        %dma_start3A_82 = tpu.memref_slice %arg8[%add3A_56, %dma_start3A_81] : memref<40x128xi32, #tpu.memory_space<vmem>> -> memref<1x128xi32, #tpu.memory_space<vmem>>
        %dma_start3A_83 = tpu.memref_squeeze %dma_start3A_82 : memref<1x128xi32, #tpu.memory_space<vmem>> -> memref<128xi32, #tpu.memory_space<vmem>>
        %dma_start3A_84 = arith.constant 0 : i32
        %dma_start3A_85 = arith.constant 0 : i32
        %dma_start3A_86 = tpu.memref_slice %arg11[%dma_start3A_84, %dma_start3A_85] : memref<10112x128xf32, #tpu.memory_space<vmem_shared>> -> memref<10112x128xf32, #tpu.memory_space<vmem_shared>>
        tpu.enqueue_indirect_dma source(%arg10 : memref<128x128xf32, #tpu.memory_space<vmem>>) target(%dma_start3A_86 : memref<10112x128xf32, #tpu.memory_space<vmem_shared>>) offsets(%dma_start3A_83 : memref<128xi32, #tpu.memory_space<vmem>>) semaphore(%run_scoped3A_80 : memref<!tpu.dma_semaphore, #tpu.memory_space<semaphore_mem>>) {add = true}
        %dma_wait3A_87 = arith.constant 0 : i32
        %dma_wait3A_88 = tpu.memref_slice %arg8[%add3A_56, %dma_wait3A_87] : memref<40x128xi32, #tpu.memory_space<vmem>> -> memref<1x128xi32, #tpu.memory_space<vmem>>
        %dma_wait3A_89 = tpu.memref_squeeze %dma_wait3A_88 : memref<1x128xi32, #tpu.memory_space<vmem>> -> memref<128xi32, #tpu.memory_space<vmem>>
        %dma_wait3A_90 = arith.constant 0 : i32
        %dma_wait3A_91 = arith.constant 0 : i32
        %dma_wait3A_92 = tpu.memref_slice %arg11[%dma_wait3A_90, %dma_wait3A_91] : memref<10112x128xf32, #tpu.memory_space<vmem_shared>> -> memref<10112x128xf32, #tpu.memory_space<vmem_shared>>
        tpu.wait_indirect_dma semaphore(%run_scoped3A_80 : memref<!tpu.dma_semaphore, #tpu.memory_space<semaphore_mem>>) src(%arg10 : memref<128x128xf32, #tpu.memory_space<vmem>>) dst(%dma_wait3A_92 : memref<10112x128xf32, #tpu.memory_space<vmem_shared>>)
        tpu.yield
      }) : () -> ()
      %add3A_73 = arith.constant 2 : i32
      %add3A_74 = arith.addi %add3A_56, %add3A_73 : i32
      %lt3A_75 = arith.constant 39 : i32
      %lt3A_76 = arith.cmpi slt, %add3A_74, %lt3A_75 : i32
      %convert_element_type3A_77 = arith.extui %lt3A_76 : i1 to i32
      %cond3A_78 = arith.constant 0 : i32
      %cond3A_79 = arith.cmpi ne, %convert_element_type3A_77, %cond3A_78 : i32
      scf.if %cond3A_79 {
        %add3A_80 = arith.constant 2 : i32
        %add3A_81 = arith.addi %add3A_56, %add3A_80 : i32
        %dma_start3A_82 = arith.constant 0 : i32
        %dma_start3A_83 = tpu.memref_slice %arg7[%add3A_81, %dma_start3A_82] : memref<40x128xi32, #tpu.memory_space<vmem>> -> memref<1x128xi32, #tpu.memory_space<vmem>>
        %dma_start3A_84 = tpu.memref_squeeze %dma_start3A_83 : memref<1x128xi32, #tpu.memory_space<vmem>> -> memref<128xi32, #tpu.memory_space<vmem>>
        %dma_start3A_85 = arith.constant 0 : i32
        %dma_start3A_86 = arith.constant 0 : i32
        %dma_start3A_87 = tpu.memref_slice %arg2[%dma_start3A_85, %dma_start3A_86] : memref<10112x128xf32, #tpu.memory_space<hbm>> -> memref<10112x128xf32, #tpu.memory_space<hbm>>
        tpu.enqueue_indirect_dma source(%dma_start3A_87 : memref<10112x128xf32, #tpu.memory_space<hbm>>) target(%arg10 : memref<128x128xf32, #tpu.memory_space<vmem>>) offsets(%dma_start3A_84 : memref<128xi32, #tpu.memory_space<vmem>>) semaphore(%arg13 : memref<!tpu.dma_semaphore, #tpu.memory_space<semaphore_mem>>)
      } else {
      }
    }
    %scan3A_40 = arith.constant 19 : i32
    %dma_wait3A = arith.constant 38 : i32
    %dma_wait3A_41 = arith.constant 0 : i32
    %dma_wait3A_42 = tpu.memref_slice %arg7[%dma_wait3A, %dma_wait3A_41] : memref<40x128xi32, #tpu.memory_space<vmem>> -> memref<1x128xi32, #tpu.memory_space<vmem>>
    %dma_wait3A_43 = tpu.memref_squeeze %dma_wait3A_42 : memref<1x128xi32, #tpu.memory_space<vmem>> -> memref<128xi32, #tpu.memory_space<vmem>>
    %dma_wait3A_44 = arith.constant 0 : i32
    %dma_wait3A_45 = arith.constant 0 : i32
    %dma_wait3A_46 = tpu.memref_slice %arg2[%dma_wait3A_44, %dma_wait3A_45] : memref<10112x128xf32, #tpu.memory_space<hbm>> -> memref<10112x128xf32, #tpu.memory_space<hbm>>
    tpu.wait_indirect_dma semaphore(%arg12 : memref<!tpu.dma_semaphore, #tpu.memory_space<semaphore_mem>>) src(%dma_wait3A_46 : memref<10112x128xf32, #tpu.memory_space<hbm>>) dst(%arg9 : memref<128x128xf32, #tpu.memory_space<vmem>>)
    %run_scoped3A = arith.constant 38 : i32
    "tpu.region"() ({
      %run_scoped3A_52 = tpu.sem_alloc : memref<!tpu.dma_semaphore, #tpu.memory_space<semaphore_mem>>
      %dma_start3A_53 = arith.constant 0 : i32
      %dma_start3A_54 = tpu.memref_slice %arg8[%run_scoped3A, %dma_start3A_53] : memref<40x128xi32, #tpu.memory_space<vmem>> -> memref<1x128xi32, #tpu.memory_space<vmem>>
      %dma_start3A_55 = tpu.memref_squeeze %dma_start3A_54 : memref<1x128xi32, #tpu.memory_space<vmem>> -> memref<128xi32, #tpu.memory_space<vmem>>
      %dma_start3A_56 = arith.constant 0 : i32
      %dma_start3A_57 = arith.constant 0 : i32
      %dma_start3A_58 = tpu.memref_slice %arg11[%dma_start3A_56, %dma_start3A_57] : memref<10112x128xf32, #tpu.memory_space<vmem_shared>> -> memref<10112x128xf32, #tpu.memory_space<vmem_shared>>
      tpu.enqueue_indirect_dma source(%arg9 : memref<128x128xf32, #tpu.memory_space<vmem>>) target(%dma_start3A_58 : memref<10112x128xf32, #tpu.memory_space<vmem_shared>>) offsets(%dma_start3A_55 : memref<128xi32, #tpu.memory_space<vmem>>) semaphore(%run_scoped3A_52 : memref<!tpu.dma_semaphore, #tpu.memory_space<semaphore_mem>>) {add = true}
      %dma_wait3A_59 = arith.constant 0 : i32
      %dma_wait3A_60 = tpu.memref_slice %arg8[%run_scoped3A, %dma_wait3A_59] : memref<40x128xi32, #tpu.memory_space<vmem>> -> memref<1x128xi32, #tpu.memory_space<vmem>>
      %dma_wait3A_61 = tpu.memref_squeeze %dma_wait3A_60 : memref<1x128xi32, #tpu.memory_space<vmem>> -> memref<128xi32, #tpu.memory_space<vmem>>
      %dma_wait3A_62 = arith.constant 0 : i32
      %dma_wait3A_63 = arith.constant 0 : i32
      %dma_wait3A_64 = tpu.memref_slice %arg11[%dma_wait3A_62, %dma_wait3A_63] : memref<10112x128xf32, #tpu.memory_space<vmem_shared>> -> memref<10112x128xf32, #tpu.memory_space<vmem_shared>>
      tpu.wait_indirect_dma semaphore(%run_scoped3A_52 : memref<!tpu.dma_semaphore, #tpu.memory_space<semaphore_mem>>) src(%arg9 : memref<128x128xf32, #tpu.memory_space<vmem>>) dst(%dma_wait3A_64 : memref<10112x128xf32, #tpu.memory_space<vmem_shared>>)
      tpu.yield
    }) : () -> ()
    %barrier3A_47 = arith.constant 0 : index
    tpu.barrier barrier_id(%barrier3A_47)
    %mul3A_48 = arith.constant 632 : i32
    %mul3A_49 = arith.muli %arg1, %mul3A_48 : i32
    %mul3A_50 = arith.constant 632 : i32
    %mul3A_51 = arith.muli %arg1, %mul3A_50 : i32
    "tpu.region"() ({
      %run_scoped3A_52 = tpu.sem_alloc : memref<!tpu.dma_semaphore, #tpu.memory_space<semaphore_mem>>
      %dma_start3A_53 = arith.constant 0 : i32
      %dma_start3A_54 = tpu.memref_slice %arg6[%arg0, %mul3A_51, %dma_start3A_53] : memref<2x10112x128xf32, #tpu.memory_space<hbm>> -> memref<1x632x128xf32, #tpu.memory_space<hbm>>
      %dma_start3A_55 = tpu.memref_squeeze %dma_start3A_54 : memref<1x632x128xf32, #tpu.memory_space<hbm>> -> memref<632x128xf32, #tpu.memory_space<hbm>>
      %dma_start3A_56 = arith.constant 0 : i32
      %dma_start3A_57 = tpu.memref_slice %arg11[%mul3A_49, %dma_start3A_56] : memref<10112x128xf32, #tpu.memory_space<vmem_shared>> -> memref<632x128xf32, #tpu.memory_space<vmem_shared>>
      tpu.enqueue_dma source(%dma_start3A_57 : memref<632x128xf32, #tpu.memory_space<vmem_shared>>) target(%dma_start3A_55 : memref<632x128xf32, #tpu.memory_space<hbm>>) target_semaphore(%run_scoped3A_52 : memref<!tpu.dma_semaphore, #tpu.memory_space<semaphore_mem>>)
      %dma_wait3A_58 = arith.constant 0 : i32
      %dma_wait3A_59 = tpu.memref_slice %arg6[%arg0, %mul3A_51, %dma_wait3A_58] : memref<2x10112x128xf32, #tpu.memory_space<hbm>> -> memref<1x632x128xf32, #tpu.memory_space<hbm>>
      %dma_wait3A_60 = tpu.memref_squeeze %dma_wait3A_59 : memref<1x632x128xf32, #tpu.memory_space<hbm>> -> memref<632x128xf32, #tpu.memory_space<hbm>>
      %dma_wait3A_61 = arith.constant 0 : i32
      %dma_wait3A_62 = tpu.memref_slice %arg11[%mul3A_49, %dma_wait3A_61] : memref<10112x128xf32, #tpu.memory_space<vmem_shared>> -> memref<632x128xf32, #tpu.memory_space<vmem_shared>>
      tpu.wait_dma2 semaphore(%run_scoped3A_52 : memref<!tpu.dma_semaphore, #tpu.memory_space<semaphore_mem>>) src(%dma_wait3A_62 : memref<632x128xf32, #tpu.memory_space<vmem_shared>>) dst(%dma_wait3A_60 : memref<632x128xf32, #tpu.memory_space<hbm>>)
      tpu.yield
    }) : () -> ()
    return
  }
}

#map = affine_map<(d0, d1) -> (0, 0)>
#map1 = affine_map<(d0, d1) -> (0, 0, 0)>
module attributes {stable_mosaic.version = 14 : i64} {
  func.func @_agg_sc(%arg0: i32, %arg1: i32, %arg2: memref<10112x128xf32, #tpu.memory_space<hbm>>, %arg3: memref<32x79x128xi32, #tpu.memory_space<hbm>>, %arg4: memref<32x79x128xi32, #tpu.memory_space<hbm>>, %arg5: memref<632x128xf32, #tpu.memory_space<hbm>>, %arg6: memref<2x10112x128xf32, #tpu.memory_space<hbm>>, %arg7: memref<40x128xi32, #tpu.memory_space<vmem>>, %arg8: memref<40x128xi32, #tpu.memory_space<vmem>>, %arg9: memref<128x128xf32, #tpu.memory_space<vmem>>, %arg10: memref<128x128xf32, #tpu.memory_space<vmem>>, %arg11: memref<10112x128xf32, #tpu.memory_space<vmem_shared>>, %arg12: memref<!tpu.dma_semaphore, #tpu.memory_space<semaphore_mem>>, %arg13: memref<!tpu.dma_semaphore, #tpu.memory_space<semaphore_mem>>) attributes {dimension_semantics = [#tpu.dimension_semantics<core_parallel>, #tpu.dimension_semantics<subcore_parallel>], iteration_bounds = array<i64: 2, 16>, scalar_prefetch = 0 : i64, scratch_operands = 7 : i64, tpu.core_type = #tpu.core_type<sc_vector_subcore>, window_params = [{transform_indices = #map}, {transform_indices = #map1}, {transform_indices = #map1}, {transform_indices = #map}, {transform_indices = #map1}]} {
    %mul3A = arith.constant 16 : i32
    %mul3A_0 = arith.muli %arg0, %mul3A : i32
    %add3A = arith.addi %mul3A_0, %arg1 : i32
    %mul3A_1 = arith.constant 632 : i32
    %mul3A_2 = arith.muli %arg1, %mul3A_1 : i32
    "tpu.region"() ({
      %run_scoped3A_52 = tpu.sem_alloc : memref<!tpu.dma_semaphore, #tpu.memory_space<semaphore_mem>>
      %dma_start3A_53 = arith.constant 0 : i32
      %dma_start3A_54 = tpu.memref_slice %arg11[%mul3A_2, %dma_start3A_53] : memref<10112x128xf32, #tpu.memory_space<vmem_shared>> -> memref<632x128xf32, #tpu.memory_space<vmem_shared>>
      tpu.enqueue_dma source(%arg5 : memref<632x128xf32, #tpu.memory_space<hbm>>) target(%dma_start3A_54 : memref<632x128xf32, #tpu.memory_space<vmem_shared>>) target_semaphore(%run_scoped3A_52 : memref<!tpu.dma_semaphore, #tpu.memory_space<semaphore_mem>>)
      %dma_wait3A_55 = arith.constant 0 : i32
      %dma_wait3A_56 = tpu.memref_slice %arg11[%mul3A_2, %dma_wait3A_55] : memref<10112x128xf32, #tpu.memory_space<vmem_shared>> -> memref<632x128xf32, #tpu.memory_space<vmem_shared>>
      tpu.wait_dma2 semaphore(%run_scoped3A_52 : memref<!tpu.dma_semaphore, #tpu.memory_space<semaphore_mem>>) src(%arg5 : memref<632x128xf32, #tpu.memory_space<hbm>>) dst(%dma_wait3A_56 : memref<632x128xf32, #tpu.memory_space<vmem_shared>>)
      tpu.yield
    }) : () -> ()
    %barrier3A = arith.constant 0 : index
    tpu.barrier barrier_id(%barrier3A)
    "tpu.region"() ({
      %run_scoped3A_52 = tpu.sem_alloc : memref<!tpu.dma_semaphore, #tpu.memory_space<semaphore_mem>>
      %dma_start3A_53 = arith.constant 0 : i32
      %dma_start3A_54 = arith.constant 0 : i32
      %dma_start3A_55 = tpu.memref_slice %arg7[%dma_start3A_53, %dma_start3A_54] : memref<40x128xi32, #tpu.memory_space<vmem>> -> memref<40x128xi32, #tpu.memory_space<vmem>>
      %dma_start3A_56 = arith.constant 0 : i32
      %dma_start3A_57 = arith.constant 0 : i32
      %dma_start3A_58 = tpu.memref_slice %arg3[%add3A, %dma_start3A_56, %dma_start3A_57] : memref<32x79x128xi32, #tpu.memory_space<hbm>> -> memref<1x40x128xi32, #tpu.memory_space<hbm>>
      %dma_start3A_59 = tpu.memref_squeeze %dma_start3A_58 : memref<1x40x128xi32, #tpu.memory_space<hbm>> -> memref<40x128xi32, #tpu.memory_space<hbm>>
      %dma_start3A_60 = arith.constant 0 : i32
      %dma_start3A_61 = arith.constant 0 : i32
      %dma_start3A_62 = tpu.memref_slice %arg7[%dma_start3A_60, %dma_start3A_61] : memref<40x128xi32, #tpu.memory_space<vmem>> -> memref<40x128xi32, #tpu.memory_space<vmem>>
      %dma_start3A_63 = arith.constant 0 : i32
      %dma_start3A_64 = arith.constant 0 : i32
      %dma_start3A_65 = tpu.memref_slice %arg3[%add3A, %dma_start3A_63, %dma_start3A_64] : memref<32x79x128xi32, #tpu.memory_space<hbm>> -> memref<1x40x128xi32, #tpu.memory_space<hbm>>
      %dma_start3A_66 = tpu.memref_squeeze %dma_start3A_65 : memref<1x40x128xi32, #tpu.memory_space<hbm>> -> memref<40x128xi32, #tpu.memory_space<hbm>>
      tpu.enqueue_dma source(%dma_start3A_66 : memref<40x128xi32, #tpu.memory_space<hbm>>) target(%dma_start3A_62 : memref<40x128xi32, #tpu.memory_space<vmem>>) target_semaphore(%run_scoped3A_52 : memref<!tpu.dma_semaphore, #tpu.memory_space<semaphore_mem>>)
      %dma_wait3A_67 = arith.constant 0 : i32
      %dma_wait3A_68 = arith.constant 0 : i32
      %dma_wait3A_69 = tpu.memref_slice %arg7[%dma_wait3A_67, %dma_wait3A_68] : memref<40x128xi32, #tpu.memory_space<vmem>> -> memref<40x128xi32, #tpu.memory_space<vmem>>
      %dma_wait3A_70 = arith.constant 0 : i32
      %dma_wait3A_71 = arith.constant 0 : i32
      %dma_wait3A_72 = tpu.memref_slice %arg3[%add3A, %dma_wait3A_70, %dma_wait3A_71] : memref<32x79x128xi32, #tpu.memory_space<hbm>> -> memref<1x40x128xi32, #tpu.memory_space<hbm>>
      %dma_wait3A_73 = tpu.memref_squeeze %dma_wait3A_72 : memref<1x40x128xi32, #tpu.memory_space<hbm>> -> memref<40x128xi32, #tpu.memory_space<hbm>>
      %dma_wait3A_74 = arith.constant 0 : i32
      %dma_wait3A_75 = arith.constant 0 : i32
      %dma_wait3A_76 = tpu.memref_slice %arg7[%dma_wait3A_74, %dma_wait3A_75] : memref<40x128xi32, #tpu.memory_space<vmem>> -> memref<40x128xi32, #tpu.memory_space<vmem>>
      %dma_wait3A_77 = arith.constant 0 : i32
      %dma_wait3A_78 = arith.constant 0 : i32
      %dma_wait3A_79 = tpu.memref_slice %arg3[%add3A, %dma_wait3A_77, %dma_wait3A_78] : memref<32x79x128xi32, #tpu.memory_space<hbm>> -> memref<1x40x128xi32, #tpu.memory_space<hbm>>
      %dma_wait3A_80 = tpu.memref_squeeze %dma_wait3A_79 : memref<1x40x128xi32, #tpu.memory_space<hbm>> -> memref<40x128xi32, #tpu.memory_space<hbm>>
      tpu.wait_dma2 semaphore(%run_scoped3A_52 : memref<!tpu.dma_semaphore, #tpu.memory_space<semaphore_mem>>) src(%dma_wait3A_80 : memref<40x128xi32, #tpu.memory_space<hbm>>) dst(%dma_wait3A_76 : memref<40x128xi32, #tpu.memory_space<vmem>>)
      tpu.yield
    }) : () -> ()
    "tpu.region"() ({
      %run_scoped3A_52 = tpu.sem_alloc : memref<!tpu.dma_semaphore, #tpu.memory_space<semaphore_mem>>
      %dma_start3A_53 = arith.constant 0 : i32
      %dma_start3A_54 = arith.constant 0 : i32
      %dma_start3A_55 = tpu.memref_slice %arg8[%dma_start3A_53, %dma_start3A_54] : memref<40x128xi32, #tpu.memory_space<vmem>> -> memref<40x128xi32, #tpu.memory_space<vmem>>
      %dma_start3A_56 = arith.constant 0 : i32
      %dma_start3A_57 = arith.constant 0 : i32
      %dma_start3A_58 = tpu.memref_slice %arg4[%add3A, %dma_start3A_56, %dma_start3A_57] : memref<32x79x128xi32, #tpu.memory_space<hbm>> -> memref<1x40x128xi32, #tpu.memory_space<hbm>>
      %dma_start3A_59 = tpu.memref_squeeze %dma_start3A_58 : memref<1x40x128xi32, #tpu.memory_space<hbm>> -> memref<40x128xi32, #tpu.memory_space<hbm>>
      %dma_start3A_60 = arith.constant 0 : i32
      %dma_start3A_61 = arith.constant 0 : i32
      %dma_start3A_62 = tpu.memref_slice %arg8[%dma_start3A_60, %dma_start3A_61] : memref<40x128xi32, #tpu.memory_space<vmem>> -> memref<40x128xi32, #tpu.memory_space<vmem>>
      %dma_start3A_63 = arith.constant 0 : i32
      %dma_start3A_64 = arith.constant 0 : i32
      %dma_start3A_65 = tpu.memref_slice %arg4[%add3A, %dma_start3A_63, %dma_start3A_64] : memref<32x79x128xi32, #tpu.memory_space<hbm>> -> memref<1x40x128xi32, #tpu.memory_space<hbm>>
      %dma_start3A_66 = tpu.memref_squeeze %dma_start3A_65 : memref<1x40x128xi32, #tpu.memory_space<hbm>> -> memref<40x128xi32, #tpu.memory_space<hbm>>
      tpu.enqueue_dma source(%dma_start3A_66 : memref<40x128xi32, #tpu.memory_space<hbm>>) target(%dma_start3A_62 : memref<40x128xi32, #tpu.memory_space<vmem>>) target_semaphore(%run_scoped3A_52 : memref<!tpu.dma_semaphore, #tpu.memory_space<semaphore_mem>>)
      %dma_wait3A_67 = arith.constant 0 : i32
      %dma_wait3A_68 = arith.constant 0 : i32
      %dma_wait3A_69 = tpu.memref_slice %arg8[%dma_wait3A_67, %dma_wait3A_68] : memref<40x128xi32, #tpu.memory_space<vmem>> -> memref<40x128xi32, #tpu.memory_space<vmem>>
      %dma_wait3A_70 = arith.constant 0 : i32
      %dma_wait3A_71 = arith.constant 0 : i32
      %dma_wait3A_72 = tpu.memref_slice %arg4[%add3A, %dma_wait3A_70, %dma_wait3A_71] : memref<32x79x128xi32, #tpu.memory_space<hbm>> -> memref<1x40x128xi32, #tpu.memory_space<hbm>>
      %dma_wait3A_73 = tpu.memref_squeeze %dma_wait3A_72 : memref<1x40x128xi32, #tpu.memory_space<hbm>> -> memref<40x128xi32, #tpu.memory_space<hbm>>
      %dma_wait3A_74 = arith.constant 0 : i32
      %dma_wait3A_75 = arith.constant 0 : i32
      %dma_wait3A_76 = tpu.memref_slice %arg8[%dma_wait3A_74, %dma_wait3A_75] : memref<40x128xi32, #tpu.memory_space<vmem>> -> memref<40x128xi32, #tpu.memory_space<vmem>>
      %dma_wait3A_77 = arith.constant 0 : i32
      %dma_wait3A_78 = arith.constant 0 : i32
      %dma_wait3A_79 = tpu.memref_slice %arg4[%add3A, %dma_wait3A_77, %dma_wait3A_78] : memref<32x79x128xi32, #tpu.memory_space<hbm>> -> memref<1x40x128xi32, #tpu.memory_space<hbm>>
      %dma_wait3A_80 = tpu.memref_squeeze %dma_wait3A_79 : memref<1x40x128xi32, #tpu.memory_space<hbm>> -> memref<40x128xi32, #tpu.memory_space<hbm>>
      tpu.wait_dma2 semaphore(%run_scoped3A_52 : memref<!tpu.dma_semaphore, #tpu.memory_space<semaphore_mem>>) src(%dma_wait3A_80 : memref<40x128xi32, #tpu.memory_space<hbm>>) dst(%dma_wait3A_76 : memref<40x128xi32, #tpu.memory_space<vmem>>)
      tpu.yield
    }) : () -> ()
    %dma_start3A = arith.constant 0 : i32
    %dma_start3A_3 = arith.constant 0 : i32
    %dma_start3A_4 = tpu.memref_slice %arg7[%dma_start3A, %dma_start3A_3] : memref<40x128xi32, #tpu.memory_space<vmem>> -> memref<1x128xi32, #tpu.memory_space<vmem>>
    %dma_start3A_5 = tpu.memref_squeeze %dma_start3A_4 : memref<1x128xi32, #tpu.memory_space<vmem>> -> memref<128xi32, #tpu.memory_space<vmem>>
    %dma_start3A_6 = arith.constant 0 : i32
    %dma_start3A_7 = arith.constant 0 : i32
    %dma_start3A_8 = tpu.memref_slice %arg2[%dma_start3A_6, %dma_start3A_7] : memref<10112x128xf32, #tpu.memory_space<hbm>> -> memref<10112x128xf32, #tpu.memory_space<hbm>>
    tpu.enqueue_indirect_dma source(%dma_start3A_8 : memref<10112x128xf32, #tpu.memory_space<hbm>>) target(%arg9 : memref<128x128xf32, #tpu.memory_space<vmem>>) offsets(%dma_start3A_5 : memref<128xi32, #tpu.memory_space<vmem>>) semaphore(%arg12 : memref<!tpu.dma_semaphore, #tpu.memory_space<semaphore_mem>>)
    %dma_start3A_9 = arith.constant 1 : i32
    %dma_start3A_10 = arith.constant 0 : i32
    %dma_start3A_11 = tpu.memref_slice %arg7[%dma_start3A_9, %dma_start3A_10] : memref<40x128xi32, #tpu.memory_space<vmem>> -> memref<1x128xi32, #tpu.memory_space<vmem>>
    %dma_start3A_12 = tpu.memref_squeeze %dma_start3A_11 : memref<1x128xi32, #tpu.memory_space<vmem>> -> memref<128xi32, #tpu.memory_space<vmem>>
    %dma_start3A_13 = arith.constant 0 : i32
    %dma_start3A_14 = arith.constant 0 : i32
    %dma_start3A_15 = tpu.memref_slice %arg2[%dma_start3A_13, %dma_start3A_14] : memref<10112x128xf32, #tpu.memory_space<hbm>> -> memref<10112x128xf32, #tpu.memory_space<hbm>>
    tpu.enqueue_indirect_dma source(%dma_start3A_15 : memref<10112x128xf32, #tpu.memory_space<hbm>>) target(%arg10 : memref<128x128xf32, #tpu.memory_space<vmem>>) offsets(%dma_start3A_12 : memref<128xi32, #tpu.memory_space<vmem>>) semaphore(%arg13 : memref<!tpu.dma_semaphore, #tpu.memory_space<semaphore_mem>>)
    %scan3A = arith.constant 0 : i32
    %scan3A_16 = arith.constant 0 : i32
    %scan3A_17 = arith.constant 20 : i32
    %scan3A_18 = arith.addi %scan3A_16, %scan3A_17 : i32
    %scan3A_19 = arith.constant 1 : i32
    scf.for %scan3A_52 = %scan3A_16 to %scan3A_18 step %scan3A_19  : i32 {
      %mul3A_53 = arith.constant 2 : i32
      %mul3A_54 = arith.muli %mul3A_53, %scan3A_52 : i32
      %add3A_55 = arith.constant 1 : i32
      %add3A_56 = arith.addi %mul3A_54, %add3A_55 : i32
      %dma_wait3A_57 = arith.constant 0 : i32
      %dma_wait3A_58 = tpu.memref_slice %arg7[%mul3A_54, %dma_wait3A_57] : memref<40x128xi32, #tpu.memory_space<vmem>> -> memref<1x128xi32, #tpu.memory_space<vmem>>
      %dma_wait3A_59 = tpu.memref_squeeze %dma_wait3A_58 : memref<1x128xi32, #tpu.memory_space<vmem>> -> memref<128xi32, #tpu.memory_space<vmem>>
      %dma_wait3A_60 = arith.constant 0 : i32
      %dma_wait3A_61 = arith.constant 0 : i32
      %dma_wait3A_62 = tpu.memref_slice %arg2[%dma_wait3A_60, %dma_wait3A_61] : memref<10112x128xf32, #tpu.memory_space<hbm>> -> memref<10112x128xf32, #tpu.memory_space<hbm>>
      tpu.wait_indirect_dma semaphore(%arg12 : memref<!tpu.dma_semaphore, #tpu.memory_space<semaphore_mem>>) src(%dma_wait3A_62 : memref<10112x128xf32, #tpu.memory_space<hbm>>) dst(%arg9 : memref<128x128xf32, #tpu.memory_space<vmem>>)
      "tpu.region"() ({
        %run_scoped3A_80 = tpu.sem_alloc : memref<!tpu.dma_semaphore, #tpu.memory_space<semaphore_mem>>
        %dma_start3A_81 = arith.constant 0 : i32
        %dma_start3A_82 = tpu.memref_slice %arg8[%mul3A_54, %dma_start3A_81] : memref<40x128xi32, #tpu.memory_space<vmem>> -> memref<1x128xi32, #tpu.memory_space<vmem>>
        %dma_start3A_83 = tpu.memref_squeeze %dma_start3A_82 : memref<1x128xi32, #tpu.memory_space<vmem>> -> memref<128xi32, #tpu.memory_space<vmem>>
        %dma_start3A_84 = arith.constant 0 : i32
        %dma_start3A_85 = arith.constant 0 : i32
        %dma_start3A_86 = tpu.memref_slice %arg11[%dma_start3A_84, %dma_start3A_85] : memref<10112x128xf32, #tpu.memory_space<vmem_shared>> -> memref<10112x128xf32, #tpu.memory_space<vmem_shared>>
        tpu.enqueue_indirect_dma source(%arg9 : memref<128x128xf32, #tpu.memory_space<vmem>>) target(%dma_start3A_86 : memref<10112x128xf32, #tpu.memory_space<vmem_shared>>) offsets(%dma_start3A_83 : memref<128xi32, #tpu.memory_space<vmem>>) semaphore(%run_scoped3A_80 : memref<!tpu.dma_semaphore, #tpu.memory_space<semaphore_mem>>) {add = true}
        %dma_wait3A_87 = arith.constant 0 : i32
        %dma_wait3A_88 = tpu.memref_slice %arg8[%mul3A_54, %dma_wait3A_87] : memref<40x128xi32, #tpu.memory_space<vmem>> -> memref<1x128xi32, #tpu.memory_space<vmem>>
        %dma_wait3A_89 = tpu.memref_squeeze %dma_wait3A_88 : memref<1x128xi32, #tpu.memory_space<vmem>> -> memref<128xi32, #tpu.memory_space<vmem>>
        %dma_wait3A_90 = arith.constant 0 : i32
        %dma_wait3A_91 = arith.constant 0 : i32
        %dma_wait3A_92 = tpu.memref_slice %arg11[%dma_wait3A_90, %dma_wait3A_91] : memref<10112x128xf32, #tpu.memory_space<vmem_shared>> -> memref<10112x128xf32, #tpu.memory_space<vmem_shared>>
        tpu.wait_indirect_dma semaphore(%run_scoped3A_80 : memref<!tpu.dma_semaphore, #tpu.memory_space<semaphore_mem>>) src(%arg9 : memref<128x128xf32, #tpu.memory_space<vmem>>) dst(%dma_wait3A_92 : memref<10112x128xf32, #tpu.memory_space<vmem_shared>>)
        tpu.yield
      }) : () -> ()
      %add3A_63 = arith.constant 2 : i32
      %add3A_64 = arith.addi %mul3A_54, %add3A_63 : i32
      %lt3A = arith.constant 40 : i32
      %lt3A_65 = arith.cmpi slt, %add3A_64, %lt3A : i32
      %convert_element_type3A = arith.extui %lt3A_65 : i1 to i32
      %cond3A = arith.constant 0 : i32
      %cond3A_66 = arith.cmpi ne, %convert_element_type3A, %cond3A : i32
      scf.if %cond3A_66 {
        %add3A_80 = arith.constant 2 : i32
        %add3A_81 = arith.addi %mul3A_54, %add3A_80 : i32
        %dma_start3A_82 = arith.constant 0 : i32
        %dma_start3A_83 = tpu.memref_slice %arg7[%add3A_81, %dma_start3A_82] : memref<40x128xi32, #tpu.memory_space<vmem>> -> memref<1x128xi32, #tpu.memory_space<vmem>>
        %dma_start3A_84 = tpu.memref_squeeze %dma_start3A_83 : memref<1x128xi32, #tpu.memory_space<vmem>> -> memref<128xi32, #tpu.memory_space<vmem>>
        %dma_start3A_85 = arith.constant 0 : i32
        %dma_start3A_86 = arith.constant 0 : i32
        %dma_start3A_87 = tpu.memref_slice %arg2[%dma_start3A_85, %dma_start3A_86] : memref<10112x128xf32, #tpu.memory_space<hbm>> -> memref<10112x128xf32, #tpu.memory_space<hbm>>
        tpu.enqueue_indirect_dma source(%dma_start3A_87 : memref<10112x128xf32, #tpu.memory_space<hbm>>) target(%arg9 : memref<128x128xf32, #tpu.memory_space<vmem>>) offsets(%dma_start3A_84 : memref<128xi32, #tpu.memory_space<vmem>>) semaphore(%arg12 : memref<!tpu.dma_semaphore, #tpu.memory_space<semaphore_mem>>)
      } else {
      }
      %dma_wait3A_67 = arith.constant 0 : i32
      %dma_wait3A_68 = tpu.memref_slice %arg7[%add3A_56, %dma_wait3A_67] : memref<40x128xi32, #tpu.memory_space<vmem>> -> memref<1x128xi32, #tpu.memory_space<vmem>>
      %dma_wait3A_69 = tpu.memref_squeeze %dma_wait3A_68 : memref<1x128xi32, #tpu.memory_space<vmem>> -> memref<128xi32, #tpu.memory_space<vmem>>
      %dma_wait3A_70 = arith.constant 0 : i32
      %dma_wait3A_71 = arith.constant 0 : i32
      %dma_wait3A_72 = tpu.memref_slice %arg2[%dma_wait3A_70, %dma_wait3A_71] : memref<10112x128xf32, #tpu.memory_space<hbm>> -> memref<10112x128xf32, #tpu.memory_space<hbm>>
      tpu.wait_indirect_dma semaphore(%arg13 : memref<!tpu.dma_semaphore, #tpu.memory_space<semaphore_mem>>) src(%dma_wait3A_72 : memref<10112x128xf32, #tpu.memory_space<hbm>>) dst(%arg10 : memref<128x128xf32, #tpu.memory_space<vmem>>)
      "tpu.region"() ({
        %run_scoped3A_80 = tpu.sem_alloc : memref<!tpu.dma_semaphore, #tpu.memory_space<semaphore_mem>>
        %dma_start3A_81 = arith.constant 0 : i32
        %dma_start3A_82 = tpu.memref_slice %arg8[%add3A_56, %dma_start3A_81] : memref<40x128xi32, #tpu.memory_space<vmem>> -> memref<1x128xi32, #tpu.memory_space<vmem>>
        %dma_start3A_83 = tpu.memref_squeeze %dma_start3A_82 : memref<1x128xi32, #tpu.memory_space<vmem>> -> memref<128xi32, #tpu.memory_space<vmem>>
        %dma_start3A_84 = arith.constant 0 : i32
        %dma_start3A_85 = arith.constant 0 : i32
        %dma_start3A_86 = tpu.memref_slice %arg11[%dma_start3A_84, %dma_start3A_85] : memref<10112x128xf32, #tpu.memory_space<vmem_shared>> -> memref<10112x128xf32, #tpu.memory_space<vmem_shared>>
        tpu.enqueue_indirect_dma source(%arg10 : memref<128x128xf32, #tpu.memory_space<vmem>>) target(%dma_start3A_86 : memref<10112x128xf32, #tpu.memory_space<vmem_shared>>) offsets(%dma_start3A_83 : memref<128xi32, #tpu.memory_space<vmem>>) semaphore(%run_scoped3A_80 : memref<!tpu.dma_semaphore, #tpu.memory_space<semaphore_mem>>) {add = true}
        %dma_wait3A_87 = arith.constant 0 : i32
        %dma_wait3A_88 = tpu.memref_slice %arg8[%add3A_56, %dma_wait3A_87] : memref<40x128xi32, #tpu.memory_space<vmem>> -> memref<1x128xi32, #tpu.memory_space<vmem>>
        %dma_wait3A_89 = tpu.memref_squeeze %dma_wait3A_88 : memref<1x128xi32, #tpu.memory_space<vmem>> -> memref<128xi32, #tpu.memory_space<vmem>>
        %dma_wait3A_90 = arith.constant 0 : i32
        %dma_wait3A_91 = arith.constant 0 : i32
        %dma_wait3A_92 = tpu.memref_slice %arg11[%dma_wait3A_90, %dma_wait3A_91] : memref<10112x128xf32, #tpu.memory_space<vmem_shared>> -> memref<10112x128xf32, #tpu.memory_space<vmem_shared>>
        tpu.wait_indirect_dma semaphore(%run_scoped3A_80 : memref<!tpu.dma_semaphore, #tpu.memory_space<semaphore_mem>>) src(%arg10 : memref<128x128xf32, #tpu.memory_space<vmem>>) dst(%dma_wait3A_92 : memref<10112x128xf32, #tpu.memory_space<vmem_shared>>)
        tpu.yield
      }) : () -> ()
      %add3A_73 = arith.constant 2 : i32
      %add3A_74 = arith.addi %add3A_56, %add3A_73 : i32
      %lt3A_75 = arith.constant 40 : i32
      %lt3A_76 = arith.cmpi slt, %add3A_74, %lt3A_75 : i32
      %convert_element_type3A_77 = arith.extui %lt3A_76 : i1 to i32
      %cond3A_78 = arith.constant 0 : i32
      %cond3A_79 = arith.cmpi ne, %convert_element_type3A_77, %cond3A_78 : i32
      scf.if %cond3A_79 {
        %add3A_80 = arith.constant 2 : i32
        %add3A_81 = arith.addi %add3A_56, %add3A_80 : i32
        %dma_start3A_82 = arith.constant 0 : i32
        %dma_start3A_83 = tpu.memref_slice %arg7[%add3A_81, %dma_start3A_82] : memref<40x128xi32, #tpu.memory_space<vmem>> -> memref<1x128xi32, #tpu.memory_space<vmem>>
        %dma_start3A_84 = tpu.memref_squeeze %dma_start3A_83 : memref<1x128xi32, #tpu.memory_space<vmem>> -> memref<128xi32, #tpu.memory_space<vmem>>
        %dma_start3A_85 = arith.constant 0 : i32
        %dma_start3A_86 = arith.constant 0 : i32
        %dma_start3A_87 = tpu.memref_slice %arg2[%dma_start3A_85, %dma_start3A_86] : memref<10112x128xf32, #tpu.memory_space<hbm>> -> memref<10112x128xf32, #tpu.memory_space<hbm>>
        tpu.enqueue_indirect_dma source(%dma_start3A_87 : memref<10112x128xf32, #tpu.memory_space<hbm>>) target(%arg10 : memref<128x128xf32, #tpu.memory_space<vmem>>) offsets(%dma_start3A_84 : memref<128xi32, #tpu.memory_space<vmem>>) semaphore(%arg13 : memref<!tpu.dma_semaphore, #tpu.memory_space<semaphore_mem>>)
      } else {
      }
    }
    %scan3A_20 = arith.constant 20 : i32
    "tpu.region"() ({
      %run_scoped3A_52 = tpu.sem_alloc : memref<!tpu.dma_semaphore, #tpu.memory_space<semaphore_mem>>
      %dma_start3A_53 = arith.constant 0 : i32
      %dma_start3A_54 = arith.constant 0 : i32
      %dma_start3A_55 = tpu.memref_slice %arg7[%dma_start3A_53, %dma_start3A_54] : memref<40x128xi32, #tpu.memory_space<vmem>> -> memref<39x128xi32, #tpu.memory_space<vmem>>
      %dma_start3A_56 = arith.constant 40 : i32
      %dma_start3A_57 = arith.constant 0 : i32
      %dma_start3A_58 = tpu.memref_slice %arg3[%add3A, %dma_start3A_56, %dma_start3A_57] : memref<32x79x128xi32, #tpu.memory_space<hbm>> -> memref<1x39x128xi32, #tpu.memory_space<hbm>>
      %dma_start3A_59 = tpu.memref_squeeze %dma_start3A_58 : memref<1x39x128xi32, #tpu.memory_space<hbm>> -> memref<39x128xi32, #tpu.memory_space<hbm>>
      %dma_start3A_60 = arith.constant 0 : i32
      %dma_start3A_61 = arith.constant 0 : i32
      %dma_start3A_62 = tpu.memref_slice %arg7[%dma_start3A_60, %dma_start3A_61] : memref<40x128xi32, #tpu.memory_space<vmem>> -> memref<39x128xi32, #tpu.memory_space<vmem>>
      %dma_start3A_63 = arith.constant 40 : i32
      %dma_start3A_64 = arith.constant 0 : i32
      %dma_start3A_65 = tpu.memref_slice %arg3[%add3A, %dma_start3A_63, %dma_start3A_64] : memref<32x79x128xi32, #tpu.memory_space<hbm>> -> memref<1x39x128xi32, #tpu.memory_space<hbm>>
      %dma_start3A_66 = tpu.memref_squeeze %dma_start3A_65 : memref<1x39x128xi32, #tpu.memory_space<hbm>> -> memref<39x128xi32, #tpu.memory_space<hbm>>
      tpu.enqueue_dma source(%dma_start3A_66 : memref<39x128xi32, #tpu.memory_space<hbm>>) target(%dma_start3A_62 : memref<39x128xi32, #tpu.memory_space<vmem>>) target_semaphore(%run_scoped3A_52 : memref<!tpu.dma_semaphore, #tpu.memory_space<semaphore_mem>>)
      %dma_wait3A_67 = arith.constant 0 : i32
      %dma_wait3A_68 = arith.constant 0 : i32
      %dma_wait3A_69 = tpu.memref_slice %arg7[%dma_wait3A_67, %dma_wait3A_68] : memref<40x128xi32, #tpu.memory_space<vmem>> -> memref<39x128xi32, #tpu.memory_space<vmem>>
      %dma_wait3A_70 = arith.constant 40 : i32
      %dma_wait3A_71 = arith.constant 0 : i32
      %dma_wait3A_72 = tpu.memref_slice %arg3[%add3A, %dma_wait3A_70, %dma_wait3A_71] : memref<32x79x128xi32, #tpu.memory_space<hbm>> -> memref<1x39x128xi32, #tpu.memory_space<hbm>>
      %dma_wait3A_73 = tpu.memref_squeeze %dma_wait3A_72 : memref<1x39x128xi32, #tpu.memory_space<hbm>> -> memref<39x128xi32, #tpu.memory_space<hbm>>
      %dma_wait3A_74 = arith.constant 0 : i32
      %dma_wait3A_75 = arith.constant 0 : i32
      %dma_wait3A_76 = tpu.memref_slice %arg7[%dma_wait3A_74, %dma_wait3A_75] : memref<40x128xi32, #tpu.memory_space<vmem>> -> memref<39x128xi32, #tpu.memory_space<vmem>>
      %dma_wait3A_77 = arith.constant 40 : i32
      %dma_wait3A_78 = arith.constant 0 : i32
      %dma_wait3A_79 = tpu.memref_slice %arg3[%add3A, %dma_wait3A_77, %dma_wait3A_78] : memref<32x79x128xi32, #tpu.memory_space<hbm>> -> memref<1x39x128xi32, #tpu.memory_space<hbm>>
      %dma_wait3A_80 = tpu.memref_squeeze %dma_wait3A_79 : memref<1x39x128xi32, #tpu.memory_space<hbm>> -> memref<39x128xi32, #tpu.memory_space<hbm>>
      tpu.wait_dma2 semaphore(%run_scoped3A_52 : memref<!tpu.dma_semaphore, #tpu.memory_space<semaphore_mem>>) src(%dma_wait3A_80 : memref<39x128xi32, #tpu.memory_space<hbm>>) dst(%dma_wait3A_76 : memref<39x128xi32, #tpu.memory_space<vmem>>)
      tpu.yield
    }) : () -> ()
    "tpu.region"() ({
      %run_scoped3A_52 = tpu.sem_alloc : memref<!tpu.dma_semaphore, #tpu.memory_space<semaphore_mem>>
      %dma_start3A_53 = arith.constant 0 : i32
      %dma_start3A_54 = arith.constant 0 : i32
      %dma_start3A_55 = tpu.memref_slice %arg8[%dma_start3A_53, %dma_start3A_54] : memref<40x128xi32, #tpu.memory_space<vmem>> -> memref<39x128xi32, #tpu.memory_space<vmem>>
      %dma_start3A_56 = arith.constant 40 : i32
      %dma_start3A_57 = arith.constant 0 : i32
      %dma_start3A_58 = tpu.memref_slice %arg4[%add3A, %dma_start3A_56, %dma_start3A_57] : memref<32x79x128xi32, #tpu.memory_space<hbm>> -> memref<1x39x128xi32, #tpu.memory_space<hbm>>
      %dma_start3A_59 = tpu.memref_squeeze %dma_start3A_58 : memref<1x39x128xi32, #tpu.memory_space<hbm>> -> memref<39x128xi32, #tpu.memory_space<hbm>>
      %dma_start3A_60 = arith.constant 0 : i32
      %dma_start3A_61 = arith.constant 0 : i32
      %dma_start3A_62 = tpu.memref_slice %arg8[%dma_start3A_60, %dma_start3A_61] : memref<40x128xi32, #tpu.memory_space<vmem>> -> memref<39x128xi32, #tpu.memory_space<vmem>>
      %dma_start3A_63 = arith.constant 40 : i32
      %dma_start3A_64 = arith.constant 0 : i32
      %dma_start3A_65 = tpu.memref_slice %arg4[%add3A, %dma_start3A_63, %dma_start3A_64] : memref<32x79x128xi32, #tpu.memory_space<hbm>> -> memref<1x39x128xi32, #tpu.memory_space<hbm>>
      %dma_start3A_66 = tpu.memref_squeeze %dma_start3A_65 : memref<1x39x128xi32, #tpu.memory_space<hbm>> -> memref<39x128xi32, #tpu.memory_space<hbm>>
      tpu.enqueue_dma source(%dma_start3A_66 : memref<39x128xi32, #tpu.memory_space<hbm>>) target(%dma_start3A_62 : memref<39x128xi32, #tpu.memory_space<vmem>>) target_semaphore(%run_scoped3A_52 : memref<!tpu.dma_semaphore, #tpu.memory_space<semaphore_mem>>)
      %dma_wait3A_67 = arith.constant 0 : i32
      %dma_wait3A_68 = arith.constant 0 : i32
      %dma_wait3A_69 = tpu.memref_slice %arg8[%dma_wait3A_67, %dma_wait3A_68] : memref<40x128xi32, #tpu.memory_space<vmem>> -> memref<39x128xi32, #tpu.memory_space<vmem>>
      %dma_wait3A_70 = arith.constant 40 : i32
      %dma_wait3A_71 = arith.constant 0 : i32
      %dma_wait3A_72 = tpu.memref_slice %arg4[%add3A, %dma_wait3A_70, %dma_wait3A_71] : memref<32x79x128xi32, #tpu.memory_space<hbm>> -> memref<1x39x128xi32, #tpu.memory_space<hbm>>
      %dma_wait3A_73 = tpu.memref_squeeze %dma_wait3A_72 : memref<1x39x128xi32, #tpu.memory_space<hbm>> -> memref<39x128xi32, #tpu.memory_space<hbm>>
      %dma_wait3A_74 = arith.constant 0 : i32
      %dma_wait3A_75 = arith.constant 0 : i32
      %dma_wait3A_76 = tpu.memref_slice %arg8[%dma_wait3A_74, %dma_wait3A_75] : memref<40x128xi32, #tpu.memory_space<vmem>> -> memref<39x128xi32, #tpu.memory_space<vmem>>
      %dma_wait3A_77 = arith.constant 40 : i32
      %dma_wait3A_78 = arith.constant 0 : i32
      %dma_wait3A_79 = tpu.memref_slice %arg4[%add3A, %dma_wait3A_77, %dma_wait3A_78] : memref<32x79x128xi32, #tpu.memory_space<hbm>> -> memref<1x39x128xi32, #tpu.memory_space<hbm>>
      %dma_wait3A_80 = tpu.memref_squeeze %dma_wait3A_79 : memref<1x39x128xi32, #tpu.memory_space<hbm>> -> memref<39x128xi32, #tpu.memory_space<hbm>>
      tpu.wait_dma2 semaphore(%run_scoped3A_52 : memref<!tpu.dma_semaphore, #tpu.memory_space<semaphore_mem>>) src(%dma_wait3A_80 : memref<39x128xi32, #tpu.memory_space<hbm>>) dst(%dma_wait3A_76 : memref<39x128xi32, #tpu.memory_space<vmem>>)
      tpu.yield
    }) : () -> ()
    %dma_start3A_21 = arith.constant 0 : i32
    %dma_start3A_22 = arith.constant 0 : i32
    %dma_start3A_23 = tpu.memref_slice %arg7[%dma_start3A_21, %dma_start3A_22] : memref<40x128xi32, #tpu.memory_space<vmem>> -> memref<1x128xi32, #tpu.memory_space<vmem>>
    %dma_start3A_24 = tpu.memref_squeeze %dma_start3A_23 : memref<1x128xi32, #tpu.memory_space<vmem>> -> memref<128xi32, #tpu.memory_space<vmem>>
    %dma_start3A_25 = arith.constant 0 : i32
    %dma_start3A_26 = arith.constant 0 : i32
    %dma_start3A_27 = tpu.memref_slice %arg2[%dma_start3A_25, %dma_start3A_26] : memref<10112x128xf32, #tpu.memory_space<hbm>> -> memref<10112x128xf32, #tpu.memory_space<hbm>>
    tpu.enqueue_indirect_dma source(%dma_start3A_27 : memref<10112x128xf32, #tpu.memory_space<hbm>>) target(%arg9 : memref<128x128xf32, #tpu.memory_space<vmem>>) offsets(%dma_start3A_24 : memref<128xi32, #tpu.memory_space<vmem>>) semaphore(%arg12 : memref<!tpu.dma_semaphore, #tpu.memory_space<semaphore_mem>>)
    %dma_start3A_28 = arith.constant 1 : i32
    %dma_start3A_29 = arith.constant 0 : i32
    %dma_start3A_30 = tpu.memref_slice %arg7[%dma_start3A_28, %dma_start3A_29] : memref<40x128xi32, #tpu.memory_space<vmem>> -> memref<1x128xi32, #tpu.memory_space<vmem>>
    %dma_start3A_31 = tpu.memref_squeeze %dma_start3A_30 : memref<1x128xi32, #tpu.memory_space<vmem>> -> memref<128xi32, #tpu.memory_space<vmem>>
    %dma_start3A_32 = arith.constant 0 : i32
    %dma_start3A_33 = arith.constant 0 : i32
    %dma_start3A_34 = tpu.memref_slice %arg2[%dma_start3A_32, %dma_start3A_33] : memref<10112x128xf32, #tpu.memory_space<hbm>> -> memref<10112x128xf32, #tpu.memory_space<hbm>>
    tpu.enqueue_indirect_dma source(%dma_start3A_34 : memref<10112x128xf32, #tpu.memory_space<hbm>>) target(%arg10 : memref<128x128xf32, #tpu.memory_space<vmem>>) offsets(%dma_start3A_31 : memref<128xi32, #tpu.memory_space<vmem>>) semaphore(%arg13 : memref<!tpu.dma_semaphore, #tpu.memory_space<semaphore_mem>>)
    %scan3A_35 = arith.constant 0 : i32
    %scan3A_36 = arith.constant 0 : i32
    %scan3A_37 = arith.constant 19 : i32
    %scan3A_38 = arith.addi %scan3A_36, %scan3A_37 : i32
    %scan3A_39 = arith.constant 1 : i32
    scf.for %scan3A_52 = %scan3A_36 to %scan3A_38 step %scan3A_39  : i32 {
      %mul3A_53 = arith.constant 2 : i32
      %mul3A_54 = arith.muli %mul3A_53, %scan3A_52 : i32
      %add3A_55 = arith.constant 1 : i32
      %add3A_56 = arith.addi %mul3A_54, %add3A_55 : i32
      %dma_wait3A_57 = arith.constant 0 : i32
      %dma_wait3A_58 = tpu.memref_slice %arg7[%mul3A_54, %dma_wait3A_57] : memref<40x128xi32, #tpu.memory_space<vmem>> -> memref<1x128xi32, #tpu.memory_space<vmem>>
      %dma_wait3A_59 = tpu.memref_squeeze %dma_wait3A_58 : memref<1x128xi32, #tpu.memory_space<vmem>> -> memref<128xi32, #tpu.memory_space<vmem>>
      %dma_wait3A_60 = arith.constant 0 : i32
      %dma_wait3A_61 = arith.constant 0 : i32
      %dma_wait3A_62 = tpu.memref_slice %arg2[%dma_wait3A_60, %dma_wait3A_61] : memref<10112x128xf32, #tpu.memory_space<hbm>> -> memref<10112x128xf32, #tpu.memory_space<hbm>>
      tpu.wait_indirect_dma semaphore(%arg12 : memref<!tpu.dma_semaphore, #tpu.memory_space<semaphore_mem>>) src(%dma_wait3A_62 : memref<10112x128xf32, #tpu.memory_space<hbm>>) dst(%arg9 : memref<128x128xf32, #tpu.memory_space<vmem>>)
      "tpu.region"() ({
        %run_scoped3A_80 = tpu.sem_alloc : memref<!tpu.dma_semaphore, #tpu.memory_space<semaphore_mem>>
        %dma_start3A_81 = arith.constant 0 : i32
        %dma_start3A_82 = tpu.memref_slice %arg8[%mul3A_54, %dma_start3A_81] : memref<40x128xi32, #tpu.memory_space<vmem>> -> memref<1x128xi32, #tpu.memory_space<vmem>>
        %dma_start3A_83 = tpu.memref_squeeze %dma_start3A_82 : memref<1x128xi32, #tpu.memory_space<vmem>> -> memref<128xi32, #tpu.memory_space<vmem>>
        %dma_start3A_84 = arith.constant 0 : i32
        %dma_start3A_85 = arith.constant 0 : i32
        %dma_start3A_86 = tpu.memref_slice %arg11[%dma_start3A_84, %dma_start3A_85] : memref<10112x128xf32, #tpu.memory_space<vmem_shared>> -> memref<10112x128xf32, #tpu.memory_space<vmem_shared>>
        tpu.enqueue_indirect_dma source(%arg9 : memref<128x128xf32, #tpu.memory_space<vmem>>) target(%dma_start3A_86 : memref<10112x128xf32, #tpu.memory_space<vmem_shared>>) offsets(%dma_start3A_83 : memref<128xi32, #tpu.memory_space<vmem>>) semaphore(%run_scoped3A_80 : memref<!tpu.dma_semaphore, #tpu.memory_space<semaphore_mem>>) {add = true}
        %dma_wait3A_87 = arith.constant 0 : i32
        %dma_wait3A_88 = tpu.memref_slice %arg8[%mul3A_54, %dma_wait3A_87] : memref<40x128xi32, #tpu.memory_space<vmem>> -> memref<1x128xi32, #tpu.memory_space<vmem>>
        %dma_wait3A_89 = tpu.memref_squeeze %dma_wait3A_88 : memref<1x128xi32, #tpu.memory_space<vmem>> -> memref<128xi32, #tpu.memory_space<vmem>>
        %dma_wait3A_90 = arith.constant 0 : i32
        %dma_wait3A_91 = arith.constant 0 : i32
        %dma_wait3A_92 = tpu.memref_slice %arg11[%dma_wait3A_90, %dma_wait3A_91] : memref<10112x128xf32, #tpu.memory_space<vmem_shared>> -> memref<10112x128xf32, #tpu.memory_space<vmem_shared>>
        tpu.wait_indirect_dma semaphore(%run_scoped3A_80 : memref<!tpu.dma_semaphore, #tpu.memory_space<semaphore_mem>>) src(%arg9 : memref<128x128xf32, #tpu.memory_space<vmem>>) dst(%dma_wait3A_92 : memref<10112x128xf32, #tpu.memory_space<vmem_shared>>)
        tpu.yield
      }) : () -> ()
      %add3A_63 = arith.constant 2 : i32
      %add3A_64 = arith.addi %mul3A_54, %add3A_63 : i32
      %lt3A = arith.constant 39 : i32
      %lt3A_65 = arith.cmpi slt, %add3A_64, %lt3A : i32
      %convert_element_type3A = arith.extui %lt3A_65 : i1 to i32
      %cond3A = arith.constant 0 : i32
      %cond3A_66 = arith.cmpi ne, %convert_element_type3A, %cond3A : i32
      scf.if %cond3A_66 {
        %add3A_80 = arith.constant 2 : i32
        %add3A_81 = arith.addi %mul3A_54, %add3A_80 : i32
        %dma_start3A_82 = arith.constant 0 : i32
        %dma_start3A_83 = tpu.memref_slice %arg7[%add3A_81, %dma_start3A_82] : memref<40x128xi32, #tpu.memory_space<vmem>> -> memref<1x128xi32, #tpu.memory_space<vmem>>
        %dma_start3A_84 = tpu.memref_squeeze %dma_start3A_83 : memref<1x128xi32, #tpu.memory_space<vmem>> -> memref<128xi32, #tpu.memory_space<vmem>>
        %dma_start3A_85 = arith.constant 0 : i32
        %dma_start3A_86 = arith.constant 0 : i32
        %dma_start3A_87 = tpu.memref_slice %arg2[%dma_start3A_85, %dma_start3A_86] : memref<10112x128xf32, #tpu.memory_space<hbm>> -> memref<10112x128xf32, #tpu.memory_space<hbm>>
        tpu.enqueue_indirect_dma source(%dma_start3A_87 : memref<10112x128xf32, #tpu.memory_space<hbm>>) target(%arg9 : memref<128x128xf32, #tpu.memory_space<vmem>>) offsets(%dma_start3A_84 : memref<128xi32, #tpu.memory_space<vmem>>) semaphore(%arg12 : memref<!tpu.dma_semaphore, #tpu.memory_space<semaphore_mem>>)
      } else {
      }
      %dma_wait3A_67 = arith.constant 0 : i32
      %dma_wait3A_68 = tpu.memref_slice %arg7[%add3A_56, %dma_wait3A_67] : memref<40x128xi32, #tpu.memory_space<vmem>> -> memref<1x128xi32, #tpu.memory_space<vmem>>
      %dma_wait3A_69 = tpu.memref_squeeze %dma_wait3A_68 : memref<1x128xi32, #tpu.memory_space<vmem>> -> memref<128xi32, #tpu.memory_space<vmem>>
      %dma_wait3A_70 = arith.constant 0 : i32
      %dma_wait3A_71 = arith.constant 0 : i32
      %dma_wait3A_72 = tpu.memref_slice %arg2[%dma_wait3A_70, %dma_wait3A_71] : memref<10112x128xf32, #tpu.memory_space<hbm>> -> memref<10112x128xf32, #tpu.memory_space<hbm>>
      tpu.wait_indirect_dma semaphore(%arg13 : memref<!tpu.dma_semaphore, #tpu.memory_space<semaphore_mem>>) src(%dma_wait3A_72 : memref<10112x128xf32, #tpu.memory_space<hbm>>) dst(%arg10 : memref<128x128xf32, #tpu.memory_space<vmem>>)
      "tpu.region"() ({
        %run_scoped3A_80 = tpu.sem_alloc : memref<!tpu.dma_semaphore, #tpu.memory_space<semaphore_mem>>
        %dma_start3A_81 = arith.constant 0 : i32
        %dma_start3A_82 = tpu.memref_slice %arg8[%add3A_56, %dma_start3A_81] : memref<40x128xi32, #tpu.memory_space<vmem>> -> memref<1x128xi32, #tpu.memory_space<vmem>>
        %dma_start3A_83 = tpu.memref_squeeze %dma_start3A_82 : memref<1x128xi32, #tpu.memory_space<vmem>> -> memref<128xi32, #tpu.memory_space<vmem>>
        %dma_start3A_84 = arith.constant 0 : i32
        %dma_start3A_85 = arith.constant 0 : i32
        %dma_start3A_86 = tpu.memref_slice %arg11[%dma_start3A_84, %dma_start3A_85] : memref<10112x128xf32, #tpu.memory_space<vmem_shared>> -> memref<10112x128xf32, #tpu.memory_space<vmem_shared>>
        tpu.enqueue_indirect_dma source(%arg10 : memref<128x128xf32, #tpu.memory_space<vmem>>) target(%dma_start3A_86 : memref<10112x128xf32, #tpu.memory_space<vmem_shared>>) offsets(%dma_start3A_83 : memref<128xi32, #tpu.memory_space<vmem>>) semaphore(%run_scoped3A_80 : memref<!tpu.dma_semaphore, #tpu.memory_space<semaphore_mem>>) {add = true}
        %dma_wait3A_87 = arith.constant 0 : i32
        %dma_wait3A_88 = tpu.memref_slice %arg8[%add3A_56, %dma_wait3A_87] : memref<40x128xi32, #tpu.memory_space<vmem>> -> memref<1x128xi32, #tpu.memory_space<vmem>>
        %dma_wait3A_89 = tpu.memref_squeeze %dma_wait3A_88 : memref<1x128xi32, #tpu.memory_space<vmem>> -> memref<128xi32, #tpu.memory_space<vmem>>
        %dma_wait3A_90 = arith.constant 0 : i32
        %dma_wait3A_91 = arith.constant 0 : i32
        %dma_wait3A_92 = tpu.memref_slice %arg11[%dma_wait3A_90, %dma_wait3A_91] : memref<10112x128xf32, #tpu.memory_space<vmem_shared>> -> memref<10112x128xf32, #tpu.memory_space<vmem_shared>>
        tpu.wait_indirect_dma semaphore(%run_scoped3A_80 : memref<!tpu.dma_semaphore, #tpu.memory_space<semaphore_mem>>) src(%arg10 : memref<128x128xf32, #tpu.memory_space<vmem>>) dst(%dma_wait3A_92 : memref<10112x128xf32, #tpu.memory_space<vmem_shared>>)
        tpu.yield
      }) : () -> ()
      %add3A_73 = arith.constant 2 : i32
      %add3A_74 = arith.addi %add3A_56, %add3A_73 : i32
      %lt3A_75 = arith.constant 39 : i32
      %lt3A_76 = arith.cmpi slt, %add3A_74, %lt3A_75 : i32
      %convert_element_type3A_77 = arith.extui %lt3A_76 : i1 to i32
      %cond3A_78 = arith.constant 0 : i32
      %cond3A_79 = arith.cmpi ne, %convert_element_type3A_77, %cond3A_78 : i32
      scf.if %cond3A_79 {
        %add3A_80 = arith.constant 2 : i32
        %add3A_81 = arith.addi %add3A_56, %add3A_80 : i32
        %dma_start3A_82 = arith.constant 0 : i32
        %dma_start3A_83 = tpu.memref_slice %arg7[%add3A_81, %dma_start3A_82] : memref<40x128xi32, #tpu.memory_space<vmem>> -> memref<1x128xi32, #tpu.memory_space<vmem>>
        %dma_start3A_84 = tpu.memref_squeeze %dma_start3A_83 : memref<1x128xi32, #tpu.memory_space<vmem>> -> memref<128xi32, #tpu.memory_space<vmem>>
        %dma_start3A_85 = arith.constant 0 : i32
        %dma_start3A_86 = arith.constant 0 : i32
        %dma_start3A_87 = tpu.memref_slice %arg2[%dma_start3A_85, %dma_start3A_86] : memref<10112x128xf32, #tpu.memory_space<hbm>> -> memref<10112x128xf32, #tpu.memory_space<hbm>>
        tpu.enqueue_indirect_dma source(%dma_start3A_87 : memref<10112x128xf32, #tpu.memory_space<hbm>>) target(%arg10 : memref<128x128xf32, #tpu.memory_space<vmem>>) offsets(%dma_start3A_84 : memref<128xi32, #tpu.memory_space<vmem>>) semaphore(%arg13 : memref<!tpu.dma_semaphore, #tpu.memory_space<semaphore_mem>>)
      } else {
      }
    }
    %scan3A_40 = arith.constant 19 : i32
    %dma_wait3A = arith.constant 38 : i32
    %dma_wait3A_41 = arith.constant 0 : i32
    %dma_wait3A_42 = tpu.memref_slice %arg7[%dma_wait3A, %dma_wait3A_41] : memref<40x128xi32, #tpu.memory_space<vmem>> -> memref<1x128xi32, #tpu.memory_space<vmem>>
    %dma_wait3A_43 = tpu.memref_squeeze %dma_wait3A_42 : memref<1x128xi32, #tpu.memory_space<vmem>> -> memref<128xi32, #tpu.memory_space<vmem>>
    %dma_wait3A_44 = arith.constant 0 : i32
    %dma_wait3A_45 = arith.constant 0 : i32
    %dma_wait3A_46 = tpu.memref_slice %arg2[%dma_wait3A_44, %dma_wait3A_45] : memref<10112x128xf32, #tpu.memory_space<hbm>> -> memref<10112x128xf32, #tpu.memory_space<hbm>>
    tpu.wait_indirect_dma semaphore(%arg12 : memref<!tpu.dma_semaphore, #tpu.memory_space<semaphore_mem>>) src(%dma_wait3A_46 : memref<10112x128xf32, #tpu.memory_space<hbm>>) dst(%arg9 : memref<128x128xf32, #tpu.memory_space<vmem>>)
    %run_scoped3A = arith.constant 38 : i32
    "tpu.region"() ({
      %run_scoped3A_52 = tpu.sem_alloc : memref<!tpu.dma_semaphore, #tpu.memory_space<semaphore_mem>>
      %dma_start3A_53 = arith.constant 0 : i32
      %dma_start3A_54 = tpu.memref_slice %arg8[%run_scoped3A, %dma_start3A_53] : memref<40x128xi32, #tpu.memory_space<vmem>> -> memref<1x128xi32, #tpu.memory_space<vmem>>
      %dma_start3A_55 = tpu.memref_squeeze %dma_start3A_54 : memref<1x128xi32, #tpu.memory_space<vmem>> -> memref<128xi32, #tpu.memory_space<vmem>>
      %dma_start3A_56 = arith.constant 0 : i32
      %dma_start3A_57 = arith.constant 0 : i32
      %dma_start3A_58 = tpu.memref_slice %arg11[%dma_start3A_56, %dma_start3A_57] : memref<10112x128xf32, #tpu.memory_space<vmem_shared>> -> memref<10112x128xf32, #tpu.memory_space<vmem_shared>>
      tpu.enqueue_indirect_dma source(%arg9 : memref<128x128xf32, #tpu.memory_space<vmem>>) target(%dma_start3A_58 : memref<10112x128xf32, #tpu.memory_space<vmem_shared>>) offsets(%dma_start3A_55 : memref<128xi32, #tpu.memory_space<vmem>>) semaphore(%run_scoped3A_52 : memref<!tpu.dma_semaphore, #tpu.memory_space<semaphore_mem>>) {add = true}
      %dma_wait3A_59 = arith.constant 0 : i32
      %dma_wait3A_60 = tpu.memref_slice %arg8[%run_scoped3A, %dma_wait3A_59] : memref<40x128xi32, #tpu.memory_space<vmem>> -> memref<1x128xi32, #tpu.memory_space<vmem>>
      %dma_wait3A_61 = tpu.memref_squeeze %dma_wait3A_60 : memref<1x128xi32, #tpu.memory_space<vmem>> -> memref<128xi32, #tpu.memory_space<vmem>>
      %dma_wait3A_62 = arith.constant 0 : i32
      %dma_wait3A_63 = arith.constant 0 : i32
      %dma_wait3A_64 = tpu.memref_slice %arg11[%dma_wait3A_62, %dma_wait3A_63] : memref<10112x128xf32, #tpu.memory_space<vmem_shared>> -> memref<10112x128xf32, #tpu.memory_space<vmem_shared>>
      tpu.wait_indirect_dma semaphore(%run_scoped3A_52 : memref<!tpu.dma_semaphore, #tpu.memory_space<semaphore_mem>>) src(%arg9 : memref<128x128xf32, #tpu.memory_space<vmem>>) dst(%dma_wait3A_64 : memref<10112x128xf32, #tpu.memory_space<vmem_shared>>)
      tpu.yield
    }) : () -> ()
    %barrier3A_47 = arith.constant 0 : index
    tpu.barrier barrier_id(%barrier3A_47)
    %mul3A_48 = arith.constant 632 : i32
    %mul3A_49 = arith.muli %arg1, %mul3A_48 : i32
    %mul3A_50 = arith.constant 632 : i32
    %mul3A_51 = arith.muli %arg1, %mul3A_50 : i32
    "tpu.region"() ({
      %run_scoped3A_52 = tpu.sem_alloc : memref<!tpu.dma_semaphore, #tpu.memory_space<semaphore_mem>>
      %dma_start3A_53 = arith.constant 0 : i32
      %dma_start3A_54 = tpu.memref_slice %arg6[%arg0, %mul3A_51, %dma_start3A_53] : memref<2x10112x128xf32, #tpu.memory_space<hbm>> -> memref<1x632x128xf32, #tpu.memory_space<hbm>>
      %dma_start3A_55 = tpu.memref_squeeze %dma_start3A_54 : memref<1x632x128xf32, #tpu.memory_space<hbm>> -> memref<632x128xf32, #tpu.memory_space<hbm>>
      %dma_start3A_56 = arith.constant 0 : i32
      %dma_start3A_57 = tpu.memref_slice %arg11[%mul3A_49, %dma_start3A_56] : memref<10112x128xf32, #tpu.memory_space<vmem_shared>> -> memref<632x128xf32, #tpu.memory_space<vmem_shared>>
      tpu.enqueue_dma source(%dma_start3A_57 : memref<632x128xf32, #tpu.memory_space<vmem_shared>>) target(%dma_start3A_55 : memref<632x128xf32, #tpu.memory_space<hbm>>) target_semaphore(%run_scoped3A_52 : memref<!tpu.dma_semaphore, #tpu.memory_space<semaphore_mem>>)
      %dma_wait3A_58 = arith.constant 0 : i32
      %dma_wait3A_59 = tpu.memref_slice %arg6[%arg0, %mul3A_51, %dma_wait3A_58] : memref<2x10112x128xf32, #tpu.memory_space<hbm>> -> memref<1x632x128xf32, #tpu.memory_space<hbm>>
      %dma_wait3A_60 = tpu.memref_squeeze %dma_wait3A_59 : memref<1x632x128xf32, #tpu.memory_space<hbm>> -> memref<632x128xf32, #tpu.memory_space<hbm>>
      %dma_wait3A_61 = arith.constant 0 : i32
      %dma_wait3A_62 = tpu.memref_slice %arg11[%mul3A_49, %dma_wait3A_61] : memref<10112x128xf32, #tpu.memory_space<vmem_shared>> -> memref<632x128xf32, #tpu.memory_space<vmem_shared>>
      tpu.wait_dma2 semaphore(%run_scoped3A_52 : memref<!tpu.dma_semaphore, #tpu.memory_space<semaphore_mem>>) src(%dma_wait3A_62 : memref<632x128xf32, #tpu.memory_space<vmem_shared>>) dst(%dma_wait3A_60 : memref<632x128xf32, #tpu.memory_space<hbm>>)
      tpu.yield
    }) : () -> ()
    return
  }
}

#map = affine_map<(d0, d1) -> (0, 0)>
#map1 = affine_map<(d0, d1) -> (0, 0, 0)>
module attributes {stable_mosaic.version = 14 : i64} {
  func.func @_agg_sc(%arg0: i32, %arg1: i32, %arg2: memref<10112x128xf32, #tpu.memory_space<hbm>>, %arg3: memref<32x79x128xi32, #tpu.memory_space<hbm>>, %arg4: memref<32x79x128xi32, #tpu.memory_space<hbm>>, %arg5: memref<632x128xf32, #tpu.memory_space<hbm>>, %arg6: memref<2x10112x128xf32, #tpu.memory_space<hbm>>, %arg7: memref<40x128xi32, #tpu.memory_space<vmem>>, %arg8: memref<40x128xi32, #tpu.memory_space<vmem>>, %arg9: memref<128x128xf32, #tpu.memory_space<vmem>>, %arg10: memref<128x128xf32, #tpu.memory_space<vmem>>, %arg11: memref<10112x128xf32, #tpu.memory_space<vmem_shared>>, %arg12: memref<!tpu.dma_semaphore, #tpu.memory_space<semaphore_mem>>, %arg13: memref<!tpu.dma_semaphore, #tpu.memory_space<semaphore_mem>>) attributes {dimension_semantics = [#tpu.dimension_semantics<core_parallel>, #tpu.dimension_semantics<subcore_parallel>], iteration_bounds = array<i64: 2, 16>, scalar_prefetch = 0 : i64, scratch_operands = 7 : i64, tpu.core_type = #tpu.core_type<sc_vector_subcore>, window_params = [{transform_indices = #map}, {transform_indices = #map1}, {transform_indices = #map1}, {transform_indices = #map}, {transform_indices = #map1}]} {
    %mul3A = arith.constant 16 : i32
    %mul3A_0 = arith.muli %arg0, %mul3A : i32
    %add3A = arith.addi %mul3A_0, %arg1 : i32
    %mul3A_1 = arith.constant 632 : i32
    %mul3A_2 = arith.muli %arg1, %mul3A_1 : i32
    "tpu.region"() ({
      %run_scoped3A_52 = tpu.sem_alloc : memref<!tpu.dma_semaphore, #tpu.memory_space<semaphore_mem>>
      %dma_start3A_53 = arith.constant 0 : i32
      %dma_start3A_54 = tpu.memref_slice %arg11[%mul3A_2, %dma_start3A_53] : memref<10112x128xf32, #tpu.memory_space<vmem_shared>> -> memref<632x128xf32, #tpu.memory_space<vmem_shared>>
      tpu.enqueue_dma source(%arg5 : memref<632x128xf32, #tpu.memory_space<hbm>>) target(%dma_start3A_54 : memref<632x128xf32, #tpu.memory_space<vmem_shared>>) target_semaphore(%run_scoped3A_52 : memref<!tpu.dma_semaphore, #tpu.memory_space<semaphore_mem>>)
      %dma_wait3A_55 = arith.constant 0 : i32
      %dma_wait3A_56 = tpu.memref_slice %arg11[%mul3A_2, %dma_wait3A_55] : memref<10112x128xf32, #tpu.memory_space<vmem_shared>> -> memref<632x128xf32, #tpu.memory_space<vmem_shared>>
      tpu.wait_dma2 semaphore(%run_scoped3A_52 : memref<!tpu.dma_semaphore, #tpu.memory_space<semaphore_mem>>) src(%arg5 : memref<632x128xf32, #tpu.memory_space<hbm>>) dst(%dma_wait3A_56 : memref<632x128xf32, #tpu.memory_space<vmem_shared>>)
      tpu.yield
    }) : () -> ()
    %barrier3A = arith.constant 0 : index
    tpu.barrier barrier_id(%barrier3A)
    "tpu.region"() ({
      %run_scoped3A_52 = tpu.sem_alloc : memref<!tpu.dma_semaphore, #tpu.memory_space<semaphore_mem>>
      %dma_start3A_53 = arith.constant 0 : i32
      %dma_start3A_54 = arith.constant 0 : i32
      %dma_start3A_55 = tpu.memref_slice %arg7[%dma_start3A_53, %dma_start3A_54] : memref<40x128xi32, #tpu.memory_space<vmem>> -> memref<40x128xi32, #tpu.memory_space<vmem>>
      %dma_start3A_56 = arith.constant 0 : i32
      %dma_start3A_57 = arith.constant 0 : i32
      %dma_start3A_58 = tpu.memref_slice %arg3[%add3A, %dma_start3A_56, %dma_start3A_57] : memref<32x79x128xi32, #tpu.memory_space<hbm>> -> memref<1x40x128xi32, #tpu.memory_space<hbm>>
      %dma_start3A_59 = tpu.memref_squeeze %dma_start3A_58 : memref<1x40x128xi32, #tpu.memory_space<hbm>> -> memref<40x128xi32, #tpu.memory_space<hbm>>
      %dma_start3A_60 = arith.constant 0 : i32
      %dma_start3A_61 = arith.constant 0 : i32
      %dma_start3A_62 = tpu.memref_slice %arg7[%dma_start3A_60, %dma_start3A_61] : memref<40x128xi32, #tpu.memory_space<vmem>> -> memref<40x128xi32, #tpu.memory_space<vmem>>
      %dma_start3A_63 = arith.constant 0 : i32
      %dma_start3A_64 = arith.constant 0 : i32
      %dma_start3A_65 = tpu.memref_slice %arg3[%add3A, %dma_start3A_63, %dma_start3A_64] : memref<32x79x128xi32, #tpu.memory_space<hbm>> -> memref<1x40x128xi32, #tpu.memory_space<hbm>>
      %dma_start3A_66 = tpu.memref_squeeze %dma_start3A_65 : memref<1x40x128xi32, #tpu.memory_space<hbm>> -> memref<40x128xi32, #tpu.memory_space<hbm>>
      tpu.enqueue_dma source(%dma_start3A_66 : memref<40x128xi32, #tpu.memory_space<hbm>>) target(%dma_start3A_62 : memref<40x128xi32, #tpu.memory_space<vmem>>) target_semaphore(%run_scoped3A_52 : memref<!tpu.dma_semaphore, #tpu.memory_space<semaphore_mem>>)
      %dma_wait3A_67 = arith.constant 0 : i32
      %dma_wait3A_68 = arith.constant 0 : i32
      %dma_wait3A_69 = tpu.memref_slice %arg7[%dma_wait3A_67, %dma_wait3A_68] : memref<40x128xi32, #tpu.memory_space<vmem>> -> memref<40x128xi32, #tpu.memory_space<vmem>>
      %dma_wait3A_70 = arith.constant 0 : i32
      %dma_wait3A_71 = arith.constant 0 : i32
      %dma_wait3A_72 = tpu.memref_slice %arg3[%add3A, %dma_wait3A_70, %dma_wait3A_71] : memref<32x79x128xi32, #tpu.memory_space<hbm>> -> memref<1x40x128xi32, #tpu.memory_space<hbm>>
      %dma_wait3A_73 = tpu.memref_squeeze %dma_wait3A_72 : memref<1x40x128xi32, #tpu.memory_space<hbm>> -> memref<40x128xi32, #tpu.memory_space<hbm>>
      %dma_wait3A_74 = arith.constant 0 : i32
      %dma_wait3A_75 = arith.constant 0 : i32
      %dma_wait3A_76 = tpu.memref_slice %arg7[%dma_wait3A_74, %dma_wait3A_75] : memref<40x128xi32, #tpu.memory_space<vmem>> -> memref<40x128xi32, #tpu.memory_space<vmem>>
      %dma_wait3A_77 = arith.constant 0 : i32
      %dma_wait3A_78 = arith.constant 0 : i32
      %dma_wait3A_79 = tpu.memref_slice %arg3[%add3A, %dma_wait3A_77, %dma_wait3A_78] : memref<32x79x128xi32, #tpu.memory_space<hbm>> -> memref<1x40x128xi32, #tpu.memory_space<hbm>>
      %dma_wait3A_80 = tpu.memref_squeeze %dma_wait3A_79 : memref<1x40x128xi32, #tpu.memory_space<hbm>> -> memref<40x128xi32, #tpu.memory_space<hbm>>
      tpu.wait_dma2 semaphore(%run_scoped3A_52 : memref<!tpu.dma_semaphore, #tpu.memory_space<semaphore_mem>>) src(%dma_wait3A_80 : memref<40x128xi32, #tpu.memory_space<hbm>>) dst(%dma_wait3A_76 : memref<40x128xi32, #tpu.memory_space<vmem>>)
      tpu.yield
    }) : () -> ()
    "tpu.region"() ({
      %run_scoped3A_52 = tpu.sem_alloc : memref<!tpu.dma_semaphore, #tpu.memory_space<semaphore_mem>>
      %dma_start3A_53 = arith.constant 0 : i32
      %dma_start3A_54 = arith.constant 0 : i32
      %dma_start3A_55 = tpu.memref_slice %arg8[%dma_start3A_53, %dma_start3A_54] : memref<40x128xi32, #tpu.memory_space<vmem>> -> memref<40x128xi32, #tpu.memory_space<vmem>>
      %dma_start3A_56 = arith.constant 0 : i32
      %dma_start3A_57 = arith.constant 0 : i32
      %dma_start3A_58 = tpu.memref_slice %arg4[%add3A, %dma_start3A_56, %dma_start3A_57] : memref<32x79x128xi32, #tpu.memory_space<hbm>> -> memref<1x40x128xi32, #tpu.memory_space<hbm>>
      %dma_start3A_59 = tpu.memref_squeeze %dma_start3A_58 : memref<1x40x128xi32, #tpu.memory_space<hbm>> -> memref<40x128xi32, #tpu.memory_space<hbm>>
      %dma_start3A_60 = arith.constant 0 : i32
      %dma_start3A_61 = arith.constant 0 : i32
      %dma_start3A_62 = tpu.memref_slice %arg8[%dma_start3A_60, %dma_start3A_61] : memref<40x128xi32, #tpu.memory_space<vmem>> -> memref<40x128xi32, #tpu.memory_space<vmem>>
      %dma_start3A_63 = arith.constant 0 : i32
      %dma_start3A_64 = arith.constant 0 : i32
      %dma_start3A_65 = tpu.memref_slice %arg4[%add3A, %dma_start3A_63, %dma_start3A_64] : memref<32x79x128xi32, #tpu.memory_space<hbm>> -> memref<1x40x128xi32, #tpu.memory_space<hbm>>
      %dma_start3A_66 = tpu.memref_squeeze %dma_start3A_65 : memref<1x40x128xi32, #tpu.memory_space<hbm>> -> memref<40x128xi32, #tpu.memory_space<hbm>>
      tpu.enqueue_dma source(%dma_start3A_66 : memref<40x128xi32, #tpu.memory_space<hbm>>) target(%dma_start3A_62 : memref<40x128xi32, #tpu.memory_space<vmem>>) target_semaphore(%run_scoped3A_52 : memref<!tpu.dma_semaphore, #tpu.memory_space<semaphore_mem>>)
      %dma_wait3A_67 = arith.constant 0 : i32
      %dma_wait3A_68 = arith.constant 0 : i32
      %dma_wait3A_69 = tpu.memref_slice %arg8[%dma_wait3A_67, %dma_wait3A_68] : memref<40x128xi32, #tpu.memory_space<vmem>> -> memref<40x128xi32, #tpu.memory_space<vmem>>
      %dma_wait3A_70 = arith.constant 0 : i32
      %dma_wait3A_71 = arith.constant 0 : i32
      %dma_wait3A_72 = tpu.memref_slice %arg4[%add3A, %dma_wait3A_70, %dma_wait3A_71] : memref<32x79x128xi32, #tpu.memory_space<hbm>> -> memref<1x40x128xi32, #tpu.memory_space<hbm>>
      %dma_wait3A_73 = tpu.memref_squeeze %dma_wait3A_72 : memref<1x40x128xi32, #tpu.memory_space<hbm>> -> memref<40x128xi32, #tpu.memory_space<hbm>>
      %dma_wait3A_74 = arith.constant 0 : i32
      %dma_wait3A_75 = arith.constant 0 : i32
      %dma_wait3A_76 = tpu.memref_slice %arg8[%dma_wait3A_74, %dma_wait3A_75] : memref<40x128xi32, #tpu.memory_space<vmem>> -> memref<40x128xi32, #tpu.memory_space<vmem>>
      %dma_wait3A_77 = arith.constant 0 : i32
      %dma_wait3A_78 = arith.constant 0 : i32
      %dma_wait3A_79 = tpu.memref_slice %arg4[%add3A, %dma_wait3A_77, %dma_wait3A_78] : memref<32x79x128xi32, #tpu.memory_space<hbm>> -> memref<1x40x128xi32, #tpu.memory_space<hbm>>
      %dma_wait3A_80 = tpu.memref_squeeze %dma_wait3A_79 : memref<1x40x128xi32, #tpu.memory_space<hbm>> -> memref<40x128xi32, #tpu.memory_space<hbm>>
      tpu.wait_dma2 semaphore(%run_scoped3A_52 : memref<!tpu.dma_semaphore, #tpu.memory_space<semaphore_mem>>) src(%dma_wait3A_80 : memref<40x128xi32, #tpu.memory_space<hbm>>) dst(%dma_wait3A_76 : memref<40x128xi32, #tpu.memory_space<vmem>>)
      tpu.yield
    }) : () -> ()
    %dma_start3A = arith.constant 0 : i32
    %dma_start3A_3 = arith.constant 0 : i32
    %dma_start3A_4 = tpu.memref_slice %arg7[%dma_start3A, %dma_start3A_3] : memref<40x128xi32, #tpu.memory_space<vmem>> -> memref<1x128xi32, #tpu.memory_space<vmem>>
    %dma_start3A_5 = tpu.memref_squeeze %dma_start3A_4 : memref<1x128xi32, #tpu.memory_space<vmem>> -> memref<128xi32, #tpu.memory_space<vmem>>
    %dma_start3A_6 = arith.constant 0 : i32
    %dma_start3A_7 = arith.constant 0 : i32
    %dma_start3A_8 = tpu.memref_slice %arg2[%dma_start3A_6, %dma_start3A_7] : memref<10112x128xf32, #tpu.memory_space<hbm>> -> memref<10112x128xf32, #tpu.memory_space<hbm>>
    tpu.enqueue_indirect_dma source(%dma_start3A_8 : memref<10112x128xf32, #tpu.memory_space<hbm>>) target(%arg9 : memref<128x128xf32, #tpu.memory_space<vmem>>) offsets(%dma_start3A_5 : memref<128xi32, #tpu.memory_space<vmem>>) semaphore(%arg12 : memref<!tpu.dma_semaphore, #tpu.memory_space<semaphore_mem>>)
    %dma_start3A_9 = arith.constant 1 : i32
    %dma_start3A_10 = arith.constant 0 : i32
    %dma_start3A_11 = tpu.memref_slice %arg7[%dma_start3A_9, %dma_start3A_10] : memref<40x128xi32, #tpu.memory_space<vmem>> -> memref<1x128xi32, #tpu.memory_space<vmem>>
    %dma_start3A_12 = tpu.memref_squeeze %dma_start3A_11 : memref<1x128xi32, #tpu.memory_space<vmem>> -> memref<128xi32, #tpu.memory_space<vmem>>
    %dma_start3A_13 = arith.constant 0 : i32
    %dma_start3A_14 = arith.constant 0 : i32
    %dma_start3A_15 = tpu.memref_slice %arg2[%dma_start3A_13, %dma_start3A_14] : memref<10112x128xf32, #tpu.memory_space<hbm>> -> memref<10112x128xf32, #tpu.memory_space<hbm>>
    tpu.enqueue_indirect_dma source(%dma_start3A_15 : memref<10112x128xf32, #tpu.memory_space<hbm>>) target(%arg10 : memref<128x128xf32, #tpu.memory_space<vmem>>) offsets(%dma_start3A_12 : memref<128xi32, #tpu.memory_space<vmem>>) semaphore(%arg13 : memref<!tpu.dma_semaphore, #tpu.memory_space<semaphore_mem>>)
    %scan3A = arith.constant 0 : i32
    %scan3A_16 = arith.constant 0 : i32
    %scan3A_17 = arith.constant 20 : i32
    %scan3A_18 = arith.addi %scan3A_16, %scan3A_17 : i32
    %scan3A_19 = arith.constant 1 : i32
    scf.for %scan3A_52 = %scan3A_16 to %scan3A_18 step %scan3A_19  : i32 {
      %mul3A_53 = arith.constant 2 : i32
      %mul3A_54 = arith.muli %mul3A_53, %scan3A_52 : i32
      %add3A_55 = arith.constant 1 : i32
      %add3A_56 = arith.addi %mul3A_54, %add3A_55 : i32
      %dma_wait3A_57 = arith.constant 0 : i32
      %dma_wait3A_58 = tpu.memref_slice %arg7[%mul3A_54, %dma_wait3A_57] : memref<40x128xi32, #tpu.memory_space<vmem>> -> memref<1x128xi32, #tpu.memory_space<vmem>>
      %dma_wait3A_59 = tpu.memref_squeeze %dma_wait3A_58 : memref<1x128xi32, #tpu.memory_space<vmem>> -> memref<128xi32, #tpu.memory_space<vmem>>
      %dma_wait3A_60 = arith.constant 0 : i32
      %dma_wait3A_61 = arith.constant 0 : i32
      %dma_wait3A_62 = tpu.memref_slice %arg2[%dma_wait3A_60, %dma_wait3A_61] : memref<10112x128xf32, #tpu.memory_space<hbm>> -> memref<10112x128xf32, #tpu.memory_space<hbm>>
      tpu.wait_indirect_dma semaphore(%arg12 : memref<!tpu.dma_semaphore, #tpu.memory_space<semaphore_mem>>) src(%dma_wait3A_62 : memref<10112x128xf32, #tpu.memory_space<hbm>>) dst(%arg9 : memref<128x128xf32, #tpu.memory_space<vmem>>)
      "tpu.region"() ({
        %run_scoped3A_80 = tpu.sem_alloc : memref<!tpu.dma_semaphore, #tpu.memory_space<semaphore_mem>>
        %dma_start3A_81 = arith.constant 0 : i32
        %dma_start3A_82 = tpu.memref_slice %arg8[%mul3A_54, %dma_start3A_81] : memref<40x128xi32, #tpu.memory_space<vmem>> -> memref<1x128xi32, #tpu.memory_space<vmem>>
        %dma_start3A_83 = tpu.memref_squeeze %dma_start3A_82 : memref<1x128xi32, #tpu.memory_space<vmem>> -> memref<128xi32, #tpu.memory_space<vmem>>
        %dma_start3A_84 = arith.constant 0 : i32
        %dma_start3A_85 = arith.constant 0 : i32
        %dma_start3A_86 = tpu.memref_slice %arg11[%dma_start3A_84, %dma_start3A_85] : memref<10112x128xf32, #tpu.memory_space<vmem_shared>> -> memref<10112x128xf32, #tpu.memory_space<vmem_shared>>
        tpu.enqueue_indirect_dma source(%arg9 : memref<128x128xf32, #tpu.memory_space<vmem>>) target(%dma_start3A_86 : memref<10112x128xf32, #tpu.memory_space<vmem_shared>>) offsets(%dma_start3A_83 : memref<128xi32, #tpu.memory_space<vmem>>) semaphore(%run_scoped3A_80 : memref<!tpu.dma_semaphore, #tpu.memory_space<semaphore_mem>>) {add = true}
        %dma_wait3A_87 = arith.constant 0 : i32
        %dma_wait3A_88 = tpu.memref_slice %arg8[%mul3A_54, %dma_wait3A_87] : memref<40x128xi32, #tpu.memory_space<vmem>> -> memref<1x128xi32, #tpu.memory_space<vmem>>
        %dma_wait3A_89 = tpu.memref_squeeze %dma_wait3A_88 : memref<1x128xi32, #tpu.memory_space<vmem>> -> memref<128xi32, #tpu.memory_space<vmem>>
        %dma_wait3A_90 = arith.constant 0 : i32
        %dma_wait3A_91 = arith.constant 0 : i32
        %dma_wait3A_92 = tpu.memref_slice %arg11[%dma_wait3A_90, %dma_wait3A_91] : memref<10112x128xf32, #tpu.memory_space<vmem_shared>> -> memref<10112x128xf32, #tpu.memory_space<vmem_shared>>
        tpu.wait_indirect_dma semaphore(%run_scoped3A_80 : memref<!tpu.dma_semaphore, #tpu.memory_space<semaphore_mem>>) src(%arg9 : memref<128x128xf32, #tpu.memory_space<vmem>>) dst(%dma_wait3A_92 : memref<10112x128xf32, #tpu.memory_space<vmem_shared>>)
        tpu.yield
      }) : () -> ()
      %add3A_63 = arith.constant 2 : i32
      %add3A_64 = arith.addi %mul3A_54, %add3A_63 : i32
      %lt3A = arith.constant 40 : i32
      %lt3A_65 = arith.cmpi slt, %add3A_64, %lt3A : i32
      %convert_element_type3A = arith.extui %lt3A_65 : i1 to i32
      %cond3A = arith.constant 0 : i32
      %cond3A_66 = arith.cmpi ne, %convert_element_type3A, %cond3A : i32
      scf.if %cond3A_66 {
        %add3A_80 = arith.constant 2 : i32
        %add3A_81 = arith.addi %mul3A_54, %add3A_80 : i32
        %dma_start3A_82 = arith.constant 0 : i32
        %dma_start3A_83 = tpu.memref_slice %arg7[%add3A_81, %dma_start3A_82] : memref<40x128xi32, #tpu.memory_space<vmem>> -> memref<1x128xi32, #tpu.memory_space<vmem>>
        %dma_start3A_84 = tpu.memref_squeeze %dma_start3A_83 : memref<1x128xi32, #tpu.memory_space<vmem>> -> memref<128xi32, #tpu.memory_space<vmem>>
        %dma_start3A_85 = arith.constant 0 : i32
        %dma_start3A_86 = arith.constant 0 : i32
        %dma_start3A_87 = tpu.memref_slice %arg2[%dma_start3A_85, %dma_start3A_86] : memref<10112x128xf32, #tpu.memory_space<hbm>> -> memref<10112x128xf32, #tpu.memory_space<hbm>>
        tpu.enqueue_indirect_dma source(%dma_start3A_87 : memref<10112x128xf32, #tpu.memory_space<hbm>>) target(%arg9 : memref<128x128xf32, #tpu.memory_space<vmem>>) offsets(%dma_start3A_84 : memref<128xi32, #tpu.memory_space<vmem>>) semaphore(%arg12 : memref<!tpu.dma_semaphore, #tpu.memory_space<semaphore_mem>>)
      } else {
      }
      %dma_wait3A_67 = arith.constant 0 : i32
      %dma_wait3A_68 = tpu.memref_slice %arg7[%add3A_56, %dma_wait3A_67] : memref<40x128xi32, #tpu.memory_space<vmem>> -> memref<1x128xi32, #tpu.memory_space<vmem>>
      %dma_wait3A_69 = tpu.memref_squeeze %dma_wait3A_68 : memref<1x128xi32, #tpu.memory_space<vmem>> -> memref<128xi32, #tpu.memory_space<vmem>>
      %dma_wait3A_70 = arith.constant 0 : i32
      %dma_wait3A_71 = arith.constant 0 : i32
      %dma_wait3A_72 = tpu.memref_slice %arg2[%dma_wait3A_70, %dma_wait3A_71] : memref<10112x128xf32, #tpu.memory_space<hbm>> -> memref<10112x128xf32, #tpu.memory_space<hbm>>
      tpu.wait_indirect_dma semaphore(%arg13 : memref<!tpu.dma_semaphore, #tpu.memory_space<semaphore_mem>>) src(%dma_wait3A_72 : memref<10112x128xf32, #tpu.memory_space<hbm>>) dst(%arg10 : memref<128x128xf32, #tpu.memory_space<vmem>>)
      "tpu.region"() ({
        %run_scoped3A_80 = tpu.sem_alloc : memref<!tpu.dma_semaphore, #tpu.memory_space<semaphore_mem>>
        %dma_start3A_81 = arith.constant 0 : i32
        %dma_start3A_82 = tpu.memref_slice %arg8[%add3A_56, %dma_start3A_81] : memref<40x128xi32, #tpu.memory_space<vmem>> -> memref<1x128xi32, #tpu.memory_space<vmem>>
        %dma_start3A_83 = tpu.memref_squeeze %dma_start3A_82 : memref<1x128xi32, #tpu.memory_space<vmem>> -> memref<128xi32, #tpu.memory_space<vmem>>
        %dma_start3A_84 = arith.constant 0 : i32
        %dma_start3A_85 = arith.constant 0 : i32
        %dma_start3A_86 = tpu.memref_slice %arg11[%dma_start3A_84, %dma_start3A_85] : memref<10112x128xf32, #tpu.memory_space<vmem_shared>> -> memref<10112x128xf32, #tpu.memory_space<vmem_shared>>
        tpu.enqueue_indirect_dma source(%arg10 : memref<128x128xf32, #tpu.memory_space<vmem>>) target(%dma_start3A_86 : memref<10112x128xf32, #tpu.memory_space<vmem_shared>>) offsets(%dma_start3A_83 : memref<128xi32, #tpu.memory_space<vmem>>) semaphore(%run_scoped3A_80 : memref<!tpu.dma_semaphore, #tpu.memory_space<semaphore_mem>>) {add = true}
        %dma_wait3A_87 = arith.constant 0 : i32
        %dma_wait3A_88 = tpu.memref_slice %arg8[%add3A_56, %dma_wait3A_87] : memref<40x128xi32, #tpu.memory_space<vmem>> -> memref<1x128xi32, #tpu.memory_space<vmem>>
        %dma_wait3A_89 = tpu.memref_squeeze %dma_wait3A_88 : memref<1x128xi32, #tpu.memory_space<vmem>> -> memref<128xi32, #tpu.memory_space<vmem>>
        %dma_wait3A_90 = arith.constant 0 : i32
        %dma_wait3A_91 = arith.constant 0 : i32
        %dma_wait3A_92 = tpu.memref_slice %arg11[%dma_wait3A_90, %dma_wait3A_91] : memref<10112x128xf32, #tpu.memory_space<vmem_shared>> -> memref<10112x128xf32, #tpu.memory_space<vmem_shared>>
        tpu.wait_indirect_dma semaphore(%run_scoped3A_80 : memref<!tpu.dma_semaphore, #tpu.memory_space<semaphore_mem>>) src(%arg10 : memref<128x128xf32, #tpu.memory_space<vmem>>) dst(%dma_wait3A_92 : memref<10112x128xf32, #tpu.memory_space<vmem_shared>>)
        tpu.yield
      }) : () -> ()
      %add3A_73 = arith.constant 2 : i32
      %add3A_74 = arith.addi %add3A_56, %add3A_73 : i32
      %lt3A_75 = arith.constant 40 : i32
      %lt3A_76 = arith.cmpi slt, %add3A_74, %lt3A_75 : i32
      %convert_element_type3A_77 = arith.extui %lt3A_76 : i1 to i32
      %cond3A_78 = arith.constant 0 : i32
      %cond3A_79 = arith.cmpi ne, %convert_element_type3A_77, %cond3A_78 : i32
      scf.if %cond3A_79 {
        %add3A_80 = arith.constant 2 : i32
        %add3A_81 = arith.addi %add3A_56, %add3A_80 : i32
        %dma_start3A_82 = arith.constant 0 : i32
        %dma_start3A_83 = tpu.memref_slice %arg7[%add3A_81, %dma_start3A_82] : memref<40x128xi32, #tpu.memory_space<vmem>> -> memref<1x128xi32, #tpu.memory_space<vmem>>
        %dma_start3A_84 = tpu.memref_squeeze %dma_start3A_83 : memref<1x128xi32, #tpu.memory_space<vmem>> -> memref<128xi32, #tpu.memory_space<vmem>>
        %dma_start3A_85 = arith.constant 0 : i32
        %dma_start3A_86 = arith.constant 0 : i32
        %dma_start3A_87 = tpu.memref_slice %arg2[%dma_start3A_85, %dma_start3A_86] : memref<10112x128xf32, #tpu.memory_space<hbm>> -> memref<10112x128xf32, #tpu.memory_space<hbm>>
        tpu.enqueue_indirect_dma source(%dma_start3A_87 : memref<10112x128xf32, #tpu.memory_space<hbm>>) target(%arg10 : memref<128x128xf32, #tpu.memory_space<vmem>>) offsets(%dma_start3A_84 : memref<128xi32, #tpu.memory_space<vmem>>) semaphore(%arg13 : memref<!tpu.dma_semaphore, #tpu.memory_space<semaphore_mem>>)
      } else {
      }
    }
    %scan3A_20 = arith.constant 20 : i32
    "tpu.region"() ({
      %run_scoped3A_52 = tpu.sem_alloc : memref<!tpu.dma_semaphore, #tpu.memory_space<semaphore_mem>>
      %dma_start3A_53 = arith.constant 0 : i32
      %dma_start3A_54 = arith.constant 0 : i32
      %dma_start3A_55 = tpu.memref_slice %arg7[%dma_start3A_53, %dma_start3A_54] : memref<40x128xi32, #tpu.memory_space<vmem>> -> memref<39x128xi32, #tpu.memory_space<vmem>>
      %dma_start3A_56 = arith.constant 40 : i32
      %dma_start3A_57 = arith.constant 0 : i32
      %dma_start3A_58 = tpu.memref_slice %arg3[%add3A, %dma_start3A_56, %dma_start3A_57] : memref<32x79x128xi32, #tpu.memory_space<hbm>> -> memref<1x39x128xi32, #tpu.memory_space<hbm>>
      %dma_start3A_59 = tpu.memref_squeeze %dma_start3A_58 : memref<1x39x128xi32, #tpu.memory_space<hbm>> -> memref<39x128xi32, #tpu.memory_space<hbm>>
      %dma_start3A_60 = arith.constant 0 : i32
      %dma_start3A_61 = arith.constant 0 : i32
      %dma_start3A_62 = tpu.memref_slice %arg7[%dma_start3A_60, %dma_start3A_61] : memref<40x128xi32, #tpu.memory_space<vmem>> -> memref<39x128xi32, #tpu.memory_space<vmem>>
      %dma_start3A_63 = arith.constant 40 : i32
      %dma_start3A_64 = arith.constant 0 : i32
      %dma_start3A_65 = tpu.memref_slice %arg3[%add3A, %dma_start3A_63, %dma_start3A_64] : memref<32x79x128xi32, #tpu.memory_space<hbm>> -> memref<1x39x128xi32, #tpu.memory_space<hbm>>
      %dma_start3A_66 = tpu.memref_squeeze %dma_start3A_65 : memref<1x39x128xi32, #tpu.memory_space<hbm>> -> memref<39x128xi32, #tpu.memory_space<hbm>>
      tpu.enqueue_dma source(%dma_start3A_66 : memref<39x128xi32, #tpu.memory_space<hbm>>) target(%dma_start3A_62 : memref<39x128xi32, #tpu.memory_space<vmem>>) target_semaphore(%run_scoped3A_52 : memref<!tpu.dma_semaphore, #tpu.memory_space<semaphore_mem>>)
      %dma_wait3A_67 = arith.constant 0 : i32
      %dma_wait3A_68 = arith.constant 0 : i32
      %dma_wait3A_69 = tpu.memref_slice %arg7[%dma_wait3A_67, %dma_wait3A_68] : memref<40x128xi32, #tpu.memory_space<vmem>> -> memref<39x128xi32, #tpu.memory_space<vmem>>
      %dma_wait3A_70 = arith.constant 40 : i32
      %dma_wait3A_71 = arith.constant 0 : i32
      %dma_wait3A_72 = tpu.memref_slice %arg3[%add3A, %dma_wait3A_70, %dma_wait3A_71] : memref<32x79x128xi32, #tpu.memory_space<hbm>> -> memref<1x39x128xi32, #tpu.memory_space<hbm>>
      %dma_wait3A_73 = tpu.memref_squeeze %dma_wait3A_72 : memref<1x39x128xi32, #tpu.memory_space<hbm>> -> memref<39x128xi32, #tpu.memory_space<hbm>>
      %dma_wait3A_74 = arith.constant 0 : i32
      %dma_wait3A_75 = arith.constant 0 : i32
      %dma_wait3A_76 = tpu.memref_slice %arg7[%dma_wait3A_74, %dma_wait3A_75] : memref<40x128xi32, #tpu.memory_space<vmem>> -> memref<39x128xi32, #tpu.memory_space<vmem>>
      %dma_wait3A_77 = arith.constant 40 : i32
      %dma_wait3A_78 = arith.constant 0 : i32
      %dma_wait3A_79 = tpu.memref_slice %arg3[%add3A, %dma_wait3A_77, %dma_wait3A_78] : memref<32x79x128xi32, #tpu.memory_space<hbm>> -> memref<1x39x128xi32, #tpu.memory_space<hbm>>
      %dma_wait3A_80 = tpu.memref_squeeze %dma_wait3A_79 : memref<1x39x128xi32, #tpu.memory_space<hbm>> -> memref<39x128xi32, #tpu.memory_space<hbm>>
      tpu.wait_dma2 semaphore(%run_scoped3A_52 : memref<!tpu.dma_semaphore, #tpu.memory_space<semaphore_mem>>) src(%dma_wait3A_80 : memref<39x128xi32, #tpu.memory_space<hbm>>) dst(%dma_wait3A_76 : memref<39x128xi32, #tpu.memory_space<vmem>>)
      tpu.yield
    }) : () -> ()
    "tpu.region"() ({
      %run_scoped3A_52 = tpu.sem_alloc : memref<!tpu.dma_semaphore, #tpu.memory_space<semaphore_mem>>
      %dma_start3A_53 = arith.constant 0 : i32
      %dma_start3A_54 = arith.constant 0 : i32
      %dma_start3A_55 = tpu.memref_slice %arg8[%dma_start3A_53, %dma_start3A_54] : memref<40x128xi32, #tpu.memory_space<vmem>> -> memref<39x128xi32, #tpu.memory_space<vmem>>
      %dma_start3A_56 = arith.constant 40 : i32
      %dma_start3A_57 = arith.constant 0 : i32
      %dma_start3A_58 = tpu.memref_slice %arg4[%add3A, %dma_start3A_56, %dma_start3A_57] : memref<32x79x128xi32, #tpu.memory_space<hbm>> -> memref<1x39x128xi32, #tpu.memory_space<hbm>>
      %dma_start3A_59 = tpu.memref_squeeze %dma_start3A_58 : memref<1x39x128xi32, #tpu.memory_space<hbm>> -> memref<39x128xi32, #tpu.memory_space<hbm>>
      %dma_start3A_60 = arith.constant 0 : i32
      %dma_start3A_61 = arith.constant 0 : i32
      %dma_start3A_62 = tpu.memref_slice %arg8[%dma_start3A_60, %dma_start3A_61] : memref<40x128xi32, #tpu.memory_space<vmem>> -> memref<39x128xi32, #tpu.memory_space<vmem>>
      %dma_start3A_63 = arith.constant 40 : i32
      %dma_start3A_64 = arith.constant 0 : i32
      %dma_start3A_65 = tpu.memref_slice %arg4[%add3A, %dma_start3A_63, %dma_start3A_64] : memref<32x79x128xi32, #tpu.memory_space<hbm>> -> memref<1x39x128xi32, #tpu.memory_space<hbm>>
      %dma_start3A_66 = tpu.memref_squeeze %dma_start3A_65 : memref<1x39x128xi32, #tpu.memory_space<hbm>> -> memref<39x128xi32, #tpu.memory_space<hbm>>
      tpu.enqueue_dma source(%dma_start3A_66 : memref<39x128xi32, #tpu.memory_space<hbm>>) target(%dma_start3A_62 : memref<39x128xi32, #tpu.memory_space<vmem>>) target_semaphore(%run_scoped3A_52 : memref<!tpu.dma_semaphore, #tpu.memory_space<semaphore_mem>>)
      %dma_wait3A_67 = arith.constant 0 : i32
      %dma_wait3A_68 = arith.constant 0 : i32
      %dma_wait3A_69 = tpu.memref_slice %arg8[%dma_wait3A_67, %dma_wait3A_68] : memref<40x128xi32, #tpu.memory_space<vmem>> -> memref<39x128xi32, #tpu.memory_space<vmem>>
      %dma_wait3A_70 = arith.constant 40 : i32
      %dma_wait3A_71 = arith.constant 0 : i32
      %dma_wait3A_72 = tpu.memref_slice %arg4[%add3A, %dma_wait3A_70, %dma_wait3A_71] : memref<32x79x128xi32, #tpu.memory_space<hbm>> -> memref<1x39x128xi32, #tpu.memory_space<hbm>>
      %dma_wait3A_73 = tpu.memref_squeeze %dma_wait3A_72 : memref<1x39x128xi32, #tpu.memory_space<hbm>> -> memref<39x128xi32, #tpu.memory_space<hbm>>
      %dma_wait3A_74 = arith.constant 0 : i32
      %dma_wait3A_75 = arith.constant 0 : i32
      %dma_wait3A_76 = tpu.memref_slice %arg8[%dma_wait3A_74, %dma_wait3A_75] : memref<40x128xi32, #tpu.memory_space<vmem>> -> memref<39x128xi32, #tpu.memory_space<vmem>>
      %dma_wait3A_77 = arith.constant 40 : i32
      %dma_wait3A_78 = arith.constant 0 : i32
      %dma_wait3A_79 = tpu.memref_slice %arg4[%add3A, %dma_wait3A_77, %dma_wait3A_78] : memref<32x79x128xi32, #tpu.memory_space<hbm>> -> memref<1x39x128xi32, #tpu.memory_space<hbm>>
      %dma_wait3A_80 = tpu.memref_squeeze %dma_wait3A_79 : memref<1x39x128xi32, #tpu.memory_space<hbm>> -> memref<39x128xi32, #tpu.memory_space<hbm>>
      tpu.wait_dma2 semaphore(%run_scoped3A_52 : memref<!tpu.dma_semaphore, #tpu.memory_space<semaphore_mem>>) src(%dma_wait3A_80 : memref<39x128xi32, #tpu.memory_space<hbm>>) dst(%dma_wait3A_76 : memref<39x128xi32, #tpu.memory_space<vmem>>)
      tpu.yield
    }) : () -> ()
    %dma_start3A_21 = arith.constant 0 : i32
    %dma_start3A_22 = arith.constant 0 : i32
    %dma_start3A_23 = tpu.memref_slice %arg7[%dma_start3A_21, %dma_start3A_22] : memref<40x128xi32, #tpu.memory_space<vmem>> -> memref<1x128xi32, #tpu.memory_space<vmem>>
    %dma_start3A_24 = tpu.memref_squeeze %dma_start3A_23 : memref<1x128xi32, #tpu.memory_space<vmem>> -> memref<128xi32, #tpu.memory_space<vmem>>
    %dma_start3A_25 = arith.constant 0 : i32
    %dma_start3A_26 = arith.constant 0 : i32
    %dma_start3A_27 = tpu.memref_slice %arg2[%dma_start3A_25, %dma_start3A_26] : memref<10112x128xf32, #tpu.memory_space<hbm>> -> memref<10112x128xf32, #tpu.memory_space<hbm>>
    tpu.enqueue_indirect_dma source(%dma_start3A_27 : memref<10112x128xf32, #tpu.memory_space<hbm>>) target(%arg9 : memref<128x128xf32, #tpu.memory_space<vmem>>) offsets(%dma_start3A_24 : memref<128xi32, #tpu.memory_space<vmem>>) semaphore(%arg12 : memref<!tpu.dma_semaphore, #tpu.memory_space<semaphore_mem>>)
    %dma_start3A_28 = arith.constant 1 : i32
    %dma_start3A_29 = arith.constant 0 : i32
    %dma_start3A_30 = tpu.memref_slice %arg7[%dma_start3A_28, %dma_start3A_29] : memref<40x128xi32, #tpu.memory_space<vmem>> -> memref<1x128xi32, #tpu.memory_space<vmem>>
    %dma_start3A_31 = tpu.memref_squeeze %dma_start3A_30 : memref<1x128xi32, #tpu.memory_space<vmem>> -> memref<128xi32, #tpu.memory_space<vmem>>
    %dma_start3A_32 = arith.constant 0 : i32
    %dma_start3A_33 = arith.constant 0 : i32
    %dma_start3A_34 = tpu.memref_slice %arg2[%dma_start3A_32, %dma_start3A_33] : memref<10112x128xf32, #tpu.memory_space<hbm>> -> memref<10112x128xf32, #tpu.memory_space<hbm>>
    tpu.enqueue_indirect_dma source(%dma_start3A_34 : memref<10112x128xf32, #tpu.memory_space<hbm>>) target(%arg10 : memref<128x128xf32, #tpu.memory_space<vmem>>) offsets(%dma_start3A_31 : memref<128xi32, #tpu.memory_space<vmem>>) semaphore(%arg13 : memref<!tpu.dma_semaphore, #tpu.memory_space<semaphore_mem>>)
    %scan3A_35 = arith.constant 0 : i32
    %scan3A_36 = arith.constant 0 : i32
    %scan3A_37 = arith.constant 19 : i32
    %scan3A_38 = arith.addi %scan3A_36, %scan3A_37 : i32
    %scan3A_39 = arith.constant 1 : i32
    scf.for %scan3A_52 = %scan3A_36 to %scan3A_38 step %scan3A_39  : i32 {
      %mul3A_53 = arith.constant 2 : i32
      %mul3A_54 = arith.muli %mul3A_53, %scan3A_52 : i32
      %add3A_55 = arith.constant 1 : i32
      %add3A_56 = arith.addi %mul3A_54, %add3A_55 : i32
      %dma_wait3A_57 = arith.constant 0 : i32
      %dma_wait3A_58 = tpu.memref_slice %arg7[%mul3A_54, %dma_wait3A_57] : memref<40x128xi32, #tpu.memory_space<vmem>> -> memref<1x128xi32, #tpu.memory_space<vmem>>
      %dma_wait3A_59 = tpu.memref_squeeze %dma_wait3A_58 : memref<1x128xi32, #tpu.memory_space<vmem>> -> memref<128xi32, #tpu.memory_space<vmem>>
      %dma_wait3A_60 = arith.constant 0 : i32
      %dma_wait3A_61 = arith.constant 0 : i32
      %dma_wait3A_62 = tpu.memref_slice %arg2[%dma_wait3A_60, %dma_wait3A_61] : memref<10112x128xf32, #tpu.memory_space<hbm>> -> memref<10112x128xf32, #tpu.memory_space<hbm>>
      tpu.wait_indirect_dma semaphore(%arg12 : memref<!tpu.dma_semaphore, #tpu.memory_space<semaphore_mem>>) src(%dma_wait3A_62 : memref<10112x128xf32, #tpu.memory_space<hbm>>) dst(%arg9 : memref<128x128xf32, #tpu.memory_space<vmem>>)
      "tpu.region"() ({
        %run_scoped3A_80 = tpu.sem_alloc : memref<!tpu.dma_semaphore, #tpu.memory_space<semaphore_mem>>
        %dma_start3A_81 = arith.constant 0 : i32
        %dma_start3A_82 = tpu.memref_slice %arg8[%mul3A_54, %dma_start3A_81] : memref<40x128xi32, #tpu.memory_space<vmem>> -> memref<1x128xi32, #tpu.memory_space<vmem>>
        %dma_start3A_83 = tpu.memref_squeeze %dma_start3A_82 : memref<1x128xi32, #tpu.memory_space<vmem>> -> memref<128xi32, #tpu.memory_space<vmem>>
        %dma_start3A_84 = arith.constant 0 : i32
        %dma_start3A_85 = arith.constant 0 : i32
        %dma_start3A_86 = tpu.memref_slice %arg11[%dma_start3A_84, %dma_start3A_85] : memref<10112x128xf32, #tpu.memory_space<vmem_shared>> -> memref<10112x128xf32, #tpu.memory_space<vmem_shared>>
        tpu.enqueue_indirect_dma source(%arg9 : memref<128x128xf32, #tpu.memory_space<vmem>>) target(%dma_start3A_86 : memref<10112x128xf32, #tpu.memory_space<vmem_shared>>) offsets(%dma_start3A_83 : memref<128xi32, #tpu.memory_space<vmem>>) semaphore(%run_scoped3A_80 : memref<!tpu.dma_semaphore, #tpu.memory_space<semaphore_mem>>) {add = true}
        %dma_wait3A_87 = arith.constant 0 : i32
        %dma_wait3A_88 = tpu.memref_slice %arg8[%mul3A_54, %dma_wait3A_87] : memref<40x128xi32, #tpu.memory_space<vmem>> -> memref<1x128xi32, #tpu.memory_space<vmem>>
        %dma_wait3A_89 = tpu.memref_squeeze %dma_wait3A_88 : memref<1x128xi32, #tpu.memory_space<vmem>> -> memref<128xi32, #tpu.memory_space<vmem>>
        %dma_wait3A_90 = arith.constant 0 : i32
        %dma_wait3A_91 = arith.constant 0 : i32
        %dma_wait3A_92 = tpu.memref_slice %arg11[%dma_wait3A_90, %dma_wait3A_91] : memref<10112x128xf32, #tpu.memory_space<vmem_shared>> -> memref<10112x128xf32, #tpu.memory_space<vmem_shared>>
        tpu.wait_indirect_dma semaphore(%run_scoped3A_80 : memref<!tpu.dma_semaphore, #tpu.memory_space<semaphore_mem>>) src(%arg9 : memref<128x128xf32, #tpu.memory_space<vmem>>) dst(%dma_wait3A_92 : memref<10112x128xf32, #tpu.memory_space<vmem_shared>>)
        tpu.yield
      }) : () -> ()
      %add3A_63 = arith.constant 2 : i32
      %add3A_64 = arith.addi %mul3A_54, %add3A_63 : i32
      %lt3A = arith.constant 39 : i32
      %lt3A_65 = arith.cmpi slt, %add3A_64, %lt3A : i32
      %convert_element_type3A = arith.extui %lt3A_65 : i1 to i32
      %cond3A = arith.constant 0 : i32
      %cond3A_66 = arith.cmpi ne, %convert_element_type3A, %cond3A : i32
      scf.if %cond3A_66 {
        %add3A_80 = arith.constant 2 : i32
        %add3A_81 = arith.addi %mul3A_54, %add3A_80 : i32
        %dma_start3A_82 = arith.constant 0 : i32
        %dma_start3A_83 = tpu.memref_slice %arg7[%add3A_81, %dma_start3A_82] : memref<40x128xi32, #tpu.memory_space<vmem>> -> memref<1x128xi32, #tpu.memory_space<vmem>>
        %dma_start3A_84 = tpu.memref_squeeze %dma_start3A_83 : memref<1x128xi32, #tpu.memory_space<vmem>> -> memref<128xi32, #tpu.memory_space<vmem>>
        %dma_start3A_85 = arith.constant 0 : i32
        %dma_start3A_86 = arith.constant 0 : i32
        %dma_start3A_87 = tpu.memref_slice %arg2[%dma_start3A_85, %dma_start3A_86] : memref<10112x128xf32, #tpu.memory_space<hbm>> -> memref<10112x128xf32, #tpu.memory_space<hbm>>
        tpu.enqueue_indirect_dma source(%dma_start3A_87 : memref<10112x128xf32, #tpu.memory_space<hbm>>) target(%arg9 : memref<128x128xf32, #tpu.memory_space<vmem>>) offsets(%dma_start3A_84 : memref<128xi32, #tpu.memory_space<vmem>>) semaphore(%arg12 : memref<!tpu.dma_semaphore, #tpu.memory_space<semaphore_mem>>)
      } else {
      }
      %dma_wait3A_67 = arith.constant 0 : i32
      %dma_wait3A_68 = tpu.memref_slice %arg7[%add3A_56, %dma_wait3A_67] : memref<40x128xi32, #tpu.memory_space<vmem>> -> memref<1x128xi32, #tpu.memory_space<vmem>>
      %dma_wait3A_69 = tpu.memref_squeeze %dma_wait3A_68 : memref<1x128xi32, #tpu.memory_space<vmem>> -> memref<128xi32, #tpu.memory_space<vmem>>
      %dma_wait3A_70 = arith.constant 0 : i32
      %dma_wait3A_71 = arith.constant 0 : i32
      %dma_wait3A_72 = tpu.memref_slice %arg2[%dma_wait3A_70, %dma_wait3A_71] : memref<10112x128xf32, #tpu.memory_space<hbm>> -> memref<10112x128xf32, #tpu.memory_space<hbm>>
      tpu.wait_indirect_dma semaphore(%arg13 : memref<!tpu.dma_semaphore, #tpu.memory_space<semaphore_mem>>) src(%dma_wait3A_72 : memref<10112x128xf32, #tpu.memory_space<hbm>>) dst(%arg10 : memref<128x128xf32, #tpu.memory_space<vmem>>)
      "tpu.region"() ({
        %run_scoped3A_80 = tpu.sem_alloc : memref<!tpu.dma_semaphore, #tpu.memory_space<semaphore_mem>>
        %dma_start3A_81 = arith.constant 0 : i32
        %dma_start3A_82 = tpu.memref_slice %arg8[%add3A_56, %dma_start3A_81] : memref<40x128xi32, #tpu.memory_space<vmem>> -> memref<1x128xi32, #tpu.memory_space<vmem>>
        %dma_start3A_83 = tpu.memref_squeeze %dma_start3A_82 : memref<1x128xi32, #tpu.memory_space<vmem>> -> memref<128xi32, #tpu.memory_space<vmem>>
        %dma_start3A_84 = arith.constant 0 : i32
        %dma_start3A_85 = arith.constant 0 : i32
        %dma_start3A_86 = tpu.memref_slice %arg11[%dma_start3A_84, %dma_start3A_85] : memref<10112x128xf32, #tpu.memory_space<vmem_shared>> -> memref<10112x128xf32, #tpu.memory_space<vmem_shared>>
        tpu.enqueue_indirect_dma source(%arg10 : memref<128x128xf32, #tpu.memory_space<vmem>>) target(%dma_start3A_86 : memref<10112x128xf32, #tpu.memory_space<vmem_shared>>) offsets(%dma_start3A_83 : memref<128xi32, #tpu.memory_space<vmem>>) semaphore(%run_scoped3A_80 : memref<!tpu.dma_semaphore, #tpu.memory_space<semaphore_mem>>) {add = true}
        %dma_wait3A_87 = arith.constant 0 : i32
        %dma_wait3A_88 = tpu.memref_slice %arg8[%add3A_56, %dma_wait3A_87] : memref<40x128xi32, #tpu.memory_space<vmem>> -> memref<1x128xi32, #tpu.memory_space<vmem>>
        %dma_wait3A_89 = tpu.memref_squeeze %dma_wait3A_88 : memref<1x128xi32, #tpu.memory_space<vmem>> -> memref<128xi32, #tpu.memory_space<vmem>>
        %dma_wait3A_90 = arith.constant 0 : i32
        %dma_wait3A_91 = arith.constant 0 : i32
        %dma_wait3A_92 = tpu.memref_slice %arg11[%dma_wait3A_90, %dma_wait3A_91] : memref<10112x128xf32, #tpu.memory_space<vmem_shared>> -> memref<10112x128xf32, #tpu.memory_space<vmem_shared>>
        tpu.wait_indirect_dma semaphore(%run_scoped3A_80 : memref<!tpu.dma_semaphore, #tpu.memory_space<semaphore_mem>>) src(%arg10 : memref<128x128xf32, #tpu.memory_space<vmem>>) dst(%dma_wait3A_92 : memref<10112x128xf32, #tpu.memory_space<vmem_shared>>)
        tpu.yield
      }) : () -> ()
      %add3A_73 = arith.constant 2 : i32
      %add3A_74 = arith.addi %add3A_56, %add3A_73 : i32
      %lt3A_75 = arith.constant 39 : i32
      %lt3A_76 = arith.cmpi slt, %add3A_74, %lt3A_75 : i32
      %convert_element_type3A_77 = arith.extui %lt3A_76 : i1 to i32
      %cond3A_78 = arith.constant 0 : i32
      %cond3A_79 = arith.cmpi ne, %convert_element_type3A_77, %cond3A_78 : i32
      scf.if %cond3A_79 {
        %add3A_80 = arith.constant 2 : i32
        %add3A_81 = arith.addi %add3A_56, %add3A_80 : i32
        %dma_start3A_82 = arith.constant 0 : i32
        %dma_start3A_83 = tpu.memref_slice %arg7[%add3A_81, %dma_start3A_82] : memref<40x128xi32, #tpu.memory_space<vmem>> -> memref<1x128xi32, #tpu.memory_space<vmem>>
        %dma_start3A_84 = tpu.memref_squeeze %dma_start3A_83 : memref<1x128xi32, #tpu.memory_space<vmem>> -> memref<128xi32, #tpu.memory_space<vmem>>
        %dma_start3A_85 = arith.constant 0 : i32
        %dma_start3A_86 = arith.constant 0 : i32
        %dma_start3A_87 = tpu.memref_slice %arg2[%dma_start3A_85, %dma_start3A_86] : memref<10112x128xf32, #tpu.memory_space<hbm>> -> memref<10112x128xf32, #tpu.memory_space<hbm>>
        tpu.enqueue_indirect_dma source(%dma_start3A_87 : memref<10112x128xf32, #tpu.memory_space<hbm>>) target(%arg10 : memref<128x128xf32, #tpu.memory_space<vmem>>) offsets(%dma_start3A_84 : memref<128xi32, #tpu.memory_space<vmem>>) semaphore(%arg13 : memref<!tpu.dma_semaphore, #tpu.memory_space<semaphore_mem>>)
      } else {
      }
    }
    %scan3A_40 = arith.constant 19 : i32
    %dma_wait3A = arith.constant 38 : i32
    %dma_wait3A_41 = arith.constant 0 : i32
    %dma_wait3A_42 = tpu.memref_slice %arg7[%dma_wait3A, %dma_wait3A_41] : memref<40x128xi32, #tpu.memory_space<vmem>> -> memref<1x128xi32, #tpu.memory_space<vmem>>
    %dma_wait3A_43 = tpu.memref_squeeze %dma_wait3A_42 : memref<1x128xi32, #tpu.memory_space<vmem>> -> memref<128xi32, #tpu.memory_space<vmem>>
    %dma_wait3A_44 = arith.constant 0 : i32
    %dma_wait3A_45 = arith.constant 0 : i32
    %dma_wait3A_46 = tpu.memref_slice %arg2[%dma_wait3A_44, %dma_wait3A_45] : memref<10112x128xf32, #tpu.memory_space<hbm>> -> memref<10112x128xf32, #tpu.memory_space<hbm>>
    tpu.wait_indirect_dma semaphore(%arg12 : memref<!tpu.dma_semaphore, #tpu.memory_space<semaphore_mem>>) src(%dma_wait3A_46 : memref<10112x128xf32, #tpu.memory_space<hbm>>) dst(%arg9 : memref<128x128xf32, #tpu.memory_space<vmem>>)
    %run_scoped3A = arith.constant 38 : i32
    "tpu.region"() ({
      %run_scoped3A_52 = tpu.sem_alloc : memref<!tpu.dma_semaphore, #tpu.memory_space<semaphore_mem>>
      %dma_start3A_53 = arith.constant 0 : i32
      %dma_start3A_54 = tpu.memref_slice %arg8[%run_scoped3A, %dma_start3A_53] : memref<40x128xi32, #tpu.memory_space<vmem>> -> memref<1x128xi32, #tpu.memory_space<vmem>>
      %dma_start3A_55 = tpu.memref_squeeze %dma_start3A_54 : memref<1x128xi32, #tpu.memory_space<vmem>> -> memref<128xi32, #tpu.memory_space<vmem>>
      %dma_start3A_56 = arith.constant 0 : i32
      %dma_start3A_57 = arith.constant 0 : i32
      %dma_start3A_58 = tpu.memref_slice %arg11[%dma_start3A_56, %dma_start3A_57] : memref<10112x128xf32, #tpu.memory_space<vmem_shared>> -> memref<10112x128xf32, #tpu.memory_space<vmem_shared>>
      tpu.enqueue_indirect_dma source(%arg9 : memref<128x128xf32, #tpu.memory_space<vmem>>) target(%dma_start3A_58 : memref<10112x128xf32, #tpu.memory_space<vmem_shared>>) offsets(%dma_start3A_55 : memref<128xi32, #tpu.memory_space<vmem>>) semaphore(%run_scoped3A_52 : memref<!tpu.dma_semaphore, #tpu.memory_space<semaphore_mem>>) {add = true}
      %dma_wait3A_59 = arith.constant 0 : i32
      %dma_wait3A_60 = tpu.memref_slice %arg8[%run_scoped3A, %dma_wait3A_59] : memref<40x128xi32, #tpu.memory_space<vmem>> -> memref<1x128xi32, #tpu.memory_space<vmem>>
      %dma_wait3A_61 = tpu.memref_squeeze %dma_wait3A_60 : memref<1x128xi32, #tpu.memory_space<vmem>> -> memref<128xi32, #tpu.memory_space<vmem>>
      %dma_wait3A_62 = arith.constant 0 : i32
      %dma_wait3A_63 = arith.constant 0 : i32
      %dma_wait3A_64 = tpu.memref_slice %arg11[%dma_wait3A_62, %dma_wait3A_63] : memref<10112x128xf32, #tpu.memory_space<vmem_shared>> -> memref<10112x128xf32, #tpu.memory_space<vmem_shared>>
      tpu.wait_indirect_dma semaphore(%run_scoped3A_52 : memref<!tpu.dma_semaphore, #tpu.memory_space<semaphore_mem>>) src(%arg9 : memref<128x128xf32, #tpu.memory_space<vmem>>) dst(%dma_wait3A_64 : memref<10112x128xf32, #tpu.memory_space<vmem_shared>>)
      tpu.yield
    }) : () -> ()
    %barrier3A_47 = arith.constant 0 : index
    tpu.barrier barrier_id(%barrier3A_47)
    %mul3A_48 = arith.constant 632 : i32
    %mul3A_49 = arith.muli %arg1, %mul3A_48 : i32
    %mul3A_50 = arith.constant 632 : i32
    %mul3A_51 = arith.muli %arg1, %mul3A_50 : i32
    "tpu.region"() ({
      %run_scoped3A_52 = tpu.sem_alloc : memref<!tpu.dma_semaphore, #tpu.memory_space<semaphore_mem>>
      %dma_start3A_53 = arith.constant 0 : i32
      %dma_start3A_54 = tpu.memref_slice %arg6[%arg0, %mul3A_51, %dma_start3A_53] : memref<2x10112x128xf32, #tpu.memory_space<hbm>> -> memref<1x632x128xf32, #tpu.memory_space<hbm>>
      %dma_start3A_55 = tpu.memref_squeeze %dma_start3A_54 : memref<1x632x128xf32, #tpu.memory_space<hbm>> -> memref<632x128xf32, #tpu.memory_space<hbm>>
      %dma_start3A_56 = arith.constant 0 : i32
      %dma_start3A_57 = tpu.memref_slice %arg11[%mul3A_49, %dma_start3A_56] : memref<10112x128xf32, #tpu.memory_space<vmem_shared>> -> memref<632x128xf32, #tpu.memory_space<vmem_shared>>
      tpu.enqueue_dma source(%dma_start3A_57 : memref<632x128xf32, #tpu.memory_space<vmem_shared>>) target(%dma_start3A_55 : memref<632x128xf32, #tpu.memory_space<hbm>>) target_semaphore(%run_scoped3A_52 : memref<!tpu.dma_semaphore, #tpu.memory_space<semaphore_mem>>)
      %dma_wait3A_58 = arith.constant 0 : i32
      %dma_wait3A_59 = tpu.memref_slice %arg6[%arg0, %mul3A_51, %dma_wait3A_58] : memref<2x10112x128xf32, #tpu.memory_space<hbm>> -> memref<1x632x128xf32, #tpu.memory_space<hbm>>
      %dma_wait3A_60 = tpu.memref_squeeze %dma_wait3A_59 : memref<1x632x128xf32, #tpu.memory_space<hbm>> -> memref<632x128xf32, #tpu.memory_space<hbm>>
      %dma_wait3A_61 = arith.constant 0 : i32
      %dma_wait3A_62 = tpu.memref_slice %arg11[%mul3A_49, %dma_wait3A_61] : memref<10112x128xf32, #tpu.memory_space<vmem_shared>> -> memref<632x128xf32, #tpu.memory_space<vmem_shared>>
      tpu.wait_dma2 semaphore(%run_scoped3A_52 : memref<!tpu.dma_semaphore, #tpu.memory_space<semaphore_mem>>) src(%dma_wait3A_62 : memref<632x128xf32, #tpu.memory_space<vmem_shared>>) dst(%dma_wait3A_60 : memref<632x128xf32, #tpu.memory_space<hbm>>)
      tpu.yield
    }) : () -> ()
    return
  }
}

module attributes {stable_mosaic.version = 14 : i64} {
  func.func @_dinv_body(%arg0: memref<32x79x128xf32, #tpu.memory_space<vmem>>, %arg1: memref<79x128xf32, #tpu.memory_space<vmem>>) attributes {dimension_semantics = [], scalar_prefetch = 0 : i64, scratch_operands = 0 : i64, tpu.core_type = #tpu.core_type<tc>} {
    %get3A = arith.constant 0 : index
    %get3A_0 = arith.constant 0 : index
    %get3A_1 = arith.constant 0 : index
    %get3A_2 = vector.load %arg0[%get3A, %get3A_0, %get3A_1] : memref<32x79x128xf32, #tpu.memory_space<vmem>>, vector<32x79x128xf32>
    %reduce_sum3A = arith.constant dense<0.000000e+00> : vector<79x128xf32>
    %reduce_sum3A_3 = vector.multi_reduction <add>, %get3A_2, %reduce_sum3A [0] : vector<32x79x128xf32> to vector<79x128xf32>
    %add3A = arith.constant 1.000000e+00 : f32
    %add3A_4 = vector.broadcast %add3A : f32 to vector<79x128xf32>
    %add3A_5 = arith.addf %reduce_sum3A_3, %add3A_4 : vector<79x128xf32>
    %gt3A = arith.constant 0.000000e+00 : f32
    %gt3A_6 = vector.broadcast %gt3A : f32 to vector<79x128xf32>
    %gt3A_7 = arith.cmpf ogt, %add3A_5, %gt3A_6 : vector<79x128xf32>
    %rsqrt3A = math.rsqrt %add3A_5 : vector<79x128xf32>
    %jit3A = arith.constant 0.000000e+00 : f32
    %broadcast_in_dim3A = vector.broadcast %jit3A : f32 to vector<79x128xf32>
    %select_n3A = arith.select %gt3A_7, %rsqrt3A, %broadcast_in_dim3A : vector<79x128xi1>, vector<79x128xf32>
    %swap3A = arith.constant 0 : index
    %swap3A_8 = arith.constant 0 : index
    %swap3A_9 = vector.load %arg1[%swap3A, %swap3A_8] : memref<79x128xf32, #tpu.memory_space<vmem>>, vector<79x128xf32>
    tpu.vector_store %arg1[%swap3A, %swap3A_8], %select_n3A {strides = array<i32>} : memref<79x128xf32, #tpu.memory_space<vmem>>, vector<79x128xf32>,
    return
  }
}

module attributes {stable_mosaic.version = 14 : i64} {
  func.func @_mm_body(%arg0: memref<10112x128xf32, #tpu.memory_space<vmem>>, %arg1: memref<128x128xf32, #tpu.memory_space<vmem>>, %arg2: memref<10112x1xf32, #tpu.memory_space<vmem>>, %arg3: memref<10112x128xf32, #tpu.memory_space<vmem>>) attributes {dimension_semantics = [], scalar_prefetch = 0 : i64, scratch_operands = 0 : i64, tpu.core_type = #tpu.core_type<tc>} {
    %get3A = arith.constant 0 : index
    %get3A_0 = arith.constant 0 : index
    %get3A_1 = vector.load %arg0[%get3A, %get3A_0] : memref<10112x128xf32, #tpu.memory_space<vmem>>, vector<10112x128xf32>
    %get3A_2 = arith.constant 0 : index
    %get3A_3 = arith.constant 0 : index
    %get3A_4 = vector.load %arg1[%get3A_2, %get3A_3] : memref<128x128xf32, #tpu.memory_space<vmem>>, vector<128x128xf32>
    %dot_general3A = arith.constant dense<0.000000e+00> : vector<10112x128xf32>
    %dot_general3A_5 = tpu.matmul %get3A_1, %get3A_4, %dot_general3A {dimension_numbers = #tpu.dot_dimension_numbers<[1], [1], [0], [0], [0, 0, 1, 0], [], []>, transpose_lhs_hint = false} : vector<10112x128xf32>, vector<128x128xf32>, vector<10112x128xf32> -> vector<10112x128xf32>
    %get3A_6 = arith.constant 0 : index
    %get3A_7 = arith.constant 0 : index
    %get3A_8 = vector.load %arg2[%get3A_6, %get3A_7] : memref<10112x1xf32, #tpu.memory_space<vmem>>, vector<10112x1xf32>
    %mul3A = vector.broadcast %get3A_8 : vector<10112x1xf32> to vector<10112x128xf32>
    %mul3A_9 = arith.mulf %dot_general3A_5, %mul3A : vector<10112x128xf32>
    %swap3A = arith.constant 0 : index
    %swap3A_10 = arith.constant 0 : index
    %swap3A_11 = vector.load %arg3[%swap3A, %swap3A_10] : memref<10112x128xf32, #tpu.memory_space<vmem>>, vector<10112x128xf32>
    tpu.vector_store %arg3[%swap3A, %swap3A_10], %mul3A_9 {strides = array<i32>} : memref<10112x128xf32, #tpu.memory_space<vmem>>, vector<10112x128xf32>,
    return
  }
}

module attributes {stable_mosaic.version = 14 : i64} {
  func.func @_post_body(%arg0: memref<10112x128xf32, #tpu.memory_space<vmem>>, %arg1: memref<10112x128xf32, #tpu.memory_space<vmem>>, %arg2: memref<2x10112x128xf32, #tpu.memory_space<vmem>>, %arg3: memref<10112x1xf32, #tpu.memory_space<vmem>>, %arg4: memref<1x128xf32, #tpu.memory_space<vmem>>, %arg5: memref<1x128xf32, #tpu.memory_space<vmem>>, %arg6: memref<1x128xf32, #tpu.memory_space<vmem>>, %arg7: memref<10112x128xf32, #tpu.memory_space<vmem>>) attributes {dimension_semantics = [], scalar_prefetch = 0 : i64, scratch_operands = 0 : i64, tpu.core_type = #tpu.core_type<tc>} {
    %get3A = arith.constant 0 : index
    %get3A_0 = arith.constant 0 : index
    %get3A_1 = arith.constant 0 : index
    %get3A_2 = vector.load %arg2[%get3A, %get3A_0, %get3A_1] : memref<2x10112x128xf32, #tpu.memory_space<vmem>>, vector<1x10112x128xf32>
    %get3A_3 = vector.shape_cast %get3A_2 : vector<1x10112x128xf32> to vector<10112x128xf32>
    %get3A_4 = arith.constant 1 : index
    %get3A_5 = arith.constant 0 : index
    %get3A_6 = arith.constant 0 : index
    %get3A_7 = vector.load %arg2[%get3A_4, %get3A_5, %get3A_6] : memref<2x10112x128xf32, #tpu.memory_space<vmem>>, vector<1x10112x128xf32>
    %get3A_8 = vector.shape_cast %get3A_7 : vector<1x10112x128xf32> to vector<10112x128xf32>
    %add3A = arith.addf %get3A_3, %get3A_8 : vector<10112x128xf32>
    %get3A_9 = arith.constant 0 : index
    %get3A_10 = arith.constant 0 : index
    %get3A_11 = vector.load %arg1[%get3A_9, %get3A_10] : memref<10112x128xf32, #tpu.memory_space<vmem>>, vector<10112x128xf32>
    %add3A_12 = arith.addf %add3A, %get3A_11 : vector<10112x128xf32>
    %get3A_13 = arith.constant 0 : index
    %get3A_14 = arith.constant 0 : index
    %get3A_15 = vector.load %arg3[%get3A_13, %get3A_14] : memref<10112x1xf32, #tpu.memory_space<vmem>>, vector<10112x1xf32>
    %mul3A = vector.broadcast %get3A_15 : vector<10112x1xf32> to vector<10112x128xf32>
    %mul3A_16 = arith.mulf %add3A_12, %mul3A : vector<10112x128xf32>
    %get3A_17 = arith.constant 0 : index
    %get3A_18 = arith.constant 0 : index
    %get3A_19 = vector.load %arg0[%get3A_17, %get3A_18] : memref<10112x128xf32, #tpu.memory_space<vmem>>, vector<10112x128xf32>
    %add3A_20 = arith.addf %get3A_19, %mul3A_16 : vector<10112x128xf32>
    %get3A_21 = arith.constant 0 : index
    %get3A_22 = arith.constant 0 : index
    %get3A_23 = vector.load %arg4[%get3A_21, %get3A_22] : memref<1x128xf32, #tpu.memory_space<vmem>>, vector<1x128xf32>
    %add3A_24 = vector.broadcast %get3A_23 : vector<1x128xf32> to vector<10112x128xf32>
    %add3A_25 = arith.addf %add3A_20, %add3A_24 : vector<10112x128xf32>
    %reduce_sum3A = arith.constant dense<0.000000e+00> : vector<10112xf32>
    %reduce_sum3A_26 = vector.multi_reduction <add>, %add3A_25, %reduce_sum3A [1] : vector<10112x128xf32> to vector<10112xf32>
    %broadcast_in_dim3A = vector.shape_cast %reduce_sum3A_26 : vector<10112xf32> to vector<10112x1xf32>
    %div3A = arith.constant 1.280000e+02 : f32
    %div3A_27 = vector.broadcast %div3A : f32 to vector<10112x1xf32>
    %div3A_28 = arith.divf %broadcast_in_dim3A, %div3A_27 : vector<10112x1xf32>
    %sub3A = vector.broadcast %div3A_28 : vector<10112x1xf32> to vector<10112x128xf32>
    %sub3A_29 = arith.subf %add3A_25, %sub3A : vector<10112x128xf32>
    %mul3A_30 = arith.mulf %sub3A_29, %sub3A_29 : vector<10112x128xf32>
    %reduce_sum3A_31 = arith.constant dense<0.000000e+00> : vector<10112xf32>
    %reduce_sum3A_32 = vector.multi_reduction <add>, %mul3A_30, %reduce_sum3A_31 [1] : vector<10112x128xf32> to vector<10112xf32>
    %broadcast_in_dim3A_33 = vector.shape_cast %reduce_sum3A_32 : vector<10112xf32> to vector<10112x1xf32>
    %div3A_34 = arith.constant 1.280000e+02 : f32
    %div3A_35 = vector.broadcast %div3A_34 : f32 to vector<10112x1xf32>
    %div3A_36 = arith.divf %broadcast_in_dim3A_33, %div3A_35 : vector<10112x1xf32>
    %add3A_37 = arith.constant 9.99999974E-6 : f32
    %add3A_38 = vector.broadcast %add3A_37 : f32 to vector<10112x1xf32>
    %add3A_39 = arith.addf %div3A_36, %add3A_38 : vector<10112x1xf32>
    %rsqrt3A = math.rsqrt %add3A_39 : vector<10112x1xf32>
    %mul3A_40 = vector.broadcast %rsqrt3A : vector<10112x1xf32> to vector<10112x128xf32>
    %mul3A_41 = arith.mulf %sub3A_29, %mul3A_40 : vector<10112x128xf32>
    %get3A_42 = arith.constant 0 : index
    %get3A_43 = arith.constant 0 : index
    %get3A_44 = vector.load %arg5[%get3A_42, %get3A_43] : memref<1x128xf32, #tpu.memory_space<vmem>>, vector<1x128xf32>
    %mul3A_45 = vector.broadcast %get3A_44 : vector<1x128xf32> to vector<10112x128xf32>
    %mul3A_46 = arith.mulf %mul3A_41, %mul3A_45 : vector<10112x128xf32>
    %get3A_47 = arith.constant 0 : index
    %get3A_48 = arith.constant 0 : index
    %get3A_49 = vector.load %arg6[%get3A_47, %get3A_48] : memref<1x128xf32, #tpu.memory_space<vmem>>, vector<1x128xf32>
    %add3A_50 = vector.broadcast %get3A_49 : vector<1x128xf32> to vector<10112x128xf32>
    %add3A_51 = arith.addf %mul3A_46, %add3A_50 : vector<10112x128xf32>
    %max3A = arith.constant 0.000000e+00 : f32
    %max3A_52 = vector.broadcast %max3A : f32 to vector<10112x128xf32>
    %max3A_53 = arith.maximumf %add3A_51, %max3A_52 : vector<10112x128xf32>
    %swap3A = arith.constant 0 : index
    %swap3A_54 = arith.constant 0 : index
    %swap3A_55 = vector.load %arg7[%swap3A, %swap3A_54] : memref<10112x128xf32, #tpu.memory_space<vmem>>, vector<10112x128xf32>
    tpu.vector_store %arg7[%swap3A, %swap3A_54], %max3A_53 {strides = array<i32>} : memref<10112x128xf32, #tpu.memory_space<vmem>>, vector<10112x128xf32>,
    return
  }
}

module attributes {stable_mosaic.version = 14 : i64} {
  func.func @_pool_body(%arg0: i32, %arg1: memref<1x1x128xi32, #tpu.memory_space<vmem>>, %arg2: memref<128x128xf32, #tpu.memory_space<vmem>>, %arg3: memref<64x128xf32, #tpu.memory_space<vmem>>, %arg4: memref<64x128xf32, #tpu.memory_space<vmem>>, %arg5: memref<64x1xf32, #tpu.memory_space<vmem>>) attributes {dimension_semantics = [#tpu.dimension_semantics<arbitrary>], iteration_bounds = array<i64: 79>, scalar_prefetch = 0 : i64, scratch_operands = 2 : i64, tpu.core_type = #tpu.core_type<tc>, window_params = [{transform_indices = @transform_0, window_bounds = array<i64: 1, 1, 128>}, {transform_indices = @transform_1, window_bounds = array<i64: 128, 128>}, {pipeline_mode = #tpu.pipeline_mode<synchronous>, transform_indices = @transform_2, window_bounds = array<i64: 64, 128>}]} {
    %eq3A = arith.constant 0 : i32
    %eq3A_0 = arith.cmpi eq, %arg0, %eq3A : i32
    %convert_element_type3A = arith.extui %eq3A_0 : i1 to i32
    %cond3A = arith.constant 0 : i32
    %cond3A_1 = arith.cmpi ne, %convert_element_type3A, %cond3A : i32
    scf.if %cond3A_1 {
      %broadcast_in_dim3A_31 = arith.constant 0.000000e+00 : f32
      %broadcast_in_dim3A_32 = vector.broadcast %broadcast_in_dim3A_31 : f32 to vector<64x128xf32>
      %swap3A_33 = arith.constant 0 : index
      %swap3A_34 = arith.constant 0 : index
      %swap3A_35 = vector.load %arg4[%swap3A_33, %swap3A_34] : memref<64x128xf32, #tpu.memory_space<vmem>>, vector<64x128xf32>
      tpu.vector_store %arg4[%swap3A_33, %swap3A_34], %broadcast_in_dim3A_32 {strides = array<i32>} : memref<64x128xf32, #tpu.memory_space<vmem>>, vector<64x128xf32>,
      %broadcast_in_dim3A_36 = arith.constant 0.000000e+00 : f32
      %broadcast_in_dim3A_37 = vector.broadcast %broadcast_in_dim3A_36 : f32 to vector<64x1xf32>
      %swap3A_38 = arith.constant 0 : index
      %swap3A_39 = arith.constant 0 : index
      %swap3A_40 = vector.load %arg5[%swap3A_38, %swap3A_39] : memref<64x1xf32, #tpu.memory_space<vmem>>, vector<64x1xf32>
      tpu.vector_store %arg5[%swap3A_38, %swap3A_39], %broadcast_in_dim3A_37 {strides = array<i32>} : memref<64x1xf32, #tpu.memory_space<vmem>>, vector<64x1xf32>,
    } else {
    }
    %get3A = arith.constant 0 : index
    %get3A_2 = arith.constant 0 : index
    %get3A_3 = arith.constant 0 : index
    %get3A_4 = vector.load %arg1[%get3A, %get3A_2, %get3A_3] : memref<1x1x128xi32, #tpu.memory_space<vmem>>, vector<1x1x128xi32>
    %reshape3A = vector.shape_cast %get3A_4 : vector<1x1x128xi32> to vector<1x128xi32>
    %iota3A = tpu.iota {dimensions = array<i32: 0>} : vector<64x128xi32>
    %eq3A_5 = vector.broadcast %reshape3A : vector<1x128xi32> to vector<64x128xi32>
    %eq3A_6 = arith.cmpi eq, %eq3A_5, %iota3A : vector<64x128xi32>
    %convert_element_type3A_7 = arith.extui %eq3A_6 : vector<64x128xi1> to vector<64x128xi32>
    %convert_element_type3A_8 = arith.sitofp %convert_element_type3A_7 : vector<64x128xi32> to vector<64x128xf32>
    %get3A_9 = arith.constant 0 : index
    %get3A_10 = arith.constant 0 : index
    %get3A_11 = vector.load %arg4[%get3A_9, %get3A_10] : memref<64x128xf32, #tpu.memory_space<vmem>>, vector<64x128xf32>
    %get3A_12 = arith.constant 0 : index
    %get3A_13 = arith.constant 0 : index
    %get3A_14 = vector.load %arg2[%get3A_12, %get3A_13] : memref<128x128xf32, #tpu.memory_space<vmem>>, vector<128x128xf32>
    %dot_general3A = arith.constant dense<0.000000e+00> : vector<64x128xf32>
    %dot_general3A_15 = tpu.matmul %convert_element_type3A_8, %get3A_14, %dot_general3A {dimension_numbers = #tpu.dot_dimension_numbers<[1], [0], [0], [1], [0, 0, 1, 1], [], []>, transpose_lhs_hint = false} : vector<64x128xf32>, vector<128x128xf32>, vector<64x128xf32> -> vector<64x128xf32>
    %add3A = arith.addf %get3A_11, %dot_general3A_15 : vector<64x128xf32>
    %swap3A = arith.constant 0 : index
    %swap3A_16 = arith.constant 0 : index
    %swap3A_17 = vector.load %arg4[%swap3A, %swap3A_16] : memref<64x128xf32, #tpu.memory_space<vmem>>, vector<64x128xf32>
    tpu.vector_store %arg4[%swap3A, %swap3A_16], %add3A {strides = array<i32>} : memref<64x128xf32, #tpu.memory_space<vmem>>, vector<64x128xf32>,
    %get3A_18 = arith.constant 0 : index
    %get3A_19 = arith.constant 0 : index
    %get3A_20 = vector.load %arg5[%get3A_18, %get3A_19] : memref<64x1xf32, #tpu.memory_space<vmem>>, vector<64x1xf32>
    %reduce_sum3A = arith.constant dense<0.000000e+00> : vector<64xf32>
    %reduce_sum3A_21 = vector.multi_reduction <add>, %convert_element_type3A_8, %reduce_sum3A [1] : vector<64x128xf32> to vector<64xf32>
    %broadcast_in_dim3A = vector.shape_cast %reduce_sum3A_21 : vector<64xf32> to vector<64x1xf32>
    %add3A_22 = arith.addf %get3A_20, %broadcast_in_dim3A : vector<64x1xf32>
    %swap3A_23 = arith.constant 0 : index
    %swap3A_24 = arith.constant 0 : index
    %swap3A_25 = vector.load %arg5[%swap3A_23, %swap3A_24] : memref<64x1xf32, #tpu.memory_space<vmem>>, vector<64x1xf32>
    tpu.vector_store %arg5[%swap3A_23, %swap3A_24], %add3A_22 {strides = array<i32>} : memref<64x1xf32, #tpu.memory_space<vmem>>, vector<64x1xf32>,
    %eq3A_26 = arith.constant 78 : i32
    %eq3A_27 = arith.cmpi eq, %arg0, %eq3A_26 : i32
    %convert_element_type3A_28 = arith.extui %eq3A_27 : i1 to i32
    %cond3A_29 = arith.constant 0 : i32
    %cond3A_30 = arith.cmpi ne, %convert_element_type3A_28, %cond3A_29 : i32
    scf.if %cond3A_30 {
      %get3A_31 = arith.constant 0 : index
      %get3A_32 = arith.constant 0 : index
      %get3A_33 = vector.load %arg4[%get3A_31, %get3A_32] : memref<64x128xf32, #tpu.memory_space<vmem>>, vector<64x128xf32>
      %get3A_34 = arith.constant 0 : index
      %get3A_35 = arith.constant 0 : index
      %get3A_36 = vector.load %arg5[%get3A_34, %get3A_35] : memref<64x1xf32, #tpu.memory_space<vmem>>, vector<64x1xf32>
      %max3A = arith.constant 1.000000e+00 : f32
      %max3A_37 = vector.broadcast %max3A : f32 to vector<64x1xf32>
      %max3A_38 = arith.maximumf %get3A_36, %max3A_37 : vector<64x1xf32>
      %div3A = vector.broadcast %max3A_38 : vector<64x1xf32> to vector<64x128xf32>
      %div3A_39 = arith.divf %get3A_33, %div3A : vector<64x128xf32>
      %swap3A_40 = arith.constant 0 : index
      %swap3A_41 = arith.constant 0 : index
      %swap3A_42 = vector.load %arg3[%swap3A_40, %swap3A_41] : memref<64x128xf32, #tpu.memory_space<vmem>>, vector<64x128xf32>
      tpu.vector_store %arg3[%swap3A_40, %swap3A_41], %div3A_39 {strides = array<i32>} : memref<64x128xf32, #tpu.memory_space<vmem>>, vector<64x128xf32>,
    } else {
    }
    return
  }
  func.func @transform_0(%arg0: i32) -> (i32, i32, i32) {
    %c0_i32 = arith.constant 0 : i32
    %c0_i32_0 = arith.constant 0 : i32
    %c0_i32_1 = arith.constant 0 : i32
    return %arg0, %c0_i32, %c0_i32_0 : i32, i32, i32
  }
  func.func @transform_1(%arg0: i32) -> (i32, i32) {
    %c0_i32 = arith.constant 0 : i32
    %c0_i32_0 = arith.constant 0 : i32
    return %arg0, %c0_i32 : i32, i32
  }
  func.func @transform_2(%arg0: i32) -> (i32, i32) {
    %c0_i32 = arith.constant 0 : i32
    %c0_i32_0 = arith.constant 0 : i32
    %c0_i32_1 = arith.constant 0 : i32
    return %c0_i32, %c0_i32_0 : i32, i32
  }
}

</mosaic_0001>

<sc_bundles>
// kernel: kernel.14.cloned.1.call-start
scs
__scs_entry_jumppad:
0x0: {  	(pc) =	sbr.rel $0x88, $3  }
0x1: {  	(tag) =	ssettag $0x0;
	lr =	simm.s32 $0x1  }
0x2: {  	[smem:$0x3F9A] =	sst lr;
	_ =	strace $0xD0000000  }
0x3: {  	_ = 	snop  }
0x4: {  	_ = 	snop  }
0x5: {  	_ = 	snop  }
0x6: {  	_ = 	snop  }
0x7: {  	_ = 	snop  }
__scs_overlays_trampoline_lowered:
0x8: {  	[smem:$0x3FA9] =	sst s0  }
0x9: {  	[smem:$0x3FAA] =	sst s1  }
0xa: {  	[smem:$0x3FAB] =	sst s2  }
0xb: {  	[smem:$0x3FAC] =	sst s3  }
0xc: {  	[smem:$0x3FAD] =	sst s4  }
0xd: {  	[smem:$0x3FAE] =	sst s5  }
0xe: {  	[smem:$0x3FAF] =	sst s6  }
0xf: {  	[smem:$0x3FB0] =	sst s7  }
0x10: {  	[smem:$0x3FB1] =	sst s8  }
0x11: {  	[smem:$0x3FB2] =	sst s9;
	s0 =	simm.s32 @!p0 $0x0  }
0x12: {  	s1 =	sld [smem:$0x3F98];
	s0 =	simm.s32 @p0 $0x1  }
0x13: {  	[smem:$0x3FB3] =	sst s0;
	s0 =	simm.s32 @!p1 $0x0  }
0x14: {  	s2 =	sld [smem:$0x3F97];
	s0 =	simm.s32 @p1 $0x1  }
0x15: {  	[smem:$0x3FB4] =	sst s0;
	s0 =	simm.s32 @!p2 $0x0  }
0x16: {  	s3 =	sld [smem:$0x3FDB];
	s0 =	simm.s32 @p2 $0x1  }
0x17: {  	s4 =	simm.s32 $0x1BF5;
	[smem:$0x3FB6] =	sst s0  }
0x18: {  	s0 =	sld [smem:$0x3F99];
	_ =	swait.ge [sflag:s4], $0x0  }
0x19: {  	s7 =	sld [smem:$0x3F9A]  }
0x1a: {  	s8 =	sadd.s32 $0xFFFFE003, lr  }
0x1b: {  	s9 =	sadd.s32 $0xFFFFFEF7, lr;
	s5 =	simm.s32 $0xFFFFFFFF;
	p2 =	slt.u32 s8, $0xFFFFF086  }
0x1c: {  	p1 =	slt.u32 s9, $0xF7A;
	s5 =	simm.s32 @!p2 $0x0  }
0x1d: {  	s5 =	simm.s32 @p1 $0x1;
	p0 =	seq.s32 s7, s2  }
0x1e: {  	s7 =	smul.u32 @!p0 $0xF7A, s2;
	p2 =	seq.s32 @!p0 s5, $0x0  }
0x1f: {  	s9 =	smul.u32 $0xF7A, s1;
	s8 =	simm.s32 @!p0 $0x1BF5;
	p2 =	por !p2, p0  }
0x20: {  	[sflag:s8] =	ssyncset.s32 @!p0 $0xFFFFF086;
	s6 =	sadd.s32 @!p0 s3, s7;
	s7 =	simm.s32 @!p0 $0x108  }
0x21: {  	s3 =	sadd.s32 s3, s9;
	s6 =	sadd.s32 @!p0 $0x88, s6;
	s7 =	simm.s32 @p2 $0x1082  }
0x22: {  	[simem:s7], [sflag:s8] =	dma.local @!p0 [hbm:s6], $0xF7A  }
0x23: {  	s9 =	sor.u32 $0xD0000000, s2;
	s6 =	simm.s32 $0x108;
	_ =	swait.ge @!p0 [sflag:s8], $0x0  }
0x24: {  	s3 =	sadd.s32 $0x88, s3;
	s6 =	simm.s32 @!p1 $0x1082;
	[sflag:s4] =	ssyncset.s32 $0xFFFFF086  }
0x25: {  	[simem:s6], [sflag:s4] =	dma.local [hbm:s3], $0xF7A  }
0x26: {  	[smem:$0x3F9A] =	sst s1;
	(tag) =	ssettag s2;
	_ =	strace s9  }
0x27: {  	s1 =	sld [smem:$0x3FAA]  }
0x28: {  	s2 =	sld [smem:$0x3FAB]  }
0x29: {  	s4 =	sld [smem:$0x3FAD]  }
0x2a: {  	p0 =	seq.s32 s5, $0x0;
	s5 =	sld [smem:$0x3FAE]  }
0x2b: {  	s6 =	sld [smem:$0x3FAF]  }
0x2c: {  	s7 =	sld [smem:$0x3FB0]  }
0x2d: {  	s3 =	simm.s32 $0x108;
	s8 =	sld [smem:$0x3FB1]  }
0x2e: {  	s3 =	simm.s32 @!p0 $0x1082;
	s9 =	sld [smem:$0x3FB2]  }
0x2f: {  	lr =	sadd.s32 s0, s3;
	s0 =	sld [smem:$0x3FA9]  }
0x30: {  	s3 =	sld [smem:$0x3FAC]  }
0x31: {  	[smem:$0x3FB5] =	sst s10  }
0x32: {  	s10 =	sld [smem:$0x3FB3];
	_ =	sdelay $0x3  }
0x33: {  	p0 =	seq.s32 s10, $0x1;
	s10 =	sld [smem:$0x3FB5];
	_ =	sdelay $0x3  }
0x34: {  	[smem:$0x3FB5] =	sst s10  }
0x35: {  	s10 =	sld [smem:$0x3FB4];
	_ =	sdelay $0x3  }
0x36: {  	p1 =	seq.s32 s10, $0x1;
	s10 =	sld [smem:$0x3FB5];
	_ =	sdelay $0x3  }
0x37: {  	[smem:$0x3FB5] =	sst s10  }
0x38: {  	s10 =	sld [smem:$0x3FB6]  }
0x39: {  	_ = 	snop;
	(pc) =	sbr.ind lr, $3  }
0x3a: {  	_ = 	snop  }
0x3b: {  	_ = 	snop  }
0x3c: {  	p2 =	seq.s32 s10, $0x1;
	s10 =	sld [smem:$0x3FB5]  }
0x3d: {  	_ =	shalt  }
0x3e: {  	_ =	shalt  }
0x3f: {  	_ =	shalt  }
0x40: {  	_ =	shalt  }
0x41: {  	_ =	shalt  }
0x42: {  	_ =	shalt  }
0x43: {  	_ =	shalt  }
0x44: {  	_ =	shalt  }
0x45: {  	_ =	shalt  }
0x46: {  	_ =	shalt  }
0x47: {  	_ =	shalt  }
0x48: {  	_ =	shalt  }
0x49: {  	_ =	shalt  }
0x4a: {  	_ =	shalt  }
0x4b: {  	_ =	shalt  }
0x4c: {  	_ =	shalt  }
0x4d: {  	_ =	shalt  }
0x4e: {  	_ =	shalt  }
0x4f: {  	_ =	shalt  }
0x50: {  	_ =	shalt  }
0x51: {  	_ =	shalt  }
0x52: {  	_ =	shalt  }
0x53: {  	_ =	shalt  }
0x54: {  	_ =	shalt  }
0x55: {  	_ =	shalt  }
0x56: {  	_ =	shalt  }
0x57: {  	_ =	shalt  }
0x58: {  	_ =	shalt  }
0x59: {  	_ =	shalt  }
0x5a: {  	_ =	shalt  }
0x5b: {  	_ =	shalt  }
0x5c: {  	_ =	shalt  }
0x5d: {  	_ =	shalt  }
0x5e: {  	_ =	shalt  }
0x5f: {  	_ =	shalt  }
0x60: {  	_ =	shalt  }
0x61: {  	_ =	shalt  }
0x62: {  	_ =	shalt  }
0x63: {  	_ =	shalt  }
0x64: {  	_ =	shalt  }
0x65: {  	_ =	shalt  }
0x66: {  	_ =	shalt  }
0x67: {  	_ =	shalt  }
0x68: {  	_ =	shalt  }
0x69: {  	_ =	shalt  }
0x6a: {  	_ =	shalt  }
0x6b: {  	_ =	shalt  }
0x6c: {  	_ =	shalt  }
0x6d: {  	_ =	shalt  }
0x6e: {  	_ =	shalt  }
0x6f: {  	_ =	shalt  }
0x70: {  	_ =	shalt  }
0x71: {  	_ =	shalt  }
0x72: {  	_ =	shalt  }
0x73: {  	_ =	shalt  }
0x74: {  	_ =	shalt  }
0x75: {  	_ =	shalt  }
0x76: {  	_ =	shalt  }
0x77: {  	_ =	shalt  }
0x78: {  	_ =	shalt  }
0x79: {  	_ =	shalt  }
0x7a: {  	_ =	shalt  }
0x7b: {  	_ =	shalt  }
0x7c: {  	_ =	shalt  }
0x7d: {  	_ =	shalt  }
0x7e: {  	_ =	shalt  }
0x7f: {  	_ =	shalt  }
0x80: {  	_ =	shalt  }
0x81: {  	_ =	shalt  }
0x82: {  	_ =	shalt  }
0x83: {  	_ =	shalt  }
0x84: {  	_ =	shalt  }
0x85: {  	_ =	shalt  }
0x86: {  	_ =	shalt  }
0x87: {  	_ =	shalt  }
.Lfunc_end0:
.L_simem_size_0:
called_computation_lowered:
.L_overlay_start_0:
0x88: {  	s2 =	sld [smem:$0x3FD9]  }
0x89: {  	s3 =	sld [smem:$0x3FFE];
	_ =	sdelay $0x1  }
0x8a: {  	s1 =	srdreg.scid  }
0x8b: {  	s0 =	sand.u32 $0x1, s1  }
0x8c: {  	s16 =	sshll.u32 s0, $0xA;
	s2 =	sadd.s32 s3, s2  }
0x8d: {  	s2 =	sadd.s32 s2, s16  }
0x8e: {  	[smem:$0x3FC1] =	sst s2  }
0x8f: {  	_ = 	snop  }
0x90: {  	(tm) =	ssettm $0x1  }
0x91: {  	s17 =	sld [smem:$0x3FFB];
	_ =	sdelay $0x3  }
0x92: {  	_ =	strace s17  }
0x93: {  	s2 =	sld [smem:$0x3FFC];
	_ =	sdelay $0x3  }
0x94: {  	_ =	strace s2  }
0x95: {  	s2 =	sld [smem:$0x3FFD];
	_ =	sdelay $0x3  }
0x96: {  	_ =	strace s2  }
0x97: {  	_ =	strace $0x8FFFFFFF  }
0x98: {  	s18 =	sld [smem:$0x3FDB];
	_ =	sdelay $0x1  }
0x99: {  	s19 =	simm.s32 $_scs_section_size  }
0x9a: {  	s4 =	simm.s32 $_size__tile_overlayer_lowered;
	s5 =	simm.s32 $_tile_overlayer_lowered  }
0x9b: {  	s22 =	simm.s32 $0x1BFF;
	s21 =	sshll.u32 s5, $0x1;
	s2 =	sadd.s32 s19, s18  }
0x9c: {  	s6 =	simm.s32 $0x0;
	s20 =	sshll.u32 s4, $0x1;
	s4 =	sadd.s32 s21, s2  }
0x9d: {  	[timem:s6], [sflag:s22] =	dma.local [hbm:s4], s20  }
0x9e: {  	_ =	swait.ge [sflag:s22], s20  }
0x9f: {  	s3 =	ssub.s32 $0x0, s20;
	[sflag:s22] =	ssyncset.done $0x0  }
0xa0: {  	[sflag:s22] =	ssyncadd.s32 s3;
	_ =	sdelay $0x1  }
0xa1: {  	s23 =	simm.s32 $0x1B8B  }
0xa2: {  	_ =	swait.ge [sflag:s23], $0x1  }
0xa3: {  	[sflag:s23] =	ssyncset.done $0x0  }
0xa4: {  	s25 =	simm.s32 $0x1B8E;
	s24 =	sld [smem:$0x3FFE];
	[sflag:s23] =	ssyncadd.s32 $0xFFFFFFFF  }
0xa5: {  	s26 =	simm.s32 $execute0_lowered;
	[smem:$0x3FD2] =	sst s25  }
0xa6: {  	s4 =	sshll.u32 s26, $0x1;
	_ =	strace $0x80000046;
	[dreg:$0x1] =	wrdreg $0xFFFFFFFF  }
0xa7: {  	s28 =	simm.s32 $_size_execute0_lowered;
	s2 =	sadd.s32 s2, s4;
	[dreg:$0x0] =	wrdreg $0x0  }
0xa8: {  	s4 =	sshll.u32 s28, $0x1;
	[dreg:$0x2] =	wrdreg s2  }
0xa9: {  	[dreg:$0x3] =	wrdreg s4  }
0xaa: {  	[dreg:$0x4] =	wrdreg $0xC0  }
0xab: {  	_ =	task [dreg:s6], $0x5FFFF  }
0xac: {  	[dreg:$0x1] =	wrdreg $0xFFFFFFFF  }
0xad: {  	[dreg:$0x0] =	wrdreg $0x60  }
0xae: {  	[dreg:$0x2] =	wrdreg s24  }
0xaf: {  	[dreg:$0x3] =	wrdreg $0x9  }
0xb0: {  	_ =	task.clear_ibuf [dreg:s6], $0x4FFFF;
	_ =	strace $0x90000046  }
0xb1: {  	s29 =	simm.s32 $0x9;
	_ =	strace $0x80000048  }
0xb2: {  	_ =	swait.ge [sflag:s29], $0x1  }
0xb3: {  	[sflag:s29] =	ssyncadd.s32 $0xFFFFFFFF  }
0xb4: {  	_ =	strace $0x90000048  }
0xb5: {  	_ =	sfence  }
0xb6: {  	s30 =	sld [smem:$0x0];
	_ =	sdelay $0x2  }
0xb7: {  	s31 =	sshll.u32 s1, $0xD;
	s1 =	sshrl.u32 s1, $0x2  }
0xb8: {  	s3 =	sand.u32 $0x4000, s31;
	s1 =	sadd.s32 s1, s30  }
0xb9: {  	s0 =	sor.u32 s3, s0;
	s1 =	sshll.u32 s1, $0x11  }
0xba: {  	s0 =	sor.u32 s1, s0  }
0xbb: {  	s0 =	sadd.s32 $0x8F2B, s0  }
0xbc: {  	[sflag:s0] =	ssyncadd.remote.s32 $0x1  }
0xbd: {  	_ =	sfence.sel $0xFFFF  }
0xbe: {  	[dreg:$0x0] =	wrdreg $0xFFFFFFFF;
	(pc) =	sbr.abs _section_cstart, $3  }
0xbf: {  	[dreg:$0x1] =	wrdreg $0xFFFFFFFF  }
0xc0: {  	_ =	task.clear_ibuf [dreg:s6], $0x2FFFF;
	_ =	strace $0x9FFFFFFF  }
0xc1: {  	(tm) =	ssettm $0x7FFFFFFF  }
tec
execute0_lowered:
.L_overlay_start_1:
0x0: {  	(tag) =	ssettag $0x1  }
0x1: {  	s4 =	rddreg [dreg:$0x0];
	s1 =	srdreg.scid  }
0x2: {  	s0 =	stileid.u32;
	s8 =	simm.s32 $0x1;
	s9 =	simm.s32 $0x80  }
0x3: {  	s10 =	simm.s32 $0x400;
	s11 =	simm.s32 $0x0;
	s3 =	sand.u32 $0x1, s1  }
0x4: {  	s29 =	sshrl.u32 s0, $0x2;
	s2 =	sshll.u32 s0, $0x8;
	s1 =	rddreg [dreg:$0x1]  }
0x5: {  	s5 =	smul.u32 $0x13C00, s29;
	s6 =	sshll.u32 s3, $0x7;
	s7 =	sand.u32 $0x300, s2  }
0x6: {  	s2 =	simm.s32 $0x0;
	s30 =	ssub.s32 $0x2, s3;
	s6 =	sor.u32 s6, s7  }
0x7: {  	s3 =	sadd.s32 $0xD400, s4;
	[smem:$0x7FF] =	sst s2;
	s5 =	sor.u32 s5, s6  }
0x8: {  	s31 =	sshrl.u32 s30, $0x1;
	s7 =	simm.s32 $0x2780;
	s5 =	sshrl.u32 s5, $0x3  }
0x9: {  	_ =	strace $0x80000047;
	s6 =	ssub.s32 s30, s31;
	s5 =	sadd.s32 s5, s4  }
0xa: {  	v0 =	vimm.f32 $1.000000000e+00;
	s6 =	smax.u32 s6, $0x1;
	s4 =	sadd.s32 $0x3600, s5;
	s5 =	sadd.s32 $0xDA00, s5  }
.LBB2_1:
0xb: {  	[tilespmem:s7], [sflag:$0x1] =	stream.linear.gather [hbm4b:s3+s2], $0x2780, $0x38;
	[tilespmem:$0x4F00] =	vst v63  }
0xc: {  	_ =	swait.ge [sflag:s8], $0x2780  }
0xd: {  	[sflag:s8] =	ssyncset.done $0x0  }
0xe: {  	[sflag:s8] =	ssyncadd.s32 $0xFFFFD880  }
0xf: {  	[tilespmem:s2], [sflag:$0x1] =	stream.strided.gather [hbm4b:s4+s9], $0x2780, s10, s9, $0x38;
	[tilespmem:$0x4F00] =	vst v63  }
0x10: {  	_ =	swait.ge [sflag:s8], $0x2780  }
0x11: {  	[sflag:s8] =	ssyncset.done $0x0  }
0x12: {  	s13 =	simm.s32 $0x0;
	s12 =	simm.s32 $0x40;
	[sflag:s8] =	ssyncadd.s32 $0xFFFFD880  }
.LBB2_2:
0x13: {  	p0 =	sne.s32 s12, $0x9DC0;
	v1 =	vld [tilespmem:s13+$0x0];
	_ =	sdelay $0x3  }
.Ltmp0:
0x14: {  	(pc) =	sbr.rel @p0 .LBB2_2-.Ltmp0, $2  }
0x15: {  	_ =	sdelay $0x2  }
0x16: {  	s13 =	sshra.s32 s12, $0x2;
	s12 =	sadd.s32 $0x40, s12;
	[tilespmem:v1+s7+$0x0] =	vst.idx.add.f32.msk $0xffff, v0  }
0x17: {  	v1 =	vld [tilespmem:s13+$0x0];
	_ =	sdelay $0x5  }
0x18: {  	s11 =	sadd.s32 $0x1, s11  }
0x19: {  	p0 =	sne.s32 s11, s6  }
.Ltmp1:
0x1a: {  	[tilespmem:v1+s7+$0x0] =	vst.idx.add.f32.msk $0xffff, v0;
	(pc) =	sbr.rel @p0 .LBB2_1-.Ltmp1, $4  }
0x1b: {  	[hbm4b:s5+s9] =	stream.strided.scatter [tilespmem:s7], [sflag:$0x1], $0x2780, s10, s9, $0x38;
	[tilespmem:$0x4F00] =	vst v63  }
0x1c: {  	_ =	swait.ge [sflag:s8], $0x2780  }
0x1d: {  	[sflag:s8] =	ssyncset.done $0x0  }
0x1e: {  	[sflag:s8] =	ssyncadd.s32 $0xFFFFD880  }
0x1f: {  	_ =	sfence.sel $0x180000  }
0x20: {  	[bflag:$0x0] =	sbarrier.arrive $0xFFFF  }
0x21: {  	p0 =	sne.s32 s0, $0x0;
	_ =	strace $0x90000047  }
0x22: {  	s0 =	sadd.s32 @!p0 $0x100000, s1;
	[bflag:$0x2] =	sbarrier.arrive $0xFFFF  }
0x23: {  	[sflag:s0] =	ssyncadd.tile.s32 @!p0 $0x1;
	_ =	shalt  }
.Lfunc_end2:
_tile_overlayer_lowered:
.L_overlay_start_2:
0x24: {  	(tag) =	ssettag $0x2  }
0x25: {  	s0 =	rddreg [dreg:$0x0];
	s2 =	stileid.u32  }
0x26: {  	s1 =	rddreg [dreg:$0x1];
	p0 =	sne.s32 s2, $0x0  }
0x27: {  	s3 =	rddreg [dreg:$0x2];
	[bflag:$0x3] =	sbarrier.arrive $0xFFFF;
	s2 =	simm.s32 @!p0 $0x1C01  }
0x28: {  	[timem:s3], [sflag:s2] =	dma.local @!p0 [hbm:s0], s1  }
0x29: {  	s0 =	simm.s32 @!p0 $0x1  }
0x2a: {  	_ =	swait.ge @!p0 [sflag:s0], s1  }
0x2b: {  	s1 =	ssub.s32 @!p0 $0x0, s1;
	[sflag:s0] =	ssyncset.done @!p0 $0x0  }
0x2c: {  	[sflag:s0] =	ssyncadd.s32 @!p0 s1  }
0x2d: {  	[bflag:$0x3] =	sbarrier.arrive $0xFFFF  }
0x2e: {  	_ =	shalt  }

// kernel: kernel.17.cloned.1.call-start
scs
__scs_entry_jumppad:
0x0: {  	(pc) =	sbr.rel $0x88, $3  }
0x1: {  	(tag) =	ssettag $0x0;
	lr =	simm.s32 $0x1  }
0x2: {  	[smem:$0x3F9A] =	sst lr;
	_ =	strace $0xD0000000  }
0x3: {  	_ = 	snop  }
0x4: {  	_ = 	snop  }
0x5: {  	_ = 	snop  }
0x6: {  	_ = 	snop  }
0x7: {  	_ = 	snop  }
__scs_overlays_trampoline_lowered:
0x8: {  	[smem:$0x3FA9] =	sst s0  }
0x9: {  	[smem:$0x3FAA] =	sst s1  }
0xa: {  	[smem:$0x3FAB] =	sst s2  }
0xb: {  	[smem:$0x3FAC] =	sst s3  }
0xc: {  	[smem:$0x3FAD] =	sst s4  }
0xd: {  	[smem:$0x3FAE] =	sst s5  }
0xe: {  	[smem:$0x3FAF] =	sst s6  }
0xf: {  	[smem:$0x3FB0] =	sst s7  }
0x10: {  	[smem:$0x3FB1] =	sst s8  }
0x11: {  	[smem:$0x3FB2] =	sst s9;
	s0 =	simm.s32 @!p0 $0x0  }
0x12: {  	s1 =	sld [smem:$0x3F98];
	s0 =	simm.s32 @p0 $0x1  }
0x13: {  	[smem:$0x3FB3] =	sst s0;
	s0 =	simm.s32 @!p1 $0x0  }
0x14: {  	s2 =	sld [smem:$0x3F97];
	s0 =	simm.s32 @p1 $0x1  }
0x15: {  	[smem:$0x3FB4] =	sst s0;
	s0 =	simm.s32 @!p2 $0x0  }
0x16: {  	s3 =	sld [smem:$0x3FDB];
	s0 =	simm.s32 @p2 $0x1  }
0x17: {  	s4 =	simm.s32 $0x1BF5;
	[smem:$0x3FB6] =	sst s0  }
0x18: {  	s0 =	sld [smem:$0x3F99];
	_ =	swait.ge [sflag:s4], $0x0  }
0x19: {  	s7 =	sld [smem:$0x3F9A]  }
0x1a: {  	s8 =	sadd.s32 $0xFFFFE003, lr  }
0x1b: {  	s9 =	sadd.s32 $0xFFFFFEF7, lr;
	s5 =	simm.s32 $0xFFFFFFFF;
	p2 =	slt.u32 s8, $0xFFFFF086  }
0x1c: {  	p1 =	slt.u32 s9, $0xF7A;
	s5 =	simm.s32 @!p2 $0x0  }
0x1d: {  	s5 =	simm.s32 @p1 $0x1;
	p0 =	seq.s32 s7, s2  }
0x1e: {  	s7 =	smul.u32 @!p0 $0xF7A, s2;
	p2 =	seq.s32 @!p0 s5, $0x0  }
0x1f: {  	s9 =	smul.u32 $0xF7A, s1;
	s8 =	simm.s32 @!p0 $0x1BF5;
	p2 =	por !p2, p0  }
0x20: {  	[sflag:s8] =	ssyncset.s32 @!p0 $0xFFFFF086;
	s6 =	sadd.s32 @!p0 s3, s7;
	s7 =	simm.s32 @!p0 $0x108  }
0x21: {  	s3 =	sadd.s32 s3, s9;
	s6 =	sadd.s32 @!p0 $0x88, s6;
	s7 =	simm.s32 @p2 $0x1082  }
0x22: {  	[simem:s7], [sflag:s8] =	dma.local @!p0 [hbm:s6], $0xF7A  }
0x23: {  	s9 =	sor.u32 $0xD0000000, s2;
	s6 =	simm.s32 $0x108;
	_ =	swait.ge @!p0 [sflag:s8], $0x0  }
0x24: {  	s3 =	sadd.s32 $0x88, s3;
	s6 =	simm.s32 @!p1 $0x1082;
	[sflag:s4] =	ssyncset.s32 $0xFFFFF086  }
0x25: {  	[simem:s6], [sflag:s4] =	dma.local [hbm:s3], $0xF7A  }
0x26: {  	[smem:$0x3F9A] =	sst s1;
	(tag) =	ssettag s2;
	_ =	strace s9  }
0x27: {  	s1 =	sld [smem:$0x3FAA]  }
0x28: {  	s2 =	sld [smem:$0x3FAB]  }
0x29: {  	s4 =	sld [smem:$0x3FAD]  }
0x2a: {  	p0 =	seq.s32 s5, $0x0;
	s5 =	sld [smem:$0x3FAE]  }
0x2b: {  	s6 =	sld [smem:$0x3FAF]  }
0x2c: {  	s7 =	sld [smem:$0x3FB0]  }
0x2d: {  	s3 =	simm.s32 $0x108;
	s8 =	sld [smem:$0x3FB1]  }
0x2e: {  	s3 =	simm.s32 @!p0 $0x1082;
	s9 =	sld [smem:$0x3FB2]  }
0x2f: {  	lr =	sadd.s32 s0, s3;
	s0 =	sld [smem:$0x3FA9]  }
0x30: {  	s3 =	sld [smem:$0x3FAC]  }
0x31: {  	[smem:$0x3FB5] =	sst s10  }
0x32: {  	s10 =	sld [smem:$0x3FB3];
	_ =	sdelay $0x3  }
0x33: {  	p0 =	seq.s32 s10, $0x1;
	s10 =	sld [smem:$0x3FB5];
	_ =	sdelay $0x3  }
0x34: {  	[smem:$0x3FB5] =	sst s10  }
0x35: {  	s10 =	sld [smem:$0x3FB4];
	_ =	sdelay $0x3  }
0x36: {  	p1 =	seq.s32 s10, $0x1;
	s10 =	sld [smem:$0x3FB5];
	_ =	sdelay $0x3  }
0x37: {  	[smem:$0x3FB5] =	sst s10  }
0x38: {  	s10 =	sld [smem:$0x3FB6]  }
0x39: {  	_ = 	snop;
	(pc) =	sbr.ind lr, $3  }
0x3a: {  	_ = 	snop  }
0x3b: {  	_ = 	snop  }
0x3c: {  	p2 =	seq.s32 s10, $0x1;
	s10 =	sld [smem:$0x3FB5]  }
0x3d: {  	_ =	shalt  }
0x3e: {  	_ =	shalt  }
0x3f: {  	_ =	shalt  }
0x40: {  	_ =	shalt  }
0x41: {  	_ =	shalt  }
0x42: {  	_ =	shalt  }
0x43: {  	_ =	shalt  }
0x44: {  	_ =	shalt  }
0x45: {  	_ =	shalt  }
0x46: {  	_ =	shalt  }
0x47: {  	_ =	shalt  }
0x48: {  	_ =	shalt  }
0x49: {  	_ =	shalt  }
0x4a: {  	_ =	shalt  }
0x4b: {  	_ =	shalt  }
0x4c: {  	_ =	shalt  }
0x4d: {  	_ =	shalt  }
0x4e: {  	_ =	shalt  }
0x4f: {  	_ =	shalt  }
0x50: {  	_ =	shalt  }
0x51: {  	_ =	shalt  }
0x52: {  	_ =	shalt  }
0x53: {  	_ =	shalt  }
0x54: {  	_ =	shalt  }
0x55: {  	_ =	shalt  }
0x56: {  	_ =	shalt  }
0x57: {  	_ =	shalt  }
0x58: {  	_ =	shalt  }
0x59: {  	_ =	shalt  }
0x5a: {  	_ =	shalt  }
0x5b: {  	_ =	shalt  }
0x5c: {  	_ =	shalt  }
0x5d: {  	_ =	shalt  }
0x5e: {  	_ =	shalt  }
0x5f: {  	_ =	shalt  }
0x60: {  	_ =	shalt  }
0x61: {  	_ =	shalt  }
0x62: {  	_ =	shalt  }
0x63: {  	_ =	shalt  }
0x64: {  	_ =	shalt  }
0x65: {  	_ =	shalt  }
0x66: {  	_ =	shalt  }
0x67: {  	_ =	shalt  }
0x68: {  	_ =	shalt  }
0x69: {  	_ =	shalt  }
0x6a: {  	_ =	shalt  }
0x6b: {  	_ =	shalt  }
0x6c: {  	_ =	shalt  }
0x6d: {  	_ =	shalt  }
0x6e: {  	_ =	shalt  }
0x6f: {  	_ =	shalt  }
0x70: {  	_ =	shalt  }
0x71: {  	_ =	shalt  }
0x72: {  	_ =	shalt  }
0x73: {  	_ =	shalt  }
0x74: {  	_ =	shalt  }
0x75: {  	_ =	shalt  }
0x76: {  	_ =	shalt  }
0x77: {  	_ =	shalt  }
0x78: {  	_ =	shalt  }
0x79: {  	_ =	shalt  }
0x7a: {  	_ =	shalt  }
0x7b: {  	_ =	shalt  }
0x7c: {  	_ =	shalt  }
0x7d: {  	_ =	shalt  }
0x7e: {  	_ =	shalt  }
0x7f: {  	_ =	shalt  }
0x80: {  	_ =	shalt  }
0x81: {  	_ =	shalt  }
0x82: {  	_ =	shalt  }
0x83: {  	_ =	shalt  }
0x84: {  	_ =	shalt  }
0x85: {  	_ =	shalt  }
0x86: {  	_ =	shalt  }
0x87: {  	_ =	shalt  }
.Lfunc_end0:
.L_simem_size_0:
called_computation.1_lowered:
.L_overlay_start_0:
0x88: {  	s2 =	sld [smem:$0x3FD9]  }
0x89: {  	s3 =	sld [smem:$0x3FFE];
	_ =	sdelay $0x1  }
0x8a: {  	s1 =	srdreg.scid  }
0x8b: {  	s0 =	sand.u32 $0x1, s1  }
0x8c: {  	s16 =	sshll.u32 s0, $0xA;
	s2 =	sadd.s32 s3, s2  }
0x8d: {  	s2 =	sadd.s32 s2, s16  }
0x8e: {  	[smem:$0x3FC1] =	sst s2  }
0x8f: {  	_ = 	snop  }
0x90: {  	(tm) =	ssettm $0x1  }
0x91: {  	s17 =	sld [smem:$0x3FFB];
	_ =	sdelay $0x3  }
0x92: {  	_ =	strace s17  }
0x93: {  	s2 =	sld [smem:$0x3FFC];
	_ =	sdelay $0x3  }
0x94: {  	_ =	strace s2  }
0x95: {  	s2 =	sld [smem:$0x3FFD];
	_ =	sdelay $0x3  }
0x96: {  	_ =	strace s2  }
0x97: {  	_ =	strace $0x8FFFFFFF  }
0x98: {  	s18 =	sld [smem:$0x3FDB];
	_ =	sdelay $0x1  }
0x99: {  	s19 =	simm.s32 $_scs_section_size  }
0x9a: {  	s4 =	simm.s32 $_size__tile_overlayer_lowered;
	s5 =	simm.s32 $_tile_overlayer_lowered  }
0x9b: {  	s22 =	simm.s32 $0x1BFF;
	s21 =	sshll.u32 s5, $0x1;
	s2 =	sadd.s32 s19, s18  }
0x9c: {  	s6 =	simm.s32 $0x0;
	s20 =	sshll.u32 s4, $0x1;
	s4 =	sadd.s32 s21, s2  }
0x9d: {  	[timem:s6], [sflag:s22] =	dma.local [hbm:s4], s20  }
0x9e: {  	_ =	swait.ge [sflag:s22], s20  }
0x9f: {  	s3 =	ssub.s32 $0x0, s20;
	[sflag:s22] =	ssyncset.done $0x0  }
0xa0: {  	[sflag:s22] =	ssyncadd.s32 s3;
	_ =	sdelay $0x1  }
0xa1: {  	s23 =	simm.s32 $0x1B8B  }
0xa2: {  	_ =	swait.ge [sflag:s23], $0x1  }
0xa3: {  	[sflag:s23] =	ssyncset.done $0x0  }
0xa4: {  	s25 =	simm.s32 $0x1B8E;
	s24 =	sld [smem:$0x3FFE];
	[sflag:s23] =	ssyncadd.s32 $0xFFFFFFFF  }
0xa5: {  	s26 =	simm.s32 $execute0_lowered;
	[smem:$0x3FD2] =	sst s25  }
0xa6: {  	s4 =	sshll.u32 s26, $0x1;
	_ =	strace $0x80000049;
	[dreg:$0x1] =	wrdreg $0xFFFFFFFF  }
0xa7: {  	s28 =	simm.s32 $_size_execute0_lowered;
	s2 =	sadd.s32 s2, s4;
	[dreg:$0x0] =	wrdreg $0x0  }
0xa8: {  	s4 =	sshll.u32 s28, $0x1;
	[dreg:$0x2] =	wrdreg s2  }
0xa9: {  	[dreg:$0x3] =	wrdreg s4  }
0xaa: {  	[dreg:$0x4] =	wrdreg $0xC0  }
0xab: {  	_ =	task [dreg:s6], $0x5FFFF  }
0xac: {  	[dreg:$0x1] =	wrdreg $0xFFFFFFFF  }
0xad: {  	[dreg:$0x0] =	wrdreg $0x60  }
0xae: {  	[dreg:$0x2] =	wrdreg s24  }
0xaf: {  	[dreg:$0x3] =	wrdreg $0xA8000  }
0xb0: {  	[dreg:$0x4] =	wrdreg $0x9  }
0xb1: {  	_ =	task.clear_ibuf [dreg:s6], $0x5FFFF;
	_ =	strace $0x90000049  }
0xb2: {  	s29 =	simm.s32 $0x9;
	_ =	strace $0x8000004B  }
0xb3: {  	_ =	swait.ge [sflag:s29], $0x1  }
0xb4: {  	[sflag:s29] =	ssyncadd.s32 $0xFFFFFFFF  }
0xb5: {  	_ =	strace $0x9000004B  }
0xb6: {  	_ =	sfence  }
0xb7: {  	s30 =	sld [smem:$0x0];
	_ =	sdelay $0x2  }
0xb8: {  	s31 =	sshll.u32 s1, $0xD;
	s1 =	sshrl.u32 s1, $0x2  }
0xb9: {  	s3 =	sand.u32 $0x4000, s31;
	s1 =	sadd.s32 s1, s30  }
0xba: {  	s0 =	sor.u32 s3, s0;
	s1 =	sshll.u32 s1, $0x11  }
0xbb: {  	s0 =	sor.u32 s1, s0  }
0xbc: {  	s0 =	sadd.s32 $0x8F2B, s0  }
0xbd: {  	[sflag:s0] =	ssyncadd.remote.s32 $0x1  }
0xbe: {  	_ =	sfence.sel $0xFFFF  }
0xbf: {  	[dreg:$0x0] =	wrdreg $0xFFFFFFFF;
	(pc) =	sbr.abs _section_cstart, $3  }
0xc0: {  	[dreg:$0x1] =	wrdreg $0xFFFFFFFF  }
0xc1: {  	_ =	task.clear_ibuf [dreg:s6], $0x2FFFF;
	_ =	strace $0x9FFFFFFF  }
0xc2: {  	(tm) =	ssettm $0x7FFFFFFF  }
0xc3: {  	_ =	shalt  }
tec
execute0_lowered:
.L_overlay_start_1:
0x0: {  	(tag) =	ssettag $0x1  }
0x1: {  	s6 =	rddreg [dreg:$0x0]  }
0x2: {  	s1 =	rddreg [dreg:$0x1];
	s2 =	srdreg.scid  }
0x3: {  	s0 =	rddreg [dreg:$0x2];
	s3 =	simm.s32 $0x0;
	s16 =	simm.s32 $0x80  }
0x4: {  	s17 =	simm.s32 $0x2800;
	s18 =	simm.s32 $0x6800;
	s19 =	simm.s32 $0x1  }
0x5: {  	s20 =	simm.s32 $0x2;
	s21 =	simm.s32 $0x2700;
	s22 =	simm.s32 $0x2780  }
0x6: {  	s23 =	simm.s32 $0x2600;
	s24 =	simm.s32 $0x1300;
	s25 =	simm.s32 $0x2680  }
0x7: {  	s26 =	simm.s32 $0x0;
	s7 =	sand.u32 $0x1, s2;
	s2 =	stileid.u32  }
0x8: {  	[smem:$0x7FF] =	sst s3;
	s4 =	sadd.s32 $0x2B800, s6;
	s5 =	smul.u32 $0x13C000, s7  }
0x9: {  	s9 =	sadd.s32 $0x21800, s6;
	s10 =	sadd.s32 $0x17800, s6;
	s8 =	smul.u32 $0x13C00, s2  }
0xa: {  	_ =	strace $0x8000004A;
	s11 =	sshll.u32 s7, $0x4;
	s7 =	ssub.s32 $0x2, s7  }
0xb: {  	s12 =	smul.u32 $0x4F000, s2;
	s31 =	sshll.u32 s2, $0x6;
	s11 =	sor.u32 s2, s11  }
0xc: {  	s28 =	sshrl.u32 s7, $0x1;
	s8 =	sadd.s32 s8, s5;
	s5 =	sadd.s32 $0x3600, s6  }
0xd: {  	s29 =	smul.u32 $0x2800, s11;
	s14 =	ssub.s32 s7, s28;
	s30 =	sshrl.u32 s12, $0x2  }
0xe: {  	s8 =	sshrl.u32 s8, $0x3;
	s15 =	sadd.s32 s30, s1;
	s12 =	smax.u32 s14, $0x1  }
0xf: {  	s14 =	simm.s32 $0x3;
	s13 =	sadd.s32 s8, s6;
	s11 =	sshrl.u32 s29, $0x3  }
0x10: {  	s7 =	sadd.s32 s9, s11;
	s8 =	sadd.s32 s10, s11;
	s11 =	sadd.s32 $0x280, s11  }
0x11: {  	s6 =	sor.u32 $0x1C03, s31;
	s9 =	sadd.s32 s9, s11;
	s10 =	sadd.s32 s10, s11  }
0x12: {  	s11 =	sadd.s32 $0x53000, s13;
	s13 =	sshrl.u32 s15, $0x3;
	s15 =	simm.s32 $0x1400  }
.LBB2_1:
0x13: {  	[spmem:s13], [sflag:s6] =	dma.local [hbm:s5], $0x2780  }
0x14: {  	_ =	swait.ge [sflag:s14], $0x2780  }
0x15: {  	[sflag:s14] =	ssyncset.done $0x0  }
0x16: {  	[sflag:s14] =	ssyncadd.s32 $0xFFFFD880  }
0x17: {  	[bflag:$0x0] =	sbarrier.arrive $0xFFFF  }
0x18: {  	[tilespmem:s3], [sflag:$0x3] =	stream.linear.gather [hbm4b:s7+s3], $0x1400, $0x38;
	[tilespmem:$0x1E400] =	vst v63  }
0x19: {  	_ =	swait.ge [sflag:s14], $0x1400  }
0x1a: {  	[sflag:s14] =	ssyncset.done $0x0  }
0x1b: {  	[sflag:s14] =	ssyncadd.s32 $0xFFFFEC00  }
0x1c: {  	[tilespmem:s15], [sflag:$0x3] =	stream.linear.gather [hbm4b:s8+s3], $0x1400, $0x38;
	[tilespmem:$0x1E400] =	vst v63  }
0x1d: {  	_ =	swait.ge [sflag:s14], $0x1400  }
0x1e: {  	[sflag:s14] =	ssyncset.done $0x0  }
0x1f: {  	[sflag:s14] =	ssyncadd.s32 $0xFFFFEC00  }
0x20: {  	[tilespmem:s17], [sflag:$0x1] =	stream.indirect.gather [hbm4b:s4+s16], $0x80, s3, s16, $0xb8;
	[tilespmem:$0x1E400] =	vst v63  }
0x21: {  	_ = 	snop  }
0x22: {  	[tilespmem:s18], [sflag:$0x2] =	stream.indirect.gather [hbm4b:s4+s16], $0x80, s16, s16, $0xb8;
	[tilespmem:$0x1E400] =	vst v63  }
0x23: {  	_ =	swait.ge [sflag:s19], $0x4000  }
0x24: {  	[sflag:s19] =	ssyncset.done $0x0  }
0x25: {  	s28 =	simm.s32 $0x1400;
	[sflag:s19] =	ssyncadd.s32 $0xFFFFC000  }
0x26: {  	[spmem:s1] =	stream.indirect.scatter.add.f32 [tilespmem:s17], [sflag:$0x3], $0x80, s28, s16, $0xb8;
	[tilespmem:$0x1E400] =	vst v63  }
0x27: {  	_ =	swait.ge [sflag:s14], $0x4000  }
0x28: {  	[sflag:s14] =	ssyncset.done $0x0  }
0x29: {  	s28 =	simm.s32 $0x100;
	[sflag:s14] =	ssyncadd.s32 $0xFFFFC000  }
0x2a: {  	[tilespmem:s17], [sflag:$0x1] =	stream.indirect.gather [hbm4b:s4+s16], $0x80, s28, s16, $0xb8;
	[tilespmem:$0x1E400] =	vst v63  }
0x2b: {  	_ =	swait.ge [sflag:s20], $0x4000  }
0x2c: {  	[sflag:s20] =	ssyncset.done $0x0  }
0x2d: {  	s28 =	simm.s32 $0x1480;
	[sflag:s20] =	ssyncadd.s32 $0xFFFFC000  }
0x2e: {  	[spmem:s1] =	stream.indirect.scatter.add.f32 [tilespmem:s18], [sflag:$0x3], $0x80, s28, s16, $0xb8;
	[tilespmem:$0x1E400] =	vst v63  }
0x2f: {  	_ =	swait.ge [sflag:s14], $0x4000  }
0x30: {  	[sflag:s14] =	ssyncset.done $0x0  }
0x31: {  	s29 =	simm.s32 $0x180;
	s28 =	simm.s32 $0x400;
	[sflag:s14] =	ssyncadd.s32 $0xFFFFC000  }
.LBB2_2:
0x32: {  	[tilespmem:s18], [sflag:$0x2] =	stream.indirect.gather [hbm4b:s4+s16], $0x80, s29, s16, $0xb8;
	[tilespmem:$0x1E400] =	vst v63  }
0x33: {  	s29 =	smov.u32 s28  }
0x34: {  	p0 =	sne.s32 s28, $0x4800;
	s28 =	sadd.s32 $0x400, s28;
	_ =	swait.ge [sflag:s19], $0x4000  }
0x35: {  	s29 =	sshra.s32 s29, $0x2;
	[sflag:s19] =	ssyncset.done $0x0  }
0x36: {  	s30 =	sadd.s32 $0x1400, s29;
	[sflag:s19] =	ssyncadd.s32 $0xFFFFC000  }
0x37: {  	[spmem:s1] =	stream.indirect.scatter.add.f32 [tilespmem:s17], [sflag:$0x3], $0x80, s30, s16, $0xb8;
	[tilespmem:$0x1E400] =	vst v63  }
0x38: {  	_ =	swait.ge [sflag:s14], $0x4000  }
0x39: {  	[sflag:s14] =	ssyncset.done $0x0  }
0x3a: {  	s30 =	sadd.s32 $0x100, s29;
	[sflag:s14] =	ssyncadd.s32 $0xFFFFC000  }
0x3b: {  	[tilespmem:s17], [sflag:$0x1] =	stream.indirect.gather [hbm4b:s4+s16], $0x80, s30, s16, $0xb8;
	[tilespmem:$0x1E400] =	vst v63  }
0x3c: {  	_ =	swait.ge [sflag:s20], $0x4000  }
0x3d: {  	[sflag:s20] =	ssyncset.done $0x0  }
.Ltmp0:
0x3e: {  	s30 =	sadd.s32 $0x1480, s29;
	[sflag:s20] =	ssyncadd.s32 $0xFFFFC000;
	(pc) =	sbr.rel @p0 .LBB2_2-.Ltmp0, $4  }
0x3f: {  	[spmem:s1] =	stream.indirect.scatter.add.f32 [tilespmem:s18], [sflag:$0x3], $0x80, s30, s16, $0xb8;
	[tilespmem:$0x1E400] =	vst v63  }
0x40: {  	_ =	swait.ge [sflag:s14], $0x4000  }
0x41: {  	[sflag:s14] =	ssyncset.done $0x0  }
0x42: {  	s29 =	sadd.s32 $0x180, s29;
	[sflag:s14] =	ssyncadd.s32 $0xFFFFC000  }
0x43: {  	[tilespmem:s18], [sflag:$0x2] =	stream.indirect.gather [hbm4b:s4+s16], $0x80, s29, s16, $0xb8;
	[tilespmem:$0x1E400] =	vst v63  }
0x44: {  	_ =	swait.ge [sflag:s19], $0x4000  }
0x45: {  	[sflag:s19] =	ssyncset.done $0x0  }
0x46: {  	[sflag:s19] =	ssyncadd.s32 $0xFFFFC000  }
0x47: {  	[spmem:s1] =	stream.indirect.scatter.add.f32 [tilespmem:s17], [sflag:$0x3], $0x80, s21, s16, $0xb8;
	[tilespmem:$0x1E400] =	vst v63  }
0x48: {  	_ =	swait.ge [sflag:s14], $0x4000  }
0x49: {  	[sflag:s14] =	ssyncset.done $0x0  }
0x4a: {  	[sflag:s14] =	ssyncadd.s32 $0xFFFFC000  }
0x4b: {  	_ =	swait.ge [sflag:s20], $0x4000  }
0x4c: {  	[sflag:s20] =	ssyncset.done $0x0  }
0x4d: {  	[sflag:s20] =	ssyncadd.s32 $0xFFFFC000  }
0x4e: {  	[spmem:s1] =	stream.indirect.scatter.add.f32 [tilespmem:s18], [sflag:$0x3], $0x80, s22, s16, $0xb8;
	[tilespmem:$0x1E400] =	vst v63  }
0x4f: {  	_ =	swait.ge [sflag:s14], $0x4000  }
0x50: {  	[sflag:s14] =	ssyncset.done $0x0  }
0x51: {  	s28 =	simm.s32 $0x0;
	[sflag:s14] =	ssyncadd.s32 $0xFFFFC000  }
0x52: {  	[tilespmem:s28], [sflag:$0x3] =	stream.linear.gather [hbm4b:s9+s28], $0x1380, $0x38;
	[tilespmem:$0x1E400] =	vst v63  }
0x53: {  	_ =	swait.ge [sflag:s14], $0x1380  }
0x54: {  	[sflag:s14] =	ssyncset.done $0x0  }
0x55: {  	[sflag:s14] =	ssyncadd.s32 $0xFFFFEC80  }
0x56: {  	[tilespmem:s15], [sflag:$0x3] =	stream.linear.gather [hbm4b:s10+s28], $0x1380, $0x38;
	[tilespmem:$0x1E400] =	vst v63  }
0x57: {  	_ =	swait.ge [sflag:s14], $0x1380  }
0x58: {  	[sflag:s14] =	ssyncset.done $0x0  }
0x59: {  	[sflag:s14] =	ssyncadd.s32 $0xFFFFEC80  }
0x5a: {  	[tilespmem:s17], [sflag:$0x1] =	stream.indirect.gather [hbm4b:s4+s16], $0x80, s28, s16, $0xb8;
	[tilespmem:$0x1E400] =	vst v63  }
0x5b: {  	_ = 	snop  }
0x5c: {  	[tilespmem:s18], [sflag:$0x2] =	stream.indirect.gather [hbm4b:s4+s16], $0x80, s16, s16, $0xb8;
	[tilespmem:$0x1E400] =	vst v63  }
0x5d: {  	_ =	swait.ge [sflag:s19], $0x4000  }
0x5e: {  	[sflag:s19] =	ssyncset.done $0x0  }
0x5f: {  	s28 =	simm.s32 $0x1400;
	[sflag:s19] =	ssyncadd.s32 $0xFFFFC000  }
0x60: {  	[spmem:s1] =	stream.indirect.scatter.add.f32 [tilespmem:s17], [sflag:$0x3], $0x80, s28, s16, $0xb8;
	[tilespmem:$0x1E400] =	vst v63  }
0x61: {  	_ =	swait.ge [sflag:s14], $0x4000  }
0x62: {  	[sflag:s14] =	ssyncset.done $0x0  }
0x63: {  	s28 =	simm.s32 $0x100;
	[sflag:s14] =	ssyncadd.s32 $0xFFFFC000  }
0x64: {  	[tilespmem:s17], [sflag:$0x1] =	stream.indirect.gather [hbm4b:s4+s16], $0x80, s28, s16, $0xb8;
	[tilespmem:$0x1E400] =	vst v63  }
0x65: {  	_ =	swait.ge [sflag:s20], $0x4000  }
0x66: {  	[sflag:s20] =	ssyncset.done $0x0  }
0x67: {  	s28 =	simm.s32 $0x1480;
	[sflag:s20] =	ssyncadd.s32 $0xFFFFC000  }
0x68: {  	[spmem:s1] =	stream.indirect.scatter.add.f32 [tilespmem:s18], [sflag:$0x3], $0x80, s28, s16, $0xb8;
	[tilespmem:$0x1E400] =	vst v63  }
0x69: {  	_ =	swait.ge [sflag:s14], $0x4000  }
0x6a: {  	[sflag:s14] =	ssyncset.done $0x0  }
0x6b: {  	s29 =	simm.s32 $0x180;
	s28 =	simm.s32 $0x400;
	[sflag:s14] =	ssyncadd.s32 $0xFFFFC000  }
.LBB2_4:
0x6c: {  	[tilespmem:s18], [sflag:$0x2] =	stream.indirect.gather [hbm4b:s4+s16], $0x80, s29, s16, $0xb8;
	[tilespmem:$0x1E400] =	vst v63  }
0x6d: {  	s29 =	smov.u32 s28  }
0x6e: {  	p0 =	sne.s32 s28, $0x4400;
	s28 =	sadd.s32 $0x400, s28;
	_ =	swait.ge [sflag:s19], $0x4000  }
0x6f: {  	s29 =	sshra.s32 s29, $0x2;
	[sflag:s19] =	ssyncset.done $0x0  }
0x70: {  	s30 =	sadd.s32 $0x1400, s29;
	[sflag:s19] =	ssyncadd.s32 $0xFFFFC000  }
0x71: {  	[spmem:s1] =	stream.indirect.scatter.add.f32 [tilespmem:s17], [sflag:$0x3], $0x80, s30, s16, $0xb8;
	[tilespmem:$0x1E400] =	vst v63  }
0x72: {  	_ =	swait.ge [sflag:s14], $0x4000  }
0x73: {  	[sflag:s14] =	ssyncset.done $0x0  }
0x74: {  	s30 =	sadd.s32 $0x100, s29;
	[sflag:s14] =	ssyncadd.s32 $0xFFFFC000  }
0x75: {  	[tilespmem:s17], [sflag:$0x1] =	stream.indirect.gather [hbm4b:s4+s16], $0x80, s30, s16, $0xb8;
	[tilespmem:$0x1E400] =	vst v63  }
0x76: {  	_ =	swait.ge [sflag:s20], $0x4000  }
0x77: {  	[sflag:s20] =	ssyncset.done $0x0  }
.Ltmp1:
0x78: {  	s30 =	sadd.s32 $0x1480, s29;
	[sflag:s20] =	ssyncadd.s32 $0xFFFFC000;
	(pc) =	sbr.rel @p0 .LBB2_4-.Ltmp1, $4  }
0x79: {  	[spmem:s1] =	stream.indirect.scatter.add.f32 [tilespmem:s18], [sflag:$0x3], $0x80, s30, s16, $0xb8;
	[tilespmem:$0x1E400] =	vst v63  }
0x7a: {  	_ =	swait.ge [sflag:s14], $0x4000  }
0x7b: {  	[sflag:s14] =	ssyncset.done $0x0  }
0x7c: {  	s29 =	sadd.s32 $0x180, s29;
	[sflag:s14] =	ssyncadd.s32 $0xFFFFC000  }
0x7d: {  	[tilespmem:s18], [sflag:$0x2] =	stream.indirect.gather [hbm4b:s4+s16], $0x80, s29, s16, $0xb8;
	[tilespmem:$0x1E400] =	vst v63  }
0x7e: {  	_ =	swait.ge [sflag:s19], $0x4000  }
0x7f: {  	[sflag:s19] =	ssyncset.done $0x0  }
0x80: {  	[sflag:s19] =	ssyncadd.s32 $0xFFFFC000  }
0x81: {  	[spmem:s1] =	stream.indirect.scatter.add.f32 [tilespmem:s17], [sflag:$0x3], $0x80, s23, s16, $0xb8;
	[tilespmem:$0x1E400] =	vst v63  }
0x82: {  	_ =	swait.ge [sflag:s14], $0x4000  }
0x83: {  	[sflag:s14] =	ssyncset.done $0x0  }
0x84: {  	[sflag:s14] =	ssyncadd.s32 $0xFFFFC000  }
0x85: {  	[tilespmem:s17], [sflag:$0x1] =	stream.indirect.gather [hbm4b:s4+s16], $0x80, s24, s16, $0xb8;
	[tilespmem:$0x1E400] =	vst v63  }
0x86: {  	_ =	swait.ge [sflag:s20], $0x4000  }
0x87: {  	[sflag:s20] =	ssyncset.done $0x0  }
0x88: {  	[sflag:s20] =	ssyncadd.s32 $0xFFFFC000  }
0x89: {  	[spmem:s1] =	stream.indirect.scatter.add.f32 [tilespmem:s18], [sflag:$0x3], $0x80, s25, s16, $0xb8;
	[tilespmem:$0x1E400] =	vst v63  }
0x8a: {  	_ =	swait.ge [sflag:s14], $0x4000  }
0x8b: {  	[sflag:s14] =	ssyncset.done $0x0  }
0x8c: {  	[sflag:s14] =	ssyncadd.s32 $0xFFFFC000  }
0x8d: {  	_ =	swait.ge [sflag:s19], $0x4000  }
0x8e: {  	[sflag:s19] =	ssyncset.done $0x0  }
0x8f: {  	[sflag:s19] =	ssyncadd.s32 $0xFFFFC000  }
0x90: {  	[spmem:s1] =	stream.indirect.scatter.add.f32 [tilespmem:s17], [sflag:$0x3], $0x80, s21, s16, $0xb8;
	[tilespmem:$0x1E400] =	vst v63  }
0x91: {  	_ =	swait.ge [sflag:s14], $0x4000  }
0x92: {  	s26 =	sadd.s32 $0x1, s26;
	[sflag:s14] =	ssyncset.done $0x0  }
0x93: {  	p0 =	sne.s32 s26, s12;
	[sflag:s14] =	ssyncadd.s32 $0xFFFFC000  }
.Ltmp2:
0x94: {  	[bflag:$0x0] =	sbarrier.arrive $0xFFFF;
	(pc) =	sbr.rel @p0 .LBB2_1-.Ltmp2, $4  }
0x95: {  	[hbm:s11], [sflag:s6] =	dma.local [spmem:s13], $0x2780  }
0x96: {  	_ =	swait.ge [sflag:s14], $0x2780  }
0x97: {  	[sflag:s14] =	ssyncset.done $0x0  }
0x98: {  	[sflag:s14] =	ssyncadd.s32 $0xFFFFD880  }
0x99: {  	_ =	sfence.sel $0x180000  }
0x9a: {  	[bflag:$0x0] =	sbarrier.arrive $0xFFFF  }
0x9b: {  	p0 =	sne.s32 s2, $0x0;
	_ =	strace $0x9000004A  }
0x9c: {  	s0 =	sadd.s32 @!p0 $0x100000, s0;
	[bflag:$0x2] =	sbarrier.arrive $0xFFFF  }
0x9d: {  	[sflag:s0] =	ssyncadd.tile.s32 @!p0 $0x1;
	_ =	shalt  }
.Lfunc_end2:
_tile_overlayer_lowered:
.L_overlay_start_2:
0x9e: {  	(tag) =	ssettag $0x2  }
0x9f: {  	s0 =	rddreg [dreg:$0x0];
	s2 =	stileid.u32  }
0xa0: {  	s1 =	rddreg [dreg:$0x1];
	p0 =	sne.s32 s2, $0x0  }
0xa1: {  	s3 =	rddreg [dreg:$0x2];
	[bflag:$0x3] =	sbarrier.arrive $0xFFFF;
	s2 =	simm.s32 @!p0 $0x1C03  }
0xa2: {  	[timem:s3], [sflag:s2] =	dma.local @!p0 [hbm:s0], s1  }
0xa3: {  	s0 =	simm.s32 @!p0 $0x3  }
0xa4: {  	_ =	swait.ge @!p0 [sflag:s0], s1  }
0xa5: {  	s1 =	ssub.s32 @!p0 $0x0, s1;
	[sflag:s0] =	ssyncset.done @!p0 $0x0  }
0xa6: {  	[sflag:s0] =	ssyncadd.s32 @!p0 s1  }
0xa7: {  	[bflag:$0x3] =	sbarrier.arrive $0xFFFF  }
0xa8: {  	_ =	shalt  }

// kernel: kernel.20.cloned.1.call-start
scs
__scs_entry_jumppad:
0x0: {  	(pc) =	sbr.rel $0x88, $3  }
0x1: {  	(tag) =	ssettag $0x0;
	lr =	simm.s32 $0x1  }
0x2: {  	[smem:$0x3F9A] =	sst lr;
	_ =	strace $0xD0000000  }
0x3: {  	_ = 	snop  }
0x4: {  	_ = 	snop  }
0x5: {  	_ = 	snop  }
0x6: {  	_ = 	snop  }
0x7: {  	_ = 	snop  }
__scs_overlays_trampoline_lowered:
0x8: {  	[smem:$0x3FA9] =	sst s0  }
0x9: {  	[smem:$0x3FAA] =	sst s1  }
0xa: {  	[smem:$0x3FAB] =	sst s2  }
0xb: {  	[smem:$0x3FAC] =	sst s3  }
0xc: {  	[smem:$0x3FAD] =	sst s4  }
0xd: {  	[smem:$0x3FAE] =	sst s5  }
0xe: {  	[smem:$0x3FAF] =	sst s6  }
0xf: {  	[smem:$0x3FB0] =	sst s7  }
0x10: {  	[smem:$0x3FB1] =	sst s8  }
0x11: {  	[smem:$0x3FB2] =	sst s9;
	s0 =	simm.s32 @!p0 $0x0  }
0x12: {  	s1 =	sld [smem:$0x3F98];
	s0 =	simm.s32 @p0 $0x1  }
0x13: {  	[smem:$0x3FB3] =	sst s0;
	s0 =	simm.s32 @!p1 $0x0  }
0x14: {  	s2 =	sld [smem:$0x3F97];
	s0 =	simm.s32 @p1 $0x1  }
0x15: {  	[smem:$0x3FB4] =	sst s0;
	s0 =	simm.s32 @!p2 $0x0  }
0x16: {  	s3 =	sld [smem:$0x3FDB];
	s0 =	simm.s32 @p2 $0x1  }
0x17: {  	s4 =	simm.s32 $0x1BF5;
	[smem:$0x3FB6] =	sst s0  }
0x18: {  	s0 =	sld [smem:$0x3F99];
	_ =	swait.ge [sflag:s4], $0x0  }
0x19: {  	s7 =	sld [smem:$0x3F9A]  }
0x1a: {  	s8 =	sadd.s32 $0xFFFFE003, lr  }
0x1b: {  	s9 =	sadd.s32 $0xFFFFFEF7, lr;
	s5 =	simm.s32 $0xFFFFFFFF;
	p2 =	slt.u32 s8, $0xFFFFF086  }
0x1c: {  	p1 =	slt.u32 s9, $0xF7A;
	s5 =	simm.s32 @!p2 $0x0  }
0x1d: {  	s5 =	simm.s32 @p1 $0x1;
	p0 =	seq.s32 s7, s2  }
0x1e: {  	s7 =	smul.u32 @!p0 $0xF7A, s2;
	p2 =	seq.s32 @!p0 s5, $0x0  }
0x1f: {  	s9 =	smul.u32 $0xF7A, s1;
	s8 =	simm.s32 @!p0 $0x1BF5;
	p2 =	por !p2, p0  }
0x20: {  	[sflag:s8] =	ssyncset.s32 @!p0 $0xFFFFF086;
	s6 =	sadd.s32 @!p0 s3, s7;
	s7 =	simm.s32 @!p0 $0x108  }
0x21: {  	s3 =	sadd.s32 s3, s9;
	s6 =	sadd.s32 @!p0 $0x88, s6;
	s7 =	simm.s32 @p2 $0x1082  }
0x22: {  	[simem:s7], [sflag:s8] =	dma.local @!p0 [hbm:s6], $0xF7A  }
0x23: {  	s9 =	sor.u32 $0xD0000000, s2;
	s6 =	simm.s32 $0x108;
	_ =	swait.ge @!p0 [sflag:s8], $0x0  }
0x24: {  	s3 =	sadd.s32 $0x88, s3;
	s6 =	simm.s32 @!p1 $0x1082;
	[sflag:s4] =	ssyncset.s32 $0xFFFFF086  }
0x25: {  	[simem:s6], [sflag:s4] =	dma.local [hbm:s3], $0xF7A  }
0x26: {  	[smem:$0x3F9A] =	sst s1;
	(tag) =	ssettag s2;
	_ =	strace s9  }
0x27: {  	s1 =	sld [smem:$0x3FAA]  }
0x28: {  	s2 =	sld [smem:$0x3FAB]  }
0x29: {  	s4 =	sld [smem:$0x3FAD]  }
0x2a: {  	p0 =	seq.s32 s5, $0x0;
	s5 =	sld [smem:$0x3FAE]  }
0x2b: {  	s6 =	sld [smem:$0x3FAF]  }
0x2c: {  	s7 =	sld [smem:$0x3FB0]  }
0x2d: {  	s3 =	simm.s32 $0x108;
	s8 =	sld [smem:$0x3FB1]  }
0x2e: {  	s3 =	simm.s32 @!p0 $0x1082;
	s9 =	sld [smem:$0x3FB2]  }
0x2f: {  	lr =	sadd.s32 s0, s3;
	s0 =	sld [smem:$0x3FA9]  }
0x30: {  	s3 =	sld [smem:$0x3FAC]  }
0x31: {  	[smem:$0x3FB5] =	sst s10  }
0x32: {  	s10 =	sld [smem:$0x3FB3];
	_ =	sdelay $0x3  }
0x33: {  	p0 =	seq.s32 s10, $0x1;
	s10 =	sld [smem:$0x3FB5];
	_ =	sdelay $0x3  }
0x34: {  	[smem:$0x3FB5] =	sst s10  }
0x35: {  	s10 =	sld [smem:$0x3FB4];
	_ =	sdelay $0x3  }
0x36: {  	p1 =	seq.s32 s10, $0x1;
	s10 =	sld [smem:$0x3FB5];
	_ =	sdelay $0x3  }
0x37: {  	[smem:$0x3FB5] =	sst s10  }
0x38: {  	s10 =	sld [smem:$0x3FB6]  }
0x39: {  	_ = 	snop;
	(pc) =	sbr.ind lr, $3  }
0x3a: {  	_ = 	snop  }
0x3b: {  	_ = 	snop  }
0x3c: {  	p2 =	seq.s32 s10, $0x1;
	s10 =	sld [smem:$0x3FB5]  }
0x3d: {  	_ =	shalt  }
0x3e: {  	_ =	shalt  }
0x3f: {  	_ =	shalt  }
0x40: {  	_ =	shalt  }
0x41: {  	_ =	shalt  }
0x42: {  	_ =	shalt  }
0x43: {  	_ =	shalt  }
0x44: {  	_ =	shalt  }
0x45: {  	_ =	shalt  }
0x46: {  	_ =	shalt  }
0x47: {  	_ =	shalt  }
0x48: {  	_ =	shalt  }
0x49: {  	_ =	shalt  }
0x4a: {  	_ =	shalt  }
0x4b: {  	_ =	shalt  }
0x4c: {  	_ =	shalt  }
0x4d: {  	_ =	shalt  }
0x4e: {  	_ =	shalt  }
0x4f: {  	_ =	shalt  }
0x50: {  	_ =	shalt  }
0x51: {  	_ =	shalt  }
0x52: {  	_ =	shalt  }
0x53: {  	_ =	shalt  }
0x54: {  	_ =	shalt  }
0x55: {  	_ =	shalt  }
0x56: {  	_ =	shalt  }
0x57: {  	_ =	shalt  }
0x58: {  	_ =	shalt  }
0x59: {  	_ =	shalt  }
0x5a: {  	_ =	shalt  }
0x5b: {  	_ =	shalt  }
0x5c: {  	_ =	shalt  }
0x5d: {  	_ =	shalt  }
0x5e: {  	_ =	shalt  }
0x5f: {  	_ =	shalt  }
0x60: {  	_ =	shalt  }
0x61: {  	_ =	shalt  }
0x62: {  	_ =	shalt  }
0x63: {  	_ =	shalt  }
0x64: {  	_ =	shalt  }
0x65: {  	_ =	shalt  }
0x66: {  	_ =	shalt  }
0x67: {  	_ =	shalt  }
0x68: {  	_ =	shalt  }
0x69: {  	_ =	shalt  }
0x6a: {  	_ =	shalt  }
0x6b: {  	_ =	shalt  }
0x6c: {  	_ =	shalt  }
0x6d: {  	_ =	shalt  }
0x6e: {  	_ =	shalt  }
0x6f: {  	_ =	shalt  }
0x70: {  	_ =	shalt  }
0x71: {  	_ =	shalt  }
0x72: {  	_ =	shalt  }
0x73: {  	_ =	shalt  }
0x74: {  	_ =	shalt  }
0x75: {  	_ =	shalt  }
0x76: {  	_ =	shalt  }
0x77: {  	_ =	shalt  }
0x78: {  	_ =	shalt  }
0x79: {  	_ =	shalt  }
0x7a: {  	_ =	shalt  }
0x7b: {  	_ =	shalt  }
0x7c: {  	_ =	shalt  }
0x7d: {  	_ =	shalt  }
0x7e: {  	_ =	shalt  }
0x7f: {  	_ =	shalt  }
0x80: {  	_ =	shalt  }
0x81: {  	_ =	shalt  }
0x82: {  	_ =	shalt  }
0x83: {  	_ =	shalt  }
0x84: {  	_ =	shalt  }
0x85: {  	_ =	shalt  }
0x86: {  	_ =	shalt  }
0x87: {  	_ =	shalt  }
.Lfunc_end0:
.L_simem_size_0:
called_computation.2_lowered:
.L_overlay_start_0:
0x88: {  	s2 =	sld [smem:$0x3FD9]  }
0x89: {  	s3 =	sld [smem:$0x3FFE];
	_ =	sdelay $0x1  }
0x8a: {  	s1 =	srdreg.scid  }
0x8b: {  	s0 =	sand.u32 $0x1, s1  }
0x8c: {  	s16 =	sshll.u32 s0, $0xA;
	s2 =	sadd.s32 s3, s2  }
0x8d: {  	s2 =	sadd.s32 s2, s16  }
0x8e: {  	[smem:$0x3FC1] =	sst s2  }
0x8f: {  	_ = 	snop  }
0x90: {  	(tm) =	ssettm $0x1  }
0x91: {  	s17 =	sld [smem:$0x3FFB];
	_ =	sdelay $0x3  }
0x92: {  	_ =	strace s17  }
0x93: {  	s2 =	sld [smem:$0x3FFC];
	_ =	sdelay $0x3  }
0x94: {  	_ =	strace s2  }
0x95: {  	s2 =	sld [smem:$0x3FFD];
	_ =	sdelay $0x3  }
0x96: {  	_ =	strace s2  }
0x97: {  	_ =	strace $0x8FFFFFFF  }
0x98: {  	s18 =	sld [smem:$0x3FDB];
	_ =	sdelay $0x1  }
0x99: {  	s19 =	simm.s32 $_scs_section_size  }
0x9a: {  	s4 =	simm.s32 $_size__tile_overlayer_lowered;
	s5 =	simm.s32 $_tile_overlayer_lowered  }
0x9b: {  	s22 =	simm.s32 $0x1BFF;
	s21 =	sshll.u32 s5, $0x1;
	s2 =	sadd.s32 s19, s18  }
0x9c: {  	s6 =	simm.s32 $0x0;
	s20 =	sshll.u32 s4, $0x1;
	s4 =	sadd.s32 s21, s2  }
0x9d: {  	[timem:s6], [sflag:s22] =	dma.local [hbm:s4], s20  }
0x9e: {  	_ =	swait.ge [sflag:s22], s20  }
0x9f: {  	s3 =	ssub.s32 $0x0, s20;
	[sflag:s22] =	ssyncset.done $0x0  }
0xa0: {  	[sflag:s22] =	ssyncadd.s32 s3;
	_ =	sdelay $0x1  }
0xa1: {  	s23 =	simm.s32 $0x1B8B  }
0xa2: {  	_ =	swait.ge [sflag:s23], $0x1  }
0xa3: {  	[sflag:s23] =	ssyncset.done $0x0  }
0xa4: {  	s25 =	simm.s32 $0x1B8E;
	s24 =	sld [smem:$0x3FFE];
	[sflag:s23] =	ssyncadd.s32 $0xFFFFFFFF  }
0xa5: {  	s26 =	simm.s32 $execute0_lowered;
	[smem:$0x3FD2] =	sst s25  }
0xa6: {  	s4 =	sshll.u32 s26, $0x1;
	_ =	strace $0x8000004C;
	[dreg:$0x1] =	wrdreg $0xFFFFFFFF  }
0xa7: {  	s28 =	simm.s32 $_size_execute0_lowered;
	s2 =	sadd.s32 s2, s4;
	[dreg:$0x0] =	wrdreg $0x0  }
0xa8: {  	s4 =	sshll.u32 s28, $0x1;
	[dreg:$0x2] =	wrdreg s2  }
0xa9: {  	[dreg:$0x3] =	wrdreg s4  }
0xaa: {  	[dreg:$0x4] =	wrdreg $0xC0  }
0xab: {  	_ =	task [dreg:s6], $0x5FFFF  }
0xac: {  	[dreg:$0x1] =	wrdreg $0xFFFFFFFF  }
0xad: {  	[dreg:$0x0] =	wrdreg $0x60  }
0xae: {  	[dreg:$0x2] =	wrdreg s24  }
0xaf: {  	[dreg:$0x3] =	wrdreg $0xA8000  }
0xb0: {  	[dreg:$0x4] =	wrdreg $0x9  }
0xb1: {  	_ =	task.clear_ibuf [dreg:s6], $0x5FFFF;
	_ =	strace $0x9000004C  }
0xb2: {  	s29 =	simm.s32 $0x9;
	_ =	strace $0x8000004E  }
0xb3: {  	_ =	swait.ge [sflag:s29], $0x1  }
0xb4: {  	[sflag:s29] =	ssyncadd.s32 $0xFFFFFFFF  }
0xb5: {  	_ =	strace $0x9000004E  }
0xb6: {  	_ =	sfence  }
0xb7: {  	s30 =	sld [smem:$0x0];
	_ =	sdelay $0x2  }
0xb8: {  	s31 =	sshll.u32 s1, $0xD;
	s1 =	sshrl.u32 s1, $0x2  }
0xb9: {  	s3 =	sand.u32 $0x4000, s31;
	s1 =	sadd.s32 s1, s30  }
0xba: {  	s0 =	sor.u32 s3, s0;
	s1 =	sshll.u32 s1, $0x11  }
0xbb: {  	s0 =	sor.u32 s1, s0  }
0xbc: {  	s0 =	sadd.s32 $0x8F2B, s0  }
0xbd: {  	[sflag:s0] =	ssyncadd.remote.s32 $0x1  }
0xbe: {  	_ =	sfence.sel $0xFFFF  }
0xbf: {  	[dreg:$0x0] =	wrdreg $0xFFFFFFFF;
	(pc) =	sbr.abs _section_cstart, $3  }
0xc0: {  	[dreg:$0x1] =	wrdreg $0xFFFFFFFF  }
0xc1: {  	_ =	task.clear_ibuf [dreg:s6], $0x2FFFF;
	_ =	strace $0x9FFFFFFF  }
0xc2: {  	(tm) =	ssettm $0x7FFFFFFF  }
0xc3: {  	_ =	shalt  }
tec
execute0_lowered:
.L_overlay_start_1:
0x0: {  	(tag) =	ssettag $0x1  }
0x1: {  	s6 =	rddreg [dreg:$0x0]  }
0x2: {  	s1 =	rddreg [dreg:$0x1];
	s2 =	srdreg.scid  }
0x3: {  	s0 =	rddreg [dreg:$0x2];
	s3 =	simm.s32 $0x0;
	s16 =	simm.s32 $0x80  }
0x4: {  	s17 =	simm.s32 $0x2800;
	s18 =	simm.s32 $0x6800;
	s19 =	simm.s32 $0x1  }
0x5: {  	s20 =	simm.s32 $0x2;
	s21 =	simm.s32 $0x2700;
	s22 =	simm.s32 $0x2780  }
0x6: {  	s23 =	simm.s32 $0x2600;
	s24 =	simm.s32 $0x1300;
	s25 =	simm.s32 $0x2680  }
0x7: {  	s26 =	simm.s32 $0x0;
	s7 =	sand.u32 $0x1, s2;
	s2 =	stileid.u32  }
0x8: {  	[smem:$0x7FF] =	sst s3;
	s4 =	sadd.s32 $0x53000, s6;
	s5 =	smul.u32 $0x13C000, s7  }
0x9: {  	s9 =	sadd.s32 $0x21800, s6;
	s10 =	sadd.s32 $0x17800, s6;
	s8 =	smul.u32 $0x13C00, s2  }
0xa: {  	_ =	strace $0x8000004D;
	s11 =	sshll.u32 s7, $0x4;
	s7 =	ssub.s32 $0x2, s7  }
0xb: {  	s12 =	smul.u32 $0x4F000, s2;
	s31 =	sshll.u32 s2, $0x6;
	s11 =	sor.u32 s2, s11  }
0xc: {  	s28 =	sshrl.u32 s7, $0x1;
	s8 =	sadd.s32 s8, s5;
	s5 =	sadd.s32 $0x3600, s6  }
0xd: {  	s29 =	smul.u32 $0x2800, s11;
	s14 =	ssub.s32 s7, s28;
	s30 =	sshrl.u32 s12, $0x2  }
0xe: {  	s8 =	sshrl.u32 s8, $0x3;
	s15 =	sadd.s32 s30, s1;
	s12 =	smax.u32 s14, $0x1  }
0xf: {  	s14 =	simm.s32 $0x3;
	s13 =	sadd.s32 s8, s6;
	s11 =	sshrl.u32 s29, $0x3  }
0x10: {  	s7 =	sadd.s32 s9, s11;
	s8 =	sadd.s32 s10, s11;
	s11 =	sadd.s32 $0x280, s11  }
0x11: {  	s6 =	sor.u32 $0x1C03, s31;
	s9 =	sadd.s32 s9, s11;
	s10 =	sadd.s32 s10, s11  }
0x12: {  	s11 =	sadd.s32 $0x7A800, s13;
	s13 =	sshrl.u32 s15, $0x3;
	s15 =	simm.s32 $0x1400  }
.LBB2_1:
0x13: {  	[spmem:s13], [sflag:s6] =	dma.local [hbm:s5], $0x2780  }
0x14: {  	_ =	swait.ge [sflag:s14], $0x2780  }
0x15: {  	[sflag:s14] =	ssyncset.done $0x0  }
0x16: {  	[sflag:s14] =	ssyncadd.s32 $0xFFFFD880  }
0x17: {  	[bflag:$0x0] =	sbarrier.arrive $0xFFFF  }
0x18: {  	[tilespmem:s3], [sflag:$0x3] =	stream.linear.gather [hbm4b:s7+s3], $0x1400, $0x38;
	[tilespmem:$0x1E400] =	vst v63  }
0x19: {  	_ =	swait.ge [sflag:s14], $0x1400  }
0x1a: {  	[sflag:s14] =	ssyncset.done $0x0  }
0x1b: {  	[sflag:s14] =	ssyncadd.s32 $0xFFFFEC00  }
0x1c: {  	[tilespmem:s15], [sflag:$0x3] =	stream.linear.gather [hbm4b:s8+s3], $0x1400, $0x38;
	[tilespmem:$0x1E400] =	vst v63  }
0x1d: {  	_ =	swait.ge [sflag:s14], $0x1400  }
0x1e: {  	[sflag:s14] =	ssyncset.done $0x0  }
0x1f: {  	[sflag:s14] =	ssyncadd.s32 $0xFFFFEC00  }
0x20: {  	[tilespmem:s17], [sflag:$0x1] =	stream.indirect.gather [hbm4b:s4+s16], $0x80, s3, s16, $0xb8;
	[tilespmem:$0x1E400] =	vst v63  }
0x21: {  	_ = 	snop  }
0x22: {  	[tilespmem:s18], [sflag:$0x2] =	stream.indirect.gather [hbm4b:s4+s16], $0x80, s16, s16, $0xb8;
	[tilespmem:$0x1E400] =	vst v63  }
0x23: {  	_ =	swait.ge [sflag:s19], $0x4000  }
0x24: {  	[sflag:s19] =	ssyncset.done $0x0  }
0x25: {  	s28 =	simm.s32 $0x1400;
	[sflag:s19] =	ssyncadd.s32 $0xFFFFC000  }
0x26: {  	[spmem:s1] =	stream.indirect.scatter.add.f32 [tilespmem:s17], [sflag:$0x3], $0x80, s28, s16, $0xb8;
	[tilespmem:$0x1E400] =	vst v63  }
0x27: {  	_ =	swait.ge [sflag:s14], $0x4000  }
0x28: {  	[sflag:s14] =	ssyncset.done $0x0  }
0x29: {  	s28 =	simm.s32 $0x100;
	[sflag:s14] =	ssyncadd.s32 $0xFFFFC000  }
0x2a: {  	[tilespmem:s17], [sflag:$0x1] =	stream.indirect.gather [hbm4b:s4+s16], $0x80, s28, s16, $0xb8;
	[tilespmem:$0x1E400] =	vst v63  }
0x2b: {  	_ =	swait.ge [sflag:s20], $0x4000  }
0x2c: {  	[sflag:s20] =	ssyncset.done $0x0  }
0x2d: {  	s28 =	simm.s32 $0x1480;
	[sflag:s20] =	ssyncadd.s32 $0xFFFFC000  }
0x2e: {  	[spmem:s1] =	stream.indirect.scatter.add.f32 [tilespmem:s18], [sflag:$0x3], $0x80, s28, s16, $0xb8;
	[tilespmem:$0x1E400] =	vst v63  }
0x2f: {  	_ =	swait.ge [sflag:s14], $0x4000  }
0x30: {  	[sflag:s14] =	ssyncset.done $0x0  }
0x31: {  	s29 =	simm.s32 $0x180;
	s28 =	simm.s32 $0x400;
	[sflag:s14] =	ssyncadd.s32 $0xFFFFC000  }
.LBB2_2:
0x32: {  	[tilespmem:s18], [sflag:$0x2] =	stream.indirect.gather [hbm4b:s4+s16], $0x80, s29, s16, $0xb8;
	[tilespmem:$0x1E400] =	vst v63  }
0x33: {  	s29 =	smov.u32 s28  }
0x34: {  	p0 =	sne.s32 s28, $0x4800;
	s28 =	sadd.s32 $0x400, s28;
	_ =	swait.ge [sflag:s19], $0x4000  }
0x35: {  	s29 =	sshra.s32 s29, $0x2;
	[sflag:s19] =	ssyncset.done $0x0  }
0x36: {  	s30 =	sadd.s32 $0x1400, s29;
	[sflag:s19] =	ssyncadd.s32 $0xFFFFC000  }
0x37: {  	[spmem:s1] =	stream.indirect.scatter.add.f32 [tilespmem:s17], [sflag:$0x3], $0x80, s30, s16, $0xb8;
	[tilespmem:$0x1E400] =	vst v63  }
0x38: {  	_ =	swait.ge [sflag:s14], $0x4000  }
0x39: {  	[sflag:s14] =	ssyncset.done $0x0  }
0x3a: {  	s30 =	sadd.s32 $0x100, s29;
	[sflag:s14] =	ssyncadd.s32 $0xFFFFC000  }
0x3b: {  	[tilespmem:s17], [sflag:$0x1] =	stream.indirect.gather [hbm4b:s4+s16], $0x80, s30, s16, $0xb8;
	[tilespmem:$0x1E400] =	vst v63  }
0x3c: {  	_ =	swait.ge [sflag:s20], $0x4000  }
0x3d: {  	[sflag:s20] =	ssyncset.done $0x0  }
.Ltmp0:
0x3e: {  	s30 =	sadd.s32 $0x1480, s29;
	[sflag:s20] =	ssyncadd.s32 $0xFFFFC000;
	(pc) =	sbr.rel @p0 .LBB2_2-.Ltmp0, $4  }
0x3f: {  	[spmem:s1] =	stream.indirect.scatter.add.f32 [tilespmem:s18], [sflag:$0x3], $0x80, s30, s16, $0xb8;
	[tilespmem:$0x1E400] =	vst v63  }
0x40: {  	_ =	swait.ge [sflag:s14], $0x4000  }
0x41: {  	[sflag:s14] =	ssyncset.done $0x0  }
0x42: {  	s29 =	sadd.s32 $0x180, s29;
	[sflag:s14] =	ssyncadd.s32 $0xFFFFC000  }
0x43: {  	[tilespmem:s18], [sflag:$0x2] =	stream.indirect.gather [hbm4b:s4+s16], $0x80, s29, s16, $0xb8;
	[tilespmem:$0x1E400] =	vst v63  }
0x44: {  	_ =	swait.ge [sflag:s19], $0x4000  }
0x45: {  	[sflag:s19] =	ssyncset.done $0x0  }
0x46: {  	[sflag:s19] =	ssyncadd.s32 $0xFFFFC000  }
0x47: {  	[spmem:s1] =	stream.indirect.scatter.add.f32 [tilespmem:s17], [sflag:$0x3], $0x80, s21, s16, $0xb8;
	[tilespmem:$0x1E400] =	vst v63  }
0x48: {  	_ =	swait.ge [sflag:s14], $0x4000  }
0x49: {  	[sflag:s14] =	ssyncset.done $0x0  }
0x4a: {  	[sflag:s14] =	ssyncadd.s32 $0xFFFFC000  }
0x4b: {  	_ =	swait.ge [sflag:s20], $0x4000  }
0x4c: {  	[sflag:s20] =	ssyncset.done $0x0  }
0x4d: {  	[sflag:s20] =	ssyncadd.s32 $0xFFFFC000  }
0x4e: {  	[spmem:s1] =	stream.indirect.scatter.add.f32 [tilespmem:s18], [sflag:$0x3], $0x80, s22, s16, $0xb8;
	[tilespmem:$0x1E400] =	vst v63  }
0x4f: {  	_ =	swait.ge [sflag:s14], $0x4000  }
0x50: {  	[sflag:s14] =	ssyncset.done $0x0  }
0x51: {  	s28 =	simm.s32 $0x0;
	[sflag:s14] =	ssyncadd.s32 $0xFFFFC000  }
0x52: {  	[tilespmem:s28], [sflag:$0x3] =	stream.linear.gather [hbm4b:s9+s28], $0x1380, $0x38;
	[tilespmem:$0x1E400] =	vst v63  }
0x53: {  	_ =	swait.ge [sflag:s14], $0x1380  }
0x54: {  	[sflag:s14] =	ssyncset.done $0x0  }
0x55: {  	[sflag:s14] =	ssyncadd.s32 $0xFFFFEC80  }
0x56: {  	[tilespmem:s15], [sflag:$0x3] =	stream.linear.gather [hbm4b:s10+s28], $0x1380, $0x38;
	[tilespmem:$0x1E400] =	vst v63  }
0x57: {  	_ =	swait.ge [sflag:s14], $0x1380  }
0x58: {  	[sflag:s14] =	ssyncset.done $0x0  }
0x59: {  	[sflag:s14] =	ssyncadd.s32 $0xFFFFEC80  }
0x5a: {  	[tilespmem:s17], [sflag:$0x1] =	stream.indirect.gather [hbm4b:s4+s16], $0x80, s28, s16, $0xb8;
	[tilespmem:$0x1E400] =	vst v63  }
0x5b: {  	_ = 	snop  }
0x5c: {  	[tilespmem:s18], [sflag:$0x2] =	stream.indirect.gather [hbm4b:s4+s16], $0x80, s16, s16, $0xb8;
	[tilespmem:$0x1E400] =	vst v63  }
0x5d: {  	_ =	swait.ge [sflag:s19], $0x4000  }
0x5e: {  	[sflag:s19] =	ssyncset.done $0x0  }
0x5f: {  	s28 =	simm.s32 $0x1400;
	[sflag:s19] =	ssyncadd.s32 $0xFFFFC000  }
0x60: {  	[spmem:s1] =	stream.indirect.scatter.add.f32 [tilespmem:s17], [sflag:$0x3], $0x80, s28, s16, $0xb8;
	[tilespmem:$0x1E400] =	vst v63  }
0x61: {  	_ =	swait.ge [sflag:s14], $0x4000  }
0x62: {  	[sflag:s14] =	ssyncset.done $0x0  }
0x63: {  	s28 =	simm.s32 $0x100;
	[sflag:s14] =	ssyncadd.s32 $0xFFFFC000  }
0x64: {  	[tilespmem:s17], [sflag:$0x1] =	stream.indirect.gather [hbm4b:s4+s16], $0x80, s28, s16, $0xb8;
	[tilespmem:$0x1E400] =	vst v63  }
0x65: {  	_ =	swait.ge [sflag:s20], $0x4000  }
0x66: {  	[sflag:s20] =	ssyncset.done $0x0  }
0x67: {  	s28 =	simm.s32 $0x1480;
	[sflag:s20] =	ssyncadd.s32 $0xFFFFC000  }
0x68: {  	[spmem:s1] =	stream.indirect.scatter.add.f32 [tilespmem:s18], [sflag:$0x3], $0x80, s28, s16, $0xb8;
	[tilespmem:$0x1E400] =	vst v63  }
0x69: {  	_ =	swait.ge [sflag:s14], $0x4000  }
0x6a: {  	[sflag:s14] =	ssyncset.done $0x0  }
0x6b: {  	s29 =	simm.s32 $0x180;
	s28 =	simm.s32 $0x400;
	[sflag:s14] =	ssyncadd.s32 $0xFFFFC000  }
.LBB2_4:
0x6c: {  	[tilespmem:s18], [sflag:$0x2] =	stream.indirect.gather [hbm4b:s4+s16], $0x80, s29, s16, $0xb8;
	[tilespmem:$0x1E400] =	vst v63  }
0x6d: {  	s29 =	smov.u32 s28  }
0x6e: {  	p0 =	sne.s32 s28, $0x4400;
	s28 =	sadd.s32 $0x400, s28;
	_ =	swait.ge [sflag:s19], $0x4000  }
0x6f: {  	s29 =	sshra.s32 s29, $0x2;
	[sflag:s19] =	ssyncset.done $0x0  }
0x70: {  	s30 =	sadd.s32 $0x1400, s29;
	[sflag:s19] =	ssyncadd.s32 $0xFFFFC000  }
0x71: {  	[spmem:s1] =	stream.indirect.scatter.add.f32 [tilespmem:s17], [sflag:$0x3], $0x80, s30, s16, $0xb8;
	[tilespmem:$0x1E400] =	vst v63  }
0x72: {  	_ =	swait.ge [sflag:s14], $0x4000  }
0x73: {  	[sflag:s14] =	ssyncset.done $0x0  }
0x74: {  	s30 =	sadd.s32 $0x100, s29;
	[sflag:s14] =	ssyncadd.s32 $0xFFFFC000  }
0x75: {  	[tilespmem:s17], [sflag:$0x1] =	stream.indirect.gather [hbm4b:s4+s16], $0x80, s30, s16, $0xb8;
	[tilespmem:$0x1E400] =	vst v63  }
0x76: {  	_ =	swait.ge [sflag:s20], $0x4000  }
0x77: {  	[sflag:s20] =	ssyncset.done $0x0  }
.Ltmp1:
0x78: {  	s30 =	sadd.s32 $0x1480, s29;
	[sflag:s20] =	ssyncadd.s32 $0xFFFFC000;
	(pc) =	sbr.rel @p0 .LBB2_4-.Ltmp1, $4  }
0x79: {  	[spmem:s1] =	stream.indirect.scatter.add.f32 [tilespmem:s18], [sflag:$0x3], $0x80, s30, s16, $0xb8;
	[tilespmem:$0x1E400] =	vst v63  }
0x7a: {  	_ =	swait.ge [sflag:s14], $0x4000  }
0x7b: {  	[sflag:s14] =	ssyncset.done $0x0  }
0x7c: {  	s29 =	sadd.s32 $0x180, s29;
	[sflag:s14] =	ssyncadd.s32 $0xFFFFC000  }
0x7d: {  	[tilespmem:s18], [sflag:$0x2] =	stream.indirect.gather [hbm4b:s4+s16], $0x80, s29, s16, $0xb8;
	[tilespmem:$0x1E400] =	vst v63  }
0x7e: {  	_ =	swait.ge [sflag:s19], $0x4000  }
0x7f: {  	[sflag:s19] =	ssyncset.done $0x0  }
0x80: {  	[sflag:s19] =	ssyncadd.s32 $0xFFFFC000  }
0x81: {  	[spmem:s1] =	stream.indirect.scatter.add.f32 [tilespmem:s17], [sflag:$0x3], $0x80, s23, s16, $0xb8;
	[tilespmem:$0x1E400] =	vst v63  }
0x82: {  	_ =	swait.ge [sflag:s14], $0x4000  }
0x83: {  	[sflag:s14] =	ssyncset.done $0x0  }
0x84: {  	[sflag:s14] =	ssyncadd.s32 $0xFFFFC000  }
0x85: {  	[tilespmem:s17], [sflag:$0x1] =	stream.indirect.gather [hbm4b:s4+s16], $0x80, s24, s16, $0xb8;
	[tilespmem:$0x1E400] =	vst v63  }
0x86: {  	_ =	swait.ge [sflag:s20], $0x4000  }
0x87: {  	[sflag:s20] =	ssyncset.done $0x0  }
0x88: {  	[sflag:s20] =	ssyncadd.s32 $0xFFFFC000  }
0x89: {  	[spmem:s1] =	stream.indirect.scatter.add.f32 [tilespmem:s18], [sflag:$0x3], $0x80, s25, s16, $0xb8;
	[tilespmem:$0x1E400] =	vst v63  }
0x8a: {  	_ =	swait.ge [sflag:s14], $0x4000  }
0x8b: {  	[sflag:s14] =	ssyncset.done $0x0  }
0x8c: {  	[sflag:s14] =	ssyncadd.s32 $0xFFFFC000  }
0x8d: {  	_ =	swait.ge [sflag:s19], $0x4000  }
0x8e: {  	[sflag:s19] =	ssyncset.done $0x0  }
0x8f: {  	[sflag:s19] =	ssyncadd.s32 $0xFFFFC000  }
0x90: {  	[spmem:s1] =	stream.indirect.scatter.add.f32 [tilespmem:s17], [sflag:$0x3], $0x80, s21, s16, $0xb8;
	[tilespmem:$0x1E400] =	vst v63  }
0x91: {  	_ =	swait.ge [sflag:s14], $0x4000  }
0x92: {  	s26 =	sadd.s32 $0x1, s26;
	[sflag:s14] =	ssyncset.done $0x0  }
0x93: {  	p0 =	sne.s32 s26, s12;
	[sflag:s14] =	ssyncadd.s32 $0xFFFFC000  }
.Ltmp2:
0x94: {  	[bflag:$0x0] =	sbarrier.arrive $0xFFFF;
	(pc) =	sbr.rel @p0 .LBB2_1-.Ltmp2, $4  }
0x95: {  	[hbm:s11], [sflag:s6] =	dma.local [spmem:s13], $0x2780  }
0x96: {  	_ =	swait.ge [sflag:s14], $0x2780  }
0x97: {  	[sflag:s14] =	ssyncset.done $0x0  }
0x98: {  	[sflag:s14] =	ssyncadd.s32 $0xFFFFD880  }
0x99: {  	_ =	sfence.sel $0x180000  }
0x9a: {  	[bflag:$0x0] =	sbarrier.arrive $0xFFFF  }
0x9b: {  	p0 =	sne.s32 s2, $0x0;
	_ =	strace $0x9000004D  }
0x9c: {  	s0 =	sadd.s32 @!p0 $0x100000, s0;
	[bflag:$0x2] =	sbarrier.arrive $0xFFFF  }
0x9d: {  	[sflag:s0] =	ssyncadd.tile.s32 @!p0 $0x1;
	_ =	shalt  }
.Lfunc_end2:
_tile_overlayer_lowered:
.L_overlay_start_2:
0x9e: {  	(tag) =	ssettag $0x2  }
0x9f: {  	s0 =	rddreg [dreg:$0x0];
	s2 =	stileid.u32  }
0xa0: {  	s1 =	rddreg [dreg:$0x1];
	p0 =	sne.s32 s2, $0x0  }
0xa1: {  	s3 =	rddreg [dreg:$0x2];
	[bflag:$0x3] =	sbarrier.arrive $0xFFFF;
	s2 =	simm.s32 @!p0 $0x1C03  }
0xa2: {  	[timem:s3], [sflag:s2] =	dma.local @!p0 [hbm:s0], s1  }
0xa3: {  	s0 =	simm.s32 @!p0 $0x3  }
0xa4: {  	_ =	swait.ge @!p0 [sflag:s0], s1  }
0xa5: {  	s1 =	ssub.s32 @!p0 $0x0, s1;
	[sflag:s0] =	ssyncset.done @!p0 $0x0  }
0xa6: {  	[sflag:s0] =	ssyncadd.s32 @!p0 s1  }
0xa7: {  	[bflag:$0x3] =	sbarrier.arrive $0xFFFF  }
0xa8: {  	_ =	shalt  }

// kernel: kernel.23.cloned.1.call-start
scs
__scs_entry_jumppad:
0x0: {  	(pc) =	sbr.rel $0x88, $3  }
0x1: {  	(tag) =	ssettag $0x0;
	lr =	simm.s32 $0x1  }
0x2: {  	[smem:$0x3F9A] =	sst lr;
	_ =	strace $0xD0000000  }
0x3: {  	_ = 	snop  }
0x4: {  	_ = 	snop  }
0x5: {  	_ = 	snop  }
0x6: {  	_ = 	snop  }
0x7: {  	_ = 	snop  }
__scs_overlays_trampoline_lowered:
0x8: {  	[smem:$0x3FA9] =	sst s0  }
0x9: {  	[smem:$0x3FAA] =	sst s1  }
0xa: {  	[smem:$0x3FAB] =	sst s2  }
0xb: {  	[smem:$0x3FAC] =	sst s3  }
0xc: {  	[smem:$0x3FAD] =	sst s4  }
0xd: {  	[smem:$0x3FAE] =	sst s5  }
0xe: {  	[smem:$0x3FAF] =	sst s6  }
0xf: {  	[smem:$0x3FB0] =	sst s7  }
0x10: {  	[smem:$0x3FB1] =	sst s8  }
0x11: {  	[smem:$0x3FB2] =	sst s9;
	s0 =	simm.s32 @!p0 $0x0  }
0x12: {  	s1 =	sld [smem:$0x3F98];
	s0 =	simm.s32 @p0 $0x1  }
0x13: {  	[smem:$0x3FB3] =	sst s0;
	s0 =	simm.s32 @!p1 $0x0  }
0x14: {  	s2 =	sld [smem:$0x3F97];
	s0 =	simm.s32 @p1 $0x1  }
0x15: {  	[smem:$0x3FB4] =	sst s0;
	s0 =	simm.s32 @!p2 $0x0  }
0x16: {  	s3 =	sld [smem:$0x3FDB];
	s0 =	simm.s32 @p2 $0x1  }
0x17: {  	s4 =	simm.s32 $0x1BF5;
	[smem:$0x3FB6] =	sst s0  }
0x18: {  	s0 =	sld [smem:$0x3F99];
	_ =	swait.ge [sflag:s4], $0x0  }
0x19: {  	s7 =	sld [smem:$0x3F9A]  }
0x1a: {  	s8 =	sadd.s32 $0xFFFFE003, lr  }
0x1b: {  	s9 =	sadd.s32 $0xFFFFFEF7, lr;
	s5 =	simm.s32 $0xFFFFFFFF;
	p2 =	slt.u32 s8, $0xFFFFF086  }
0x1c: {  	p1 =	slt.u32 s9, $0xF7A;
	s5 =	simm.s32 @!p2 $0x0  }
0x1d: {  	s5 =	simm.s32 @p1 $0x1;
	p0 =	seq.s32 s7, s2  }
0x1e: {  	s7 =	smul.u32 @!p0 $0xF7A, s2;
	p2 =	seq.s32 @!p0 s5, $0x0  }
0x1f: {  	s9 =	smul.u32 $0xF7A, s1;
	s8 =	simm.s32 @!p0 $0x1BF5;
	p2 =	por !p2, p0  }
0x20: {  	[sflag:s8] =	ssyncset.s32 @!p0 $0xFFFFF086;
	s6 =	sadd.s32 @!p0 s3, s7;
	s7 =	simm.s32 @!p0 $0x108  }
0x21: {  	s3 =	sadd.s32 s3, s9;
	s6 =	sadd.s32 @!p0 $0x88, s6;
	s7 =	simm.s32 @p2 $0x1082  }
0x22: {  	[simem:s7], [sflag:s8] =	dma.local @!p0 [hbm:s6], $0xF7A  }
0x23: {  	s9 =	sor.u32 $0xD0000000, s2;
	s6 =	simm.s32 $0x108;
	_ =	swait.ge @!p0 [sflag:s8], $0x0  }
0x24: {  	s3 =	sadd.s32 $0x88, s3;
	s6 =	simm.s32 @!p1 $0x1082;
	[sflag:s4] =	ssyncset.s32 $0xFFFFF086  }
0x25: {  	[simem:s6], [sflag:s4] =	dma.local [hbm:s3], $0xF7A  }
0x26: {  	[smem:$0x3F9A] =	sst s1;
	(tag) =	ssettag s2;
	_ =	strace s9  }
0x27: {  	s1 =	sld [smem:$0x3FAA]  }
0x28: {  	s2 =	sld [smem:$0x3FAB]  }
0x29: {  	s4 =	sld [smem:$0x3FAD]  }
0x2a: {  	p0 =	seq.s32 s5, $0x0;
	s5 =	sld [smem:$0x3FAE]  }
0x2b: {  	s6 =	sld [smem:$0x3FAF]  }
0x2c: {  	s7 =	sld [smem:$0x3FB0]  }
0x2d: {  	s3 =	simm.s32 $0x108;
	s8 =	sld [smem:$0x3FB1]  }
0x2e: {  	s3 =	simm.s32 @!p0 $0x1082;
	s9 =	sld [smem:$0x3FB2]  }
0x2f: {  	lr =	sadd.s32 s0, s3;
	s0 =	sld [smem:$0x3FA9]  }
0x30: {  	s3 =	sld [smem:$0x3FAC]  }
0x31: {  	[smem:$0x3FB5] =	sst s10  }
0x32: {  	s10 =	sld [smem:$0x3FB3];
	_ =	sdelay $0x3  }
0x33: {  	p0 =	seq.s32 s10, $0x1;
	s10 =	sld [smem:$0x3FB5];
	_ =	sdelay $0x3  }
0x34: {  	[smem:$0x3FB5] =	sst s10  }
0x35: {  	s10 =	sld [smem:$0x3FB4];
	_ =	sdelay $0x3  }
0x36: {  	p1 =	seq.s32 s10, $0x1;
	s10 =	sld [smem:$0x3FB5];
	_ =	sdelay $0x3  }
0x37: {  	[smem:$0x3FB5] =	sst s10  }
0x38: {  	s10 =	sld [smem:$0x3FB6]  }
0x39: {  	_ = 	snop;
	(pc) =	sbr.ind lr, $3  }
0x3a: {  	_ = 	snop  }
0x3b: {  	_ = 	snop  }
0x3c: {  	p2 =	seq.s32 s10, $0x1;
	s10 =	sld [smem:$0x3FB5]  }
0x3d: {  	_ =	shalt  }
0x3e: {  	_ =	shalt  }
0x3f: {  	_ =	shalt  }
0x40: {  	_ =	shalt  }
0x41: {  	_ =	shalt  }
0x42: {  	_ =	shalt  }
0x43: {  	_ =	shalt  }
0x44: {  	_ =	shalt  }
0x45: {  	_ =	shalt  }
0x46: {  	_ =	shalt  }
0x47: {  	_ =	shalt  }
0x48: {  	_ =	shalt  }
0x49: {  	_ =	shalt  }
0x4a: {  	_ =	shalt  }
0x4b: {  	_ =	shalt  }
0x4c: {  	_ =	shalt  }
0x4d: {  	_ =	shalt  }
0x4e: {  	_ =	shalt  }
0x4f: {  	_ =	shalt  }
0x50: {  	_ =	shalt  }
0x51: {  	_ =	shalt  }
0x52: {  	_ =	shalt  }
0x53: {  	_ =	shalt  }
0x54: {  	_ =	shalt  }
0x55: {  	_ =	shalt  }
0x56: {  	_ =	shalt  }
0x57: {  	_ =	shalt  }
0x58: {  	_ =	shalt  }
0x59: {  	_ =	shalt  }
0x5a: {  	_ =	shalt  }
0x5b: {  	_ =	shalt  }
0x5c: {  	_ =	shalt  }
0x5d: {  	_ =	shalt  }
0x5e: {  	_ =	shalt  }
0x5f: {  	_ =	shalt  }
0x60: {  	_ =	shalt  }
0x61: {  	_ =	shalt  }
0x62: {  	_ =	shalt  }
0x63: {  	_ =	shalt  }
0x64: {  	_ =	shalt  }
0x65: {  	_ =	shalt  }
0x66: {  	_ =	shalt  }
0x67: {  	_ =	shalt  }
0x68: {  	_ =	shalt  }
0x69: {  	_ =	shalt  }
0x6a: {  	_ =	shalt  }
0x6b: {  	_ =	shalt  }
0x6c: {  	_ =	shalt  }
0x6d: {  	_ =	shalt  }
0x6e: {  	_ =	shalt  }
0x6f: {  	_ =	shalt  }
0x70: {  	_ =	shalt  }
0x71: {  	_ =	shalt  }
0x72: {  	_ =	shalt  }
0x73: {  	_ =	shalt  }
0x74: {  	_ =	shalt  }
0x75: {  	_ =	shalt  }
0x76: {  	_ =	shalt  }
0x77: {  	_ =	shalt  }
0x78: {  	_ =	shalt  }
0x79: {  	_ =	shalt  }
0x7a: {  	_ =	shalt  }
0x7b: {  	_ =	shalt  }
0x7c: {  	_ =	shalt  }
0x7d: {  	_ =	shalt  }
0x7e: {  	_ =	shalt  }
0x7f: {  	_ =	shalt  }
0x80: {  	_ =	shalt  }
0x81: {  	_ =	shalt  }
0x82: {  	_ =	shalt  }
0x83: {  	_ =	shalt  }
0x84: {  	_ =	shalt  }
0x85: {  	_ =	shalt  }
0x86: {  	_ =	shalt  }
0x87: {  	_ =	shalt  }
.Lfunc_end0:
.L_simem_size_0:
called_computation.3_lowered:
.L_overlay_start_0:
0x88: {  	s2 =	sld [smem:$0x3FD9]  }
0x89: {  	s3 =	sld [smem:$0x3FFE];
	_ =	sdelay $0x1  }
0x8a: {  	s1 =	srdreg.scid  }
0x8b: {  	s0 =	sand.u32 $0x1, s1  }
0x8c: {  	s16 =	sshll.u32 s0, $0xA;
	s2 =	sadd.s32 s3, s2  }
0x8d: {  	s2 =	sadd.s32 s2, s16  }
0x8e: {  	[smem:$0x3FC1] =	sst s2  }
0x8f: {  	_ = 	snop  }
0x90: {  	(tm) =	ssettm $0x1  }
0x91: {  	s17 =	sld [smem:$0x3FFB];
	_ =	sdelay $0x3  }
0x92: {  	_ =	strace s17  }
0x93: {  	s2 =	sld [smem:$0x3FFC];
	_ =	sdelay $0x3  }
0x94: {  	_ =	strace s2  }
0x95: {  	s2 =	sld [smem:$0x3FFD];
	_ =	sdelay $0x3  }
0x96: {  	_ =	strace s2  }
0x97: {  	_ =	strace $0x8FFFFFFF  }
0x98: {  	s18 =	sld [smem:$0x3FDB];
	_ =	sdelay $0x1  }
0x99: {  	s19 =	simm.s32 $_scs_section_size  }
0x9a: {  	s4 =	simm.s32 $_size__tile_overlayer_lowered;
	s5 =	simm.s32 $_tile_overlayer_lowered  }
0x9b: {  	s22 =	simm.s32 $0x1BFF;
	s21 =	sshll.u32 s5, $0x1;
	s2 =	sadd.s32 s19, s18  }
0x9c: {  	s6 =	simm.s32 $0x0;
	s20 =	sshll.u32 s4, $0x1;
	s4 =	sadd.s32 s21, s2  }
0x9d: {  	[timem:s6], [sflag:s22] =	dma.local [hbm:s4], s20  }
0x9e: {  	_ =	swait.ge [sflag:s22], s20  }
0x9f: {  	s3 =	ssub.s32 $0x0, s20;
	[sflag:s22] =	ssyncset.done $0x0  }
0xa0: {  	[sflag:s22] =	ssyncadd.s32 s3;
	_ =	sdelay $0x1  }
0xa1: {  	s23 =	simm.s32 $0x1B8B  }
0xa2: {  	_ =	swait.ge [sflag:s23], $0x1  }
0xa3: {  	[sflag:s23] =	ssyncset.done $0x0  }
0xa4: {  	s25 =	simm.s32 $0x1B8E;
	s24 =	sld [smem:$0x3FFE];
	[sflag:s23] =	ssyncadd.s32 $0xFFFFFFFF  }
0xa5: {  	s26 =	simm.s32 $execute0_lowered;
	[smem:$0x3FD2] =	sst s25  }
0xa6: {  	s4 =	sshll.u32 s26, $0x1;
	_ =	strace $0x8000004F;
	[dreg:$0x1] =	wrdreg $0xFFFFFFFF  }
0xa7: {  	s28 =	simm.s32 $_size_execute0_lowered;
	s2 =	sadd.s32 s2, s4;
	[dreg:$0x0] =	wrdreg $0x0  }
0xa8: {  	s4 =	sshll.u32 s28, $0x1;
	[dreg:$0x2] =	wrdreg s2  }
0xa9: {  	[dreg:$0x3] =	wrdreg s4  }
0xaa: {  	[dreg:$0x4] =	wrdreg $0xC0  }
0xab: {  	_ =	task [dreg:s6], $0x5FFFF  }
0xac: {  	[dreg:$0x1] =	wrdreg $0xFFFFFFFF  }
0xad: {  	[dreg:$0x0] =	wrdreg $0x60  }
0xae: {  	[dreg:$0x2] =	wrdreg s24  }
0xaf: {  	[dreg:$0x3] =	wrdreg $0xA8000  }
0xb0: {  	[dreg:$0x4] =	wrdreg $0x9  }
0xb1: {  	_ =	task.clear_ibuf [dreg:s6], $0x5FFFF;
	_ =	strace $0x9000004F  }
0xb2: {  	s29 =	simm.s32 $0x9;
	_ =	strace $0x80000051  }
0xb3: {  	_ =	swait.ge [sflag:s29], $0x1  }
0xb4: {  	[sflag:s29] =	ssyncadd.s32 $0xFFFFFFFF  }
0xb5: {  	_ =	strace $0x90000051  }
0xb6: {  	_ =	sfence  }
0xb7: {  	s30 =	sld [smem:$0x0];
	_ =	sdelay $0x2  }
0xb8: {  	s31 =	sshll.u32 s1, $0xD;
	s1 =	sshrl.u32 s1, $0x2  }
0xb9: {  	s3 =	sand.u32 $0x4000, s31;
	s1 =	sadd.s32 s1, s30  }
0xba: {  	s0 =	sor.u32 s3, s0;
	s1 =	sshll.u32 s1, $0x11  }
0xbb: {  	s0 =	sor.u32 s1, s0  }
0xbc: {  	s0 =	sadd.s32 $0x8F2B, s0  }
0xbd: {  	[sflag:s0] =	ssyncadd.remote.s32 $0x1  }
0xbe: {  	_ =	sfence.sel $0xFFFF  }
0xbf: {  	[dreg:$0x0] =	wrdreg $0xFFFFFFFF;
	(pc) =	sbr.abs _section_cstart, $3  }
0xc0: {  	[dreg:$0x1] =	wrdreg $0xFFFFFFFF  }
0xc1: {  	_ =	task.clear_ibuf [dreg:s6], $0x2FFFF;
	_ =	strace $0x9FFFFFFF  }
0xc2: {  	(tm) =	ssettm $0x7FFFFFFF  }
0xc3: {  	_ =	shalt  }
tec
execute0_lowered:
.L_overlay_start_1:
0x0: {  	(tag) =	ssettag $0x1  }
0x1: {  	s6 =	rddreg [dreg:$0x0]  }
0x2: {  	s1 =	rddreg [dreg:$0x1];
	s2 =	srdreg.scid  }
0x3: {  	s0 =	rddreg [dreg:$0x2];
	s3 =	simm.s32 $0x0;
	s16 =	simm.s32 $0x80  }
0x4: {  	s17 =	simm.s32 $0x2800;
	s18 =	simm.s32 $0x6800;
	s19 =	simm.s32 $0x1  }
0x5: {  	s20 =	simm.s32 $0x2;
	s21 =	simm.s32 $0x2700;
	s22 =	simm.s32 $0x2780  }
0x6: {  	s23 =	simm.s32 $0x2600;
	s24 =	simm.s32 $0x1300;
	s25 =	simm.s32 $0x2680  }
0x7: {  	s26 =	simm.s32 $0x0;
	s7 =	sand.u32 $0x1, s2;
	s2 =	stileid.u32  }
0x8: {  	[smem:$0x7FF] =	sst s3;
	s4 =	sadd.s32 $0x2B800, s6;
	s5 =	smul.u32 $0x13C000, s7  }
0x9: {  	s9 =	sadd.s32 $0x21800, s6;
	s10 =	sadd.s32 $0x17800, s6;
	s8 =	smul.u32 $0x13C00, s2  }
0xa: {  	_ =	strace $0x80000050;
	s11 =	sshll.u32 s7, $0x4;
	s7 =	ssub.s32 $0x2, s7  }
0xb: {  	s12 =	smul.u32 $0x4F000, s2;
	s31 =	sshll.u32 s2, $0x6;
	s11 =	sor.u32 s2, s11  }
0xc: {  	s28 =	sshrl.u32 s7, $0x1;
	s8 =	sadd.s32 s8, s5;
	s5 =	sadd.s32 $0x3600, s6  }
0xd: {  	s29 =	smul.u32 $0x2800, s11;
	s14 =	ssub.s32 s7, s28;
	s30 =	sshrl.u32 s12, $0x2  }
0xe: {  	s8 =	sshrl.u32 s8, $0x3;
	s15 =	sadd.s32 s30, s1;
	s12 =	smax.u32 s14, $0x1  }
0xf: {  	s14 =	simm.s32 $0x3;
	s13 =	sadd.s32 s8, s6;
	s11 =	sshrl.u32 s29, $0x3  }
0x10: {  	s7 =	sadd.s32 s9, s11;
	s8 =	sadd.s32 s10, s11;
	s11 =	sadd.s32 $0x280, s11  }
0x11: {  	s6 =	sor.u32 $0x1C03, s31;
	s9 =	sadd.s32 s9, s11;
	s10 =	sadd.s32 s10, s11  }
0x12: {  	s11 =	sadd.s32 $0x53000, s13;
	s13 =	sshrl.u32 s15, $0x3;
	s15 =	simm.s32 $0x1400  }
.LBB2_1:
0x13: {  	[spmem:s13], [sflag:s6] =	dma.local [hbm:s5], $0x2780  }
0x14: {  	_ =	swait.ge [sflag:s14], $0x2780  }
0x15: {  	[sflag:s14] =	ssyncset.done $0x0  }
0x16: {  	[sflag:s14] =	ssyncadd.s32 $0xFFFFD880  }
0x17: {  	[bflag:$0x0] =	sbarrier.arrive $0xFFFF  }
0x18: {  	[tilespmem:s3], [sflag:$0x3] =	stream.linear.gather [hbm4b:s7+s3], $0x1400, $0x38;
	[tilespmem:$0x1E400] =	vst v63  }
0x19: {  	_ =	swait.ge [sflag:s14], $0x1400  }
0x1a: {  	[sflag:s14] =	ssyncset.done $0x0  }
0x1b: {  	[sflag:s14] =	ssyncadd.s32 $0xFFFFEC00  }
0x1c: {  	[tilespmem:s15], [sflag:$0x3] =	stream.linear.gather [hbm4b:s8+s3], $0x1400, $0x38;
	[tilespmem:$0x1E400] =	vst v63  }
0x1d: {  	_ =	swait.ge [sflag:s14], $0x1400  }
0x1e: {  	[sflag:s14] =	ssyncset.done $0x0  }
0x1f: {  	[sflag:s14] =	ssyncadd.s32 $0xFFFFEC00  }
0x20: {  	[tilespmem:s17], [sflag:$0x1] =	stream.indirect.gather [hbm4b:s4+s16], $0x80, s3, s16, $0xb8;
	[tilespmem:$0x1E400] =	vst v63  }
0x21: {  	_ = 	snop  }
0x22: {  	[tilespmem:s18], [sflag:$0x2] =	stream.indirect.gather [hbm4b:s4+s16], $0x80, s16, s16, $0xb8;
	[tilespmem:$0x1E400] =	vst v63  }
0x23: {  	_ =	swait.ge [sflag:s19], $0x4000  }
0x24: {  	[sflag:s19] =	ssyncset.done $0x0  }
0x25: {  	s28 =	simm.s32 $0x1400;
	[sflag:s19] =	ssyncadd.s32 $0xFFFFC000  }
0x26: {  	[spmem:s1] =	stream.indirect.scatter.add.f32 [tilespmem:s17], [sflag:$0x3], $0x80, s28, s16, $0xb8;
	[tilespmem:$0x1E400] =	vst v63  }
0x27: {  	_ =	swait.ge [sflag:s14], $0x4000  }
0x28: {  	[sflag:s14] =	ssyncset.done $0x0  }
0x29: {  	s28 =	simm.s32 $0x100;
	[sflag:s14] =	ssyncadd.s32 $0xFFFFC000  }
0x2a: {  	[tilespmem:s17], [sflag:$0x1] =	stream.indirect.gather [hbm4b:s4+s16], $0x80, s28, s16, $0xb8;
	[tilespmem:$0x1E400] =	vst v63  }
0x2b: {  	_ =	swait.ge [sflag:s20], $0x4000  }
0x2c: {  	[sflag:s20] =	ssyncset.done $0x0  }
0x2d: {  	s28 =	simm.s32 $0x1480;
	[sflag:s20] =	ssyncadd.s32 $0xFFFFC000  }
0x2e: {  	[spmem:s1] =	stream.indirect.scatter.add.f32 [tilespmem:s18], [sflag:$0x3], $0x80, s28, s16, $0xb8;
	[tilespmem:$0x1E400] =	vst v63  }
0x2f: {  	_ =	swait.ge [sflag:s14], $0x4000  }
0x30: {  	[sflag:s14] =	ssyncset.done $0x0  }
0x31: {  	s29 =	simm.s32 $0x180;
	s28 =	simm.s32 $0x400;
	[sflag:s14] =	ssyncadd.s32 $0xFFFFC000  }
.LBB2_2:
0x32: {  	[tilespmem:s18], [sflag:$0x2] =	stream.indirect.gather [hbm4b:s4+s16], $0x80, s29, s16, $0xb8;
	[tilespmem:$0x1E400] =	vst v63  }
0x33: {  	s29 =	smov.u32 s28  }
0x34: {  	p0 =	sne.s32 s28, $0x4800;
	s28 =	sadd.s32 $0x400, s28;
	_ =	swait.ge [sflag:s19], $0x4000  }
0x35: {  	s29 =	sshra.s32 s29, $0x2;
	[sflag:s19] =	ssyncset.done $0x0  }
0x36: {  	s30 =	sadd.s32 $0x1400, s29;
	[sflag:s19] =	ssyncadd.s32 $0xFFFFC000  }
0x37: {  	[spmem:s1] =	stream.indirect.scatter.add.f32 [tilespmem:s17], [sflag:$0x3], $0x80, s30, s16, $0xb8;
	[tilespmem:$0x1E400] =	vst v63  }
0x38: {  	_ =	swait.ge [sflag:s14], $0x4000  }
0x39: {  	[sflag:s14] =	ssyncset.done $0x0  }
0x3a: {  	s30 =	sadd.s32 $0x100, s29;
	[sflag:s14] =	ssyncadd.s32 $0xFFFFC000  }
0x3b: {  	[tilespmem:s17], [sflag:$0x1] =	stream.indirect.gather [hbm4b:s4+s16], $0x80, s30, s16, $0xb8;
	[tilespmem:$0x1E400] =	vst v63  }
0x3c: {  	_ =	swait.ge [sflag:s20], $0x4000  }
0x3d: {  	[sflag:s20] =	ssyncset.done $0x0  }
.Ltmp0:
0x3e: {  	s30 =	sadd.s32 $0x1480, s29;
	[sflag:s20] =	ssyncadd.s32 $0xFFFFC000;
	(pc) =	sbr.rel @p0 .LBB2_2-.Ltmp0, $4  }
0x3f: {  	[spmem:s1] =	stream.indirect.scatter.add.f32 [tilespmem:s18], [sflag:$0x3], $0x80, s30, s16, $0xb8;
	[tilespmem:$0x1E400] =	vst v63  }
0x40: {  	_ =	swait.ge [sflag:s14], $0x4000  }
0x41: {  	[sflag:s14] =	ssyncset.done $0x0  }
0x42: {  	s29 =	sadd.s32 $0x180, s29;
	[sflag:s14] =	ssyncadd.s32 $0xFFFFC000  }
0x43: {  	[tilespmem:s18], [sflag:$0x2] =	stream.indirect.gather [hbm4b:s4+s16], $0x80, s29, s16, $0xb8;
	[tilespmem:$0x1E400] =	vst v63  }
0x44: {  	_ =	swait.ge [sflag:s19], $0x4000  }
0x45: {  	[sflag:s19] =	ssyncset.done $0x0  }
0x46: {  	[sflag:s19] =	ssyncadd.s32 $0xFFFFC000  }
0x47: {  	[spmem:s1] =	stream.indirect.scatter.add.f32 [tilespmem:s17], [sflag:$0x3], $0x80, s21, s16, $0xb8;
	[tilespmem:$0x1E400] =	vst v63  }
0x48: {  	_ =	swait.ge [sflag:s14], $0x4000  }
0x49: {  	[sflag:s14] =	ssyncset.done $0x0  }
0x4a: {  	[sflag:s14] =	ssyncadd.s32 $0xFFFFC000  }
0x4b: {  	_ =	swait.ge [sflag:s20], $0x4000  }
0x4c: {  	[sflag:s20] =	ssyncset.done $0x0  }
0x4d: {  	[sflag:s20] =	ssyncadd.s32 $0xFFFFC000  }
0x4e: {  	[spmem:s1] =	stream.indirect.scatter.add.f32 [tilespmem:s18], [sflag:$0x3], $0x80, s22, s16, $0xb8;
	[tilespmem:$0x1E400] =	vst v63  }
0x4f: {  	_ =	swait.ge [sflag:s14], $0x4000  }
0x50: {  	[sflag:s14] =	ssyncset.done $0x0  }
0x51: {  	s28 =	simm.s32 $0x0;
	[sflag:s14] =	ssyncadd.s32 $0xFFFFC000  }
0x52: {  	[tilespmem:s28], [sflag:$0x3] =	stream.linear.gather [hbm4b:s9+s28], $0x1380, $0x38;
	[tilespmem:$0x1E400] =	vst v63  }
0x53: {  	_ =	swait.ge [sflag:s14], $0x1380  }
0x54: {  	[sflag:s14] =	ssyncset.done $0x0  }
0x55: {  	[sflag:s14] =	ssyncadd.s32 $0xFFFFEC80  }
0x56: {  	[tilespmem:s15], [sflag:$0x3] =	stream.linear.gather [hbm4b:s10+s28], $0x1380, $0x38;
	[tilespmem:$0x1E400] =	vst v63  }
0x57: {  	_ =	swait.ge [sflag:s14], $0x1380  }
0x58: {  	[sflag:s14] =	ssyncset.done $0x0  }
0x59: {  	[sflag:s14] =	ssyncadd.s32 $0xFFFFEC80  }
0x5a: {  	[tilespmem:s17], [sflag:$0x1] =	stream.indirect.gather [hbm4b:s4+s16], $0x80, s28, s16, $0xb8;
	[tilespmem:$0x1E400] =	vst v63  }
0x5b: {  	_ = 	snop  }
0x5c: {  	[tilespmem:s18], [sflag:$0x2] =	stream.indirect.gather [hbm4b:s4+s16], $0x80, s16, s16, $0xb8;
	[tilespmem:$0x1E400] =	vst v63  }
0x5d: {  	_ =	swait.ge [sflag:s19], $0x4000  }
0x5e: {  	[sflag:s19] =	ssyncset.done $0x0  }
0x5f: {  	s28 =	simm.s32 $0x1400;
	[sflag:s19] =	ssyncadd.s32 $0xFFFFC000  }
0x60: {  	[spmem:s1] =	stream.indirect.scatter.add.f32 [tilespmem:s17], [sflag:$0x3], $0x80, s28, s16, $0xb8;
	[tilespmem:$0x1E400] =	vst v63  }
0x61: {  	_ =	swait.ge [sflag:s14], $0x4000  }
0x62: {  	[sflag:s14] =	ssyncset.done $0x0  }
0x63: {  	s28 =	simm.s32 $0x100;
	[sflag:s14] =	ssyncadd.s32 $0xFFFFC000  }
0x64: {  	[tilespmem:s17], [sflag:$0x1] =	stream.indirect.gather [hbm4b:s4+s16], $0x80, s28, s16, $0xb8;
	[tilespmem:$0x1E400] =	vst v63  }
0x65: {  	_ =	swait.ge [sflag:s20], $0x4000  }
0x66: {  	[sflag:s20] =	ssyncset.done $0x0  }
0x67: {  	s28 =	simm.s32 $0x1480;
	[sflag:s20] =	ssyncadd.s32 $0xFFFFC000  }
0x68: {  	[spmem:s1] =	stream.indirect.scatter.add.f32 [tilespmem:s18], [sflag:$0x3], $0x80, s28, s16, $0xb8;
	[tilespmem:$0x1E400] =	vst v63  }
0x69: {  	_ =	swait.ge [sflag:s14], $0x4000  }
0x6a: {  	[sflag:s14] =	ssyncset.done $0x0  }
0x6b: {  	s29 =	simm.s32 $0x180;
	s28 =	simm.s32 $0x400;
	[sflag:s14] =	ssyncadd.s32 $0xFFFFC000  }
.LBB2_4:
0x6c: {  	[tilespmem:s18], [sflag:$0x2] =	stream.indirect.gather [hbm4b:s4+s16], $0x80, s29, s16, $0xb8;
	[tilespmem:$0x1E400] =	vst v63  }
0x6d: {  	s29 =	smov.u32 s28  }
0x6e: {  	p0 =	sne.s32 s28, $0x4400;
	s28 =	sadd.s32 $0x400, s28;
	_ =	swait.ge [sflag:s19], $0x4000  }
0x6f: {  	s29 =	sshra.s32 s29, $0x2;
	[sflag:s19] =	ssyncset.done $0x0  }
0x70: {  	s30 =	sadd.s32 $0x1400, s29;
	[sflag:s19] =	ssyncadd.s32 $0xFFFFC000  }
0x71: {  	[spmem:s1] =	stream.indirect.scatter.add.f32 [tilespmem:s17], [sflag:$0x3], $0x80, s30, s16, $0xb8;
	[tilespmem:$0x1E400] =	vst v63  }
0x72: {  	_ =	swait.ge [sflag:s14], $0x4000  }
0x73: {  	[sflag:s14] =	ssyncset.done $0x0  }
0x74: {  	s30 =	sadd.s32 $0x100, s29;
	[sflag:s14] =	ssyncadd.s32 $0xFFFFC000  }
0x75: {  	[tilespmem:s17], [sflag:$0x1] =	stream.indirect.gather [hbm4b:s4+s16], $0x80, s30, s16, $0xb8;
	[tilespmem:$0x1E400] =	vst v63  }
0x76: {  	_ =	swait.ge [sflag:s20], $0x4000  }
0x77: {  	[sflag:s20] =	ssyncset.done $0x0  }
.Ltmp1:
0x78: {  	s30 =	sadd.s32 $0x1480, s29;
	[sflag:s20] =	ssyncadd.s32 $0xFFFFC000;
	(pc) =	sbr.rel @p0 .LBB2_4-.Ltmp1, $4  }
0x79: {  	[spmem:s1] =	stream.indirect.scatter.add.f32 [tilespmem:s18], [sflag:$0x3], $0x80, s30, s16, $0xb8;
	[tilespmem:$0x1E400] =	vst v63  }
0x7a: {  	_ =	swait.ge [sflag:s14], $0x4000  }
0x7b: {  	[sflag:s14] =	ssyncset.done $0x0  }
0x7c: {  	s29 =	sadd.s32 $0x180, s29;
	[sflag:s14] =	ssyncadd.s32 $0xFFFFC000  }
0x7d: {  	[tilespmem:s18], [sflag:$0x2] =	stream.indirect.gather [hbm4b:s4+s16], $0x80, s29, s16, $0xb8;
	[tilespmem:$0x1E400] =	vst v63  }
0x7e: {  	_ =	swait.ge [sflag:s19], $0x4000  }
0x7f: {  	[sflag:s19] =	ssyncset.done $0x0  }
0x80: {  	[sflag:s19] =	ssyncadd.s32 $0xFFFFC000  }
0x81: {  	[spmem:s1] =	stream.indirect.scatter.add.f32 [tilespmem:s17], [sflag:$0x3], $0x80, s23, s16, $0xb8;
	[tilespmem:$0x1E400] =	vst v63  }
0x82: {  	_ =	swait.ge [sflag:s14], $0x4000  }
0x83: {  	[sflag:s14] =	ssyncset.done $0x0  }
0x84: {  	[sflag:s14] =	ssyncadd.s32 $0xFFFFC000  }
0x85: {  	[tilespmem:s17], [sflag:$0x1] =	stream.indirect.gather [hbm4b:s4+s16], $0x80, s24, s16, $0xb8;
	[tilespmem:$0x1E400] =	vst v63  }
0x86: {  	_ =	swait.ge [sflag:s20], $0x4000  }
0x87: {  	[sflag:s20] =	ssyncset.done $0x0  }
0x88: {  	[sflag:s20] =	ssyncadd.s32 $0xFFFFC000  }
0x89: {  	[spmem:s1] =	stream.indirect.scatter.add.f32 [tilespmem:s18], [sflag:$0x3], $0x80, s25, s16, $0xb8;
	[tilespmem:$0x1E400] =	vst v63  }
0x8a: {  	_ =	swait.ge [sflag:s14], $0x4000  }
0x8b: {  	[sflag:s14] =	ssyncset.done $0x0  }
0x8c: {  	[sflag:s14] =	ssyncadd.s32 $0xFFFFC000  }
0x8d: {  	_ =	swait.ge [sflag:s19], $0x4000  }
0x8e: {  	[sflag:s19] =	ssyncset.done $0x0  }
0x8f: {  	[sflag:s19] =	ssyncadd.s32 $0xFFFFC000  }
0x90: {  	[spmem:s1] =	stream.indirect.scatter.add.f32 [tilespmem:s17], [sflag:$0x3], $0x80, s21, s16, $0xb8;
	[tilespmem:$0x1E400] =	vst v63  }
0x91: {  	_ =	swait.ge [sflag:s14], $0x4000  }
0x92: {  	s26 =	sadd.s32 $0x1, s26;
	[sflag:s14] =	ssyncset.done $0x0  }
0x93: {  	p0 =	sne.s32 s26, s12;
	[sflag:s14] =	ssyncadd.s32 $0xFFFFC000  }
.Ltmp2:
0x94: {  	[bflag:$0x0] =	sbarrier.arrive $0xFFFF;
	(pc) =	sbr.rel @p0 .LBB2_1-.Ltmp2, $4  }
0x95: {  	[hbm:s11], [sflag:s6] =	dma.local [spmem:s13], $0x2780  }
0x96: {  	_ =	swait.ge [sflag:s14], $0x2780  }
0x97: {  	[sflag:s14] =	ssyncset.done $0x0  }
0x98: {  	[sflag:s14] =	ssyncadd.s32 $0xFFFFD880  }
0x99: {  	_ =	sfence.sel $0x180000  }
0x9a: {  	[bflag:$0x0] =	sbarrier.arrive $0xFFFF  }
0x9b: {  	p0 =	sne.s32 s2, $0x0;
	_ =	strace $0x90000050  }
0x9c: {  	s0 =	sadd.s32 @!p0 $0x100000, s0;
	[bflag:$0x2] =	sbarrier.arrive $0xFFFF  }
0x9d: {  	[sflag:s0] =	ssyncadd.tile.s32 @!p0 $0x1;
	_ =	shalt  }
.Lfunc_end2:
_tile_overlayer_lowered:
.L_overlay_start_2:
0x9e: {  	(tag) =	ssettag $0x2  }
0x9f: {  	s0 =	rddreg [dreg:$0x0];
	s2 =	stileid.u32  }
0xa0: {  	s1 =	rddreg [dreg:$0x1];
	p0 =	sne.s32 s2, $0x0  }
0xa1: {  	s3 =	rddreg [dreg:$0x2];
	[bflag:$0x3] =	sbarrier.arrive $0xFFFF;
	s2 =	simm.s32 @!p0 $0x1C03  }
0xa2: {  	[timem:s3], [sflag:s2] =	dma.local @!p0 [hbm:s0], s1  }
0xa3: {  	s0 =	simm.s32 @!p0 $0x3  }
0xa4: {  	_ =	swait.ge @!p0 [sflag:s0], s1  }
0xa5: {  	s1 =	ssub.s32 @!p0 $0x0, s1;
	[sflag:s0] =	ssyncset.done @!p0 $0x0  }
0xa6: {  	[sflag:s0] =	ssyncadd.s32 @!p0 s1  }
0xa7: {  	[bflag:$0x3] =	sbarrier.arrive $0xFFFF  }
0xa8: {  	_ =	shalt  }

</sc_bundles>
